<compile_context>
chip_gen: v7x
topology: tpu7x:2x2x1
jax: 0.10.2.dev20260603
libtpu: 0.0.44.dev20260713+nightly
codegen_flags: <defaults>
</compile_context>

<pallas_src>
import jax
import jax.numpy as jnp
from jax import lax
from jax.experimental import pallas as pl
from jax.experimental.pallas import tpu as pltpu
from jax.experimental.pallas import tpu_sc as plsc

E = 4
V = 1_000_000
D = 16
NW = 32
B = 16384
F = 26
N = B * F
WPE = NW // E
PER_W = N // WPE
BPW = B // WPE
CB = 64
G = CB * F
NCH = BPW // CB


def _sc_body(idx_hbm, emb_hbm, out_hbm, idx_v, buf0, buf1, sg0, sg1, so0, so1):
    wid = lax.axis_index("s") * 2 + lax.axis_index("c")
    e = wid // WPE
    slot = wid % WPE
    base = slot * PER_W
    b0 = slot * BPW
    pltpu.sync_copy(idx_hbm.at[pl.ds(base, PER_W)], idx_v)

    bufs = (buf0, buf1)
    g_sems = (sg0, sg1)
    o_sems = (so0, so1)

    def gather(k):
        pltpu.async_copy(
            emb_hbm.at[e].at[idx_v.at[pl.ds(k * G, G)]],
            bufs[k % 2],
            g_sems[k % 2],
        )

    def drain_out(k):
        pltpu.make_async_copy(
            emb_hbm.at[e].at[pl.ds(0, G)], bufs[k % 2], o_sems[k % 2]
        ).wait()

    def emit_out(k):
        buf, sem = bufs[k % 2], o_sems[k % 2]
        bb = b0 + k * CB

        def body(j, _):
            pltpu.async_copy(
                buf.at[pl.ds(j * F, F)], out_hbm.at[e, bb + j], sem
            )
            return 0

        lax.fori_loop(0, CB, body, 0)

    gather(0)
    for k in range(NCH):
        if k + 1 < NCH:
            if k >= 1:
                drain_out(k - 1)
            gather(k + 1)
        pltpu.make_async_copy(
            emb_hbm.at[e].at[idx_v.at[pl.ds(k * G, G)]],
            bufs[k % 2],
            g_sems[k % 2],
        ).wait()
        emit_out(k)
    drain_out(NCH - 2)
    drain_out(NCH - 1)


def _lookup(idx_flat, embedding):
    mesh = plsc.VectorSubcoreMesh(core_axis_name="c", subcore_axis_name="s")
    return pl.kernel(
        _sc_body,
        out_type=jax.ShapeDtypeStruct((E, B, F, D), jnp.float32),
        mesh=mesh,
        scratch_types=[
            pltpu.VMEM((PER_W,), jnp.int32),
            pltpu.VMEM((G, D), jnp.float32),
            pltpu.VMEM((G, D), jnp.float32),
            pltpu.SemaphoreType.DMA,
            pltpu.SemaphoreType.DMA,
            pltpu.SemaphoreType.DMA,
            pltpu.SemaphoreType.DMA,
        ],
        compiler_params=pltpu.CompilerParams(use_tc_tiling_on_sc=False),
    )(idx_flat, embedding)


def kernel(indices, embedding):
    return _lookup(indices.reshape(-1), embedding)

# --- scband reference (transcript-rebuilt; emitter-appended) ---
"""Pipeline reference for scband-embedding-83605833384010 (READ-ONLY COPY).

The authoritative reference and input builder live on the scoring server;
editing this copy changes nothing except your own understanding.
"""

import jax, jax.numpy as jnp
import numpy as np

ENSEMBLE_SHAPE = (4,)
VOCAB = 1000000
EMBED_DIM = 16
BATCH = 16384
FIELDS = 26


def setup_inputs(seed: int = 0) -> dict:
    key = jax.random.key(seed)
    k_idx, k_emb = jax.random.split(key)
    indices = jax.random.randint(k_idx, (BATCH, FIELDS), 0, VOCAB, dtype=jnp.int32)
    embedding = jax.random.normal(k_emb, ENSEMBLE_SHAPE + (VOCAB, EMBED_DIM), dtype=jnp.float32)
    return {"indices": indices, "embedding": embedding}


def reference(indices, embedding):
    # Faithful translation of the ensembled Embedding.forward
    ensemble_shape = embedding.shape[:-2]
    embedding_dim = embedding.shape[-1]
    n_ens = len(ensemble_shape)
    # to_ensembled: broadcast indices to ensemble_shape + batch_shape if needed
    if indices.shape[:n_ens] != ensemble_shape:
        indices = jnp.broadcast_to(indices, ensemble_shape + indices.shape)
    indices_shape = indices.shape
    # flatten batch dims after the ensemble dims
    idx_flat = indices.reshape(ensemble_shape + (-1,))
    # gather along the vocabulary axis (-2), broadcasting over embedding_dim
    gathered = jnp.take_along_axis(embedding, idx_flat[..., None], axis=-2)
    out = gathered.reshape(indices_shape + (embedding_dim,))
    return out

if __name__ == "__main__":
    import jax
    _d = setup_inputs()
    print(jax.jit(kernel)(*tuple(_d.values())))

</pallas_src>

<mosaic_0001>
#map = affine_map<(d0, d1) -> (0)>
#map1 = affine_map<(d0, d1) -> (0, 0, 0)>
#map2 = affine_map<(d0, d1) -> (0, 0, 0, 0)>
module attributes {stable_mosaic.version = 14 : i64} {
  func.func @_sc_body(%arg0: i32, %arg1: i32, %arg2: memref<425984xi32, #tpu.memory_space<hbm>>, %arg3: memref<4x1000000x16xf32, #tpu.memory_space<hbm>>, %arg4: memref<4x16384x26x16xf32, #tpu.memory_space<hbm>>, %arg5: memref<53248xi32, #tpu.memory_space<vmem>>, %arg6: memref<1664x16xf32, #tpu.memory_space<vmem>>, %arg7: memref<1664x16xf32, #tpu.memory_space<vmem>>, %arg8: memref<!tpu.dma_semaphore, #tpu.memory_space<semaphore_mem>>, %arg9: memref<!tpu.dma_semaphore, #tpu.memory_space<semaphore_mem>>, %arg10: memref<!tpu.dma_semaphore, #tpu.memory_space<semaphore_mem>>, %arg11: memref<!tpu.dma_semaphore, #tpu.memory_space<semaphore_mem>>) attributes {dimension_semantics = [#tpu.dimension_semantics<core_parallel>, #tpu.dimension_semantics<subcore_parallel>], iteration_bounds = array<i64: 2, 16>, scalar_prefetch = 0 : i64, scratch_operands = 7 : i64, tpu.core_type = #tpu.core_type<sc_vector_subcore>, window_params = [{transform_indices = #map}, {transform_indices = #map1}, {transform_indices = #map2}]} {
    %mul3A = arith.constant 2 : i32
    %mul3A_0 = arith.muli %arg1, %mul3A : i32
    %add3A = arith.addi %mul3A_0, %arg0 : i32
    %jit3A = arith.constant 8 : i32
    %div3A = arith.divsi %add3A, %jit3A : i32
    %sign3A = arith.constant 0 : i32
    %sign3A_1 = arith.cmpi sgt, %add3A, %sign3A : i32
    %sign3A_2 = arith.extui %sign3A_1 : i1 to i32
    %sign3A_3 = arith.constant 0 : i32
    %sign3A_4 = arith.cmpi slt, %add3A, %sign3A_3 : i32
    %sign3A_5 = arith.extui %sign3A_4 : i1 to i32
    %sign3A_6 = arith.subi %sign3A_2, %sign3A_5 : i32
    %sign3A_7 = arith.constant 0 : i32
    %sign3A_8 = arith.cmpi sgt, %jit3A, %sign3A_7 : i32
    %sign3A_9 = arith.extui %sign3A_8 : i1 to i32
    %sign3A_10 = arith.constant 0 : i32
    %sign3A_11 = arith.cmpi slt, %jit3A, %sign3A_10 : i32
    %sign3A_12 = arith.extui %sign3A_11 : i1 to i32
    %sign3A_13 = arith.subi %sign3A_9, %sign3A_12 : i32
    %ne3A = arith.cmpi ne, %sign3A_6, %sign3A_13 : i32
    %rem3A = arith.remsi %add3A, %jit3A : i32
    %ne3A_14 = arith.constant 0 : i32
    %ne3A_15 = arith.cmpi ne, %rem3A, %ne3A_14 : i32
    %and3A = arith.andi %ne3A, %ne3A_15 : i1
    %sub3A = arith.constant 1 : i32
    %sub3A_16 = arith.subi %div3A, %sub3A : i32
    %select_n3A = arith.select %and3A, %sub3A_16, %div3A : i32
    %jit3A_17 = arith.constant 8 : i32
    %eq3A = arith.constant 0 : i32
    %eq3A_18 = arith.cmpi eq, %jit3A_17, %eq3A : i32
    %jit3A_19 = arith.constant 1 : i32
    %select_n3A_20 = arith.select %eq3A_18, %jit3A_19, %jit3A_17 : i32
    %rem3A_21 = arith.remsi %add3A, %select_n3A_20 : i32
    %ne3A_22 = arith.constant 0 : i32
    %ne3A_23 = arith.cmpi ne, %rem3A_21, %ne3A_22 : i32
    %lt3A = arith.constant 0 : i32
    %lt3A_24 = arith.cmpi slt, %rem3A_21, %lt3A : i32
    %lt3A_25 = arith.constant 0 : i32
    %lt3A_26 = arith.cmpi slt, %select_n3A_20, %lt3A_25 : i32
    %ne3A_27 = arith.xori %lt3A_24, %lt3A_26 : i1
    %and3A_28 = arith.andi %ne3A_27, %ne3A_23 : i1
    %add3A_29 = arith.addi %rem3A_21, %select_n3A_20 : i32
    %select_n3A_30 = arith.select %and3A_28, %add3A_29, %rem3A_21 : i32
    %mul3A_31 = arith.constant 53248 : i32
    %mul3A_32 = arith.muli %select_n3A_30, %mul3A_31 : i32
    %mul3A_33 = arith.constant 2048 : i32
    %mul3A_34 = arith.muli %select_n3A_30, %mul3A_33 : i32
    "tpu.region"() ({
      %run_scoped3A = tpu.sem_alloc : memref<!tpu.dma_semaphore, #tpu.memory_space<semaphore_mem>>
      %dma_start3A_1344 = tpu.memref_slice %arg2[%mul3A_32] : memref<425984xi32, #tpu.memory_space<hbm>> -> memref<53248xi32, #tpu.memory_space<hbm>>
      %dma_start3A_1345 = tpu.memref_slice %arg2[%mul3A_32] : memref<425984xi32, #tpu.memory_space<hbm>> -> memref<53248xi32, #tpu.memory_space<hbm>>
      tpu.enqueue_dma source(%dma_start3A_1345 : memref<53248xi32, #tpu.memory_space<hbm>>) target(%arg5 : memref<53248xi32, #tpu.memory_space<vmem>>) target_semaphore(%run_scoped3A : memref<!tpu.dma_semaphore, #tpu.memory_space<semaphore_mem>>)
      %dma_wait3A_1346 = tpu.memref_slice %arg2[%mul3A_32] : memref<425984xi32, #tpu.memory_space<hbm>> -> memref<53248xi32, #tpu.memory_space<hbm>>
      %dma_wait3A_1347 = tpu.memref_slice %arg2[%mul3A_32] : memref<425984xi32, #tpu.memory_space<hbm>> -> memref<53248xi32, #tpu.memory_space<hbm>>
      tpu.wait_dma2 semaphore(%run_scoped3A : memref<!tpu.dma_semaphore, #tpu.memory_space<semaphore_mem>>) src(%dma_wait3A_1347 : memref<53248xi32, #tpu.memory_space<hbm>>) dst(%arg5 : memref<53248xi32, #tpu.memory_space<vmem>>)
      tpu.yield
    }) : () -> ()
    %dma_start3A = arith.constant 0 : i32
    %dma_start3A_35 = tpu.memref_slice %arg5[%dma_start3A] : memref<53248xi32, #tpu.memory_space<vmem>> -> memref<1664xi32, #tpu.memory_space<vmem>>
    %dma_start3A_36 = arith.constant 0 : i32
    %dma_start3A_37 = arith.constant 0 : i32
    %dma_start3A_38 = tpu.memref_slice %arg3[%select_n3A, %dma_start3A_36, %dma_start3A_37] : memref<4x1000000x16xf32, #tpu.memory_space<hbm>> -> memref<1x1000000x16xf32, #tpu.memory_space<hbm>>
    %dma_start3A_39 = tpu.memref_squeeze %dma_start3A_38 : memref<1x1000000x16xf32, #tpu.memory_space<hbm>> -> memref<1000000x16xf32, #tpu.memory_space<hbm>>
    %dma_start3A_40 = arith.constant 0 : i32
    %dma_start3A_41 = arith.constant 0 : i32
    %dma_start3A_42 = tpu.memref_slice %dma_start3A_39[%dma_start3A_40, %dma_start3A_41] : memref<1000000x16xf32, #tpu.memory_space<hbm>> -> memref<1000000x16xf32, #tpu.memory_space<hbm>>
    tpu.enqueue_indirect_dma source(%dma_start3A_42 : memref<1000000x16xf32, #tpu.memory_space<hbm>>) target(%arg6 : memref<1664x16xf32, #tpu.memory_space<vmem>>) offsets(%dma_start3A_35 : memref<1664xi32, #tpu.memory_space<vmem>>) semaphore(%arg8 : memref<!tpu.dma_semaphore, #tpu.memory_space<semaphore_mem>>)
    %dma_start3A_43 = arith.constant 1664 : i32
    %dma_start3A_44 = tpu.memref_slice %arg5[%dma_start3A_43] : memref<53248xi32, #tpu.memory_space<vmem>> -> memref<1664xi32, #tpu.memory_space<vmem>>
    %dma_start3A_45 = arith.constant 0 : i32
    %dma_start3A_46 = arith.constant 0 : i32
    %dma_start3A_47 = tpu.memref_slice %arg3[%select_n3A, %dma_start3A_45, %dma_start3A_46] : memref<4x1000000x16xf32, #tpu.memory_space<hbm>> -> memref<1x1000000x16xf32, #tpu.memory_space<hbm>>
    %dma_start3A_48 = tpu.memref_squeeze %dma_start3A_47 : memref<1x1000000x16xf32, #tpu.memory_space<hbm>> -> memref<1000000x16xf32, #tpu.memory_space<hbm>>
    %dma_start3A_49 = arith.constant 0 : i32
    %dma_start3A_50 = arith.constant 0 : i32
    %dma_start3A_51 = tpu.memref_slice %dma_start3A_48[%dma_start3A_49, %dma_start3A_50] : memref<1000000x16xf32, #tpu.memory_space<hbm>> -> memref<1000000x16xf32, #tpu.memory_space<hbm>>
    tpu.enqueue_indirect_dma source(%dma_start3A_51 : memref<1000000x16xf32, #tpu.memory_space<hbm>>) target(%arg7 : memref<1664x16xf32, #tpu.memory_space<vmem>>) offsets(%dma_start3A_44 : memref<1664xi32, #tpu.memory_space<vmem>>) semaphore(%arg9 : memref<!tpu.dma_semaphore, #tpu.memory_space<semaphore_mem>>)
    %dma_wait3A = arith.constant 0 : i32
    %dma_wait3A_52 = tpu.memref_slice %arg5[%dma_wait3A] : memref<53248xi32, #tpu.memory_space<vmem>> -> memref<1664xi32, #tpu.memory_space<vmem>>
    %dma_wait3A_53 = arith.constant 0 : i32
    %dma_wait3A_54 = arith.constant 0 : i32
    %dma_wait3A_55 = tpu.memref_slice %arg3[%select_n3A, %dma_wait3A_53, %dma_wait3A_54] : memref<4x1000000x16xf32, #tpu.memory_space<hbm>> -> memref<1x1000000x16xf32, #tpu.memory_space<hbm>>
    %dma_wait3A_56 = tpu.memref_squeeze %dma_wait3A_55 : memref<1x1000000x16xf32, #tpu.memory_space<hbm>> -> memref<1000000x16xf32, #tpu.memory_space<hbm>>
    %dma_wait3A_57 = arith.constant 0 : i32
    %dma_wait3A_58 = arith.constant 0 : i32
    %dma_wait3A_59 = tpu.memref_slice %dma_wait3A_56[%dma_wait3A_57, %dma_wait3A_58] : memref<1000000x16xf32, #tpu.memory_space<hbm>> -> memref<1000000x16xf32, #tpu.memory_space<hbm>>
    tpu.wait_indirect_dma semaphore(%arg8 : memref<!tpu.dma_semaphore, #tpu.memory_space<semaphore_mem>>) src(%dma_wait3A_59 : memref<1000000x16xf32, #tpu.memory_space<hbm>>) dst(%arg6 : memref<1664x16xf32, #tpu.memory_space<vmem>>)
    %add3A_60 = arith.constant 0 : i32
    %add3A_61 = arith.addi %mul3A_34, %add3A_60 : i32
    %scan3A = arith.constant 0 : i32
    %scan3A_62 = arith.constant 0 : i32
    %scan3A_63 = arith.constant 64 : i32
    %scan3A_64 = arith.addi %scan3A_62, %scan3A_63 : i32
    %scan3A_65 = arith.constant 1 : i32
    %scan3A_66 = scf.for %scan3A_1344 = %scan3A_62 to %scan3A_64 step %scan3A_65 iter_args(%scan3A_1345 = %scan3A) -> (i32)  : i32 {
      %mul3A_1346 = arith.constant 26 : i32
      %mul3A_1347 = arith.muli %scan3A_1344, %mul3A_1346 : i32
      %add3A_1348 = arith.addi %add3A_61, %scan3A_1344 : i32
      %dma_start3A_1349 = arith.constant 0 : i32
      %dma_start3A_1350 = tpu.memref_slice %arg6[%mul3A_1347, %dma_start3A_1349] : memref<1664x16xf32, #tpu.memory_space<vmem>> -> memref<26x16xf32, #tpu.memory_space<vmem>>
      %dma_start3A_1351 = arith.constant 0 : i32
      %dma_start3A_1352 = arith.constant 0 : i32
      %dma_start3A_1353 = tpu.memref_slice %arg4[%select_n3A, %add3A_1348, %dma_start3A_1351, %dma_start3A_1352] : memref<4x16384x26x16xf32, #tpu.memory_space<hbm>> -> memref<1x1x26x16xf32, #tpu.memory_space<hbm>>
      %dma_start3A_1354 = tpu.memref_squeeze %dma_start3A_1353 : memref<1x1x26x16xf32, #tpu.memory_space<hbm>> -> memref<26x16xf32, #tpu.memory_space<hbm>>
      %dma_start3A_1355 = arith.constant 0 : i32
      %dma_start3A_1356 = arith.constant 0 : i32
      %dma_start3A_1357 = tpu.memref_slice %arg4[%select_n3A, %add3A_1348, %dma_start3A_1355, %dma_start3A_1356] : memref<4x16384x26x16xf32, #tpu.memory_space<hbm>> -> memref<1x1x26x16xf32, #tpu.memory_space<hbm>>
      %dma_start3A_1358 = tpu.memref_squeeze %dma_start3A_1357 : memref<1x1x26x16xf32, #tpu.memory_space<hbm>> -> memref<26x16xf32, #tpu.memory_space<hbm>>
      %dma_start3A_1359 = arith.constant 0 : i32
      %dma_start3A_1360 = tpu.memref_slice %arg6[%mul3A_1347, %dma_start3A_1359] : memref<1664x16xf32, #tpu.memory_space<vmem>> -> memref<26x16xf32, #tpu.memory_space<vmem>>
      tpu.enqueue_dma source(%dma_start3A_1360 : memref<26x16xf32, #tpu.memory_space<vmem>>) target(%dma_start3A_1358 : memref<26x16xf32, #tpu.memory_space<hbm>>) target_semaphore(%arg10 : memref<!tpu.dma_semaphore, #tpu.memory_space<semaphore_mem>>)
      %scan3A_1361 = arith.constant 0 : i32
      scf.yield %scan3A_1361 : i32
    }
    %scan3A_67 = arith.constant 64 : i32
    %dma_wait3A_68 = arith.constant 0 : i32
    %dma_wait3A_69 = arith.constant 0 : i32
    %dma_wait3A_70 = tpu.memref_slice %arg3[%select_n3A, %dma_wait3A_68, %dma_wait3A_69] : memref<4x1000000x16xf32, #tpu.memory_space<hbm>> -> memref<1x1000000x16xf32, #tpu.memory_space<hbm>>
    %dma_wait3A_71 = tpu.memref_squeeze %dma_wait3A_70 : memref<1x1000000x16xf32, #tpu.memory_space<hbm>> -> memref<1000000x16xf32, #tpu.memory_space<hbm>>
    %dma_wait3A_72 = arith.constant 0 : i32
    %dma_wait3A_73 = arith.constant 0 : i32
    %dma_wait3A_74 = tpu.memref_slice %dma_wait3A_71[%dma_wait3A_72, %dma_wait3A_73] : memref<1000000x16xf32, #tpu.memory_space<hbm>> -> memref<1664x16xf32, #tpu.memory_space<hbm>>
    %dma_wait3A_75 = arith.constant 0 : i32
    %dma_wait3A_76 = arith.constant 0 : i32
    %dma_wait3A_77 = tpu.memref_slice %arg3[%select_n3A, %dma_wait3A_75, %dma_wait3A_76] : memref<4x1000000x16xf32, #tpu.memory_space<hbm>> -> memref<1x1000000x16xf32, #tpu.memory_space<hbm>>
    %dma_wait3A_78 = tpu.memref_squeeze %dma_wait3A_77 : memref<1x1000000x16xf32, #tpu.memory_space<hbm>> -> memref<1000000x16xf32, #tpu.memory_space<hbm>>
    %dma_wait3A_79 = arith.constant 0 : i32
    %dma_wait3A_80 = arith.constant 0 : i32
    %dma_wait3A_81 = tpu.memref_slice %dma_wait3A_78[%dma_wait3A_79, %dma_wait3A_80] : memref<1000000x16xf32, #tpu.memory_space<hbm>> -> memref<1664x16xf32, #tpu.memory_space<hbm>>
    tpu.wait_dma2 semaphore(%arg10 : memref<!tpu.dma_semaphore, #tpu.memory_space<semaphore_mem>>) src(%dma_wait3A_81 : memref<1664x16xf32, #tpu.memory_space<hbm>>) dst(%arg6 : memref<1664x16xf32, #tpu.memory_space<vmem>>)
    %dma_start3A_82 = arith.constant 3328 : i32
    %dma_start3A_83 = tpu.memref_slice %arg5[%dma_start3A_82] : memref<53248xi32, #tpu.memory_space<vmem>> -> memref<1664xi32, #tpu.memory_space<vmem>>
    %dma_start3A_84 = arith.constant 0 : i32
    %dma_start3A_85 = arith.constant 0 : i32
    %dma_start3A_86 = tpu.memref_slice %arg3[%select_n3A, %dma_start3A_84, %dma_start3A_85] : memref<4x1000000x16xf32, #tpu.memory_space<hbm>> -> memref<1x1000000x16xf32, #tpu.memory_space<hbm>>
    %dma_start3A_87 = tpu.memref_squeeze %dma_start3A_86 : memref<1x1000000x16xf32, #tpu.memory_space<hbm>> -> memref<1000000x16xf32, #tpu.memory_space<hbm>>
    %dma_start3A_88 = arith.constant 0 : i32
    %dma_start3A_89 = arith.constant 0 : i32
    %dma_start3A_90 = tpu.memref_slice %dma_start3A_87[%dma_start3A_88, %dma_start3A_89] : memref<1000000x16xf32, #tpu.memory_space<hbm>> -> memref<1000000x16xf32, #tpu.memory_space<hbm>>
    tpu.enqueue_indirect_dma source(%dma_start3A_90 : memref<1000000x16xf32, #tpu.memory_space<hbm>>) target(%arg6 : memref<1664x16xf32, #tpu.memory_space<vmem>>) offsets(%dma_start3A_83 : memref<1664xi32, #tpu.memory_space<vmem>>) semaphore(%arg8 : memref<!tpu.dma_semaphore, #tpu.memory_space<semaphore_mem>>)
    %dma_wait3A_91 = arith.constant 1664 : i32
    %dma_wait3A_92 = tpu.memref_slice %arg5[%dma_wait3A_91] : memref<53248xi32, #tpu.memory_space<vmem>> -> memref<1664xi32, #tpu.memory_space<vmem>>
    %dma_wait3A_93 = arith.constant 0 : i32
    %dma_wait3A_94 = arith.constant 0 : i32
    %dma_wait3A_95 = tpu.memref_slice %arg3[%select_n3A, %dma_wait3A_93, %dma_wait3A_94] : memref<4x1000000x16xf32, #tpu.memory_space<hbm>> -> memref<1x1000000x16xf32, #tpu.memory_space<hbm>>
    %dma_wait3A_96 = tpu.memref_squeeze %dma_wait3A_95 : memref<1x1000000x16xf32, #tpu.memory_space<hbm>> -> memref<1000000x16xf32, #tpu.memory_space<hbm>>
    %dma_wait3A_97 = arith.constant 0 : i32
    %dma_wait3A_98 = arith.constant 0 : i32
    %dma_wait3A_99 = tpu.memref_slice %dma_wait3A_96[%dma_wait3A_97, %dma_wait3A_98] : memref<1000000x16xf32, #tpu.memory_space<hbm>> -> memref<1000000x16xf32, #tpu.memory_space<hbm>>
    tpu.wait_indirect_dma semaphore(%arg9 : memref<!tpu.dma_semaphore, #tpu.memory_space<semaphore_mem>>) src(%dma_wait3A_99 : memref<1000000x16xf32, #tpu.memory_space<hbm>>) dst(%arg7 : memref<1664x16xf32, #tpu.memory_space<vmem>>)
    %add3A_100 = arith.constant 64 : i32
    %add3A_101 = arith.addi %mul3A_34, %add3A_100 : i32
    %scan3A_102 = arith.constant 0 : i32
    %scan3A_103 = arith.constant 0 : i32
    %scan3A_104 = arith.constant 64 : i32
    %scan3A_105 = arith.addi %scan3A_103, %scan3A_104 : i32
    %scan3A_106 = arith.constant 1 : i32
    %scan3A_107 = scf.for %scan3A_1344 = %scan3A_103 to %scan3A_105 step %scan3A_106 iter_args(%scan3A_1345 = %scan3A_102) -> (i32)  : i32 {
      %mul3A_1346 = arith.constant 26 : i32
      %mul3A_1347 = arith.muli %scan3A_1344, %mul3A_1346 : i32
      %add3A_1348 = arith.addi %add3A_101, %scan3A_1344 : i32
      %dma_start3A_1349 = arith.constant 0 : i32
      %dma_start3A_1350 = tpu.memref_slice %arg7[%mul3A_1347, %dma_start3A_1349] : memref<1664x16xf32, #tpu.memory_space<vmem>> -> memref<26x16xf32, #tpu.memory_space<vmem>>
      %dma_start3A_1351 = arith.constant 0 : i32
      %dma_start3A_1352 = arith.constant 0 : i32
      %dma_start3A_1353 = tpu.memref_slice %arg4[%select_n3A, %add3A_1348, %dma_start3A_1351, %dma_start3A_1352] : memref<4x16384x26x16xf32, #tpu.memory_space<hbm>> -> memref<1x1x26x16xf32, #tpu.memory_space<hbm>>
      %dma_start3A_1354 = tpu.memref_squeeze %dma_start3A_1353 : memref<1x1x26x16xf32, #tpu.memory_space<hbm>> -> memref<26x16xf32, #tpu.memory_space<hbm>>
      %dma_start3A_1355 = arith.constant 0 : i32
      %dma_start3A_1356 = arith.constant 0 : i32
      %dma_start3A_1357 = tpu.memref_slice %arg4[%select_n3A, %add3A_1348, %dma_start3A_1355, %dma_start3A_1356] : memref<4x16384x26x16xf32, #tpu.memory_space<hbm>> -> memref<1x1x26x16xf32, #tpu.memory_space<hbm>>
      %dma_start3A_1358 = tpu.memref_squeeze %dma_start3A_1357 : memref<1x1x26x16xf32, #tpu.memory_space<hbm>> -> memref<26x16xf32, #tpu.memory_space<hbm>>
      %dma_start3A_1359 = arith.constant 0 : i32
      %dma_start3A_1360 = tpu.memref_slice %arg7[%mul3A_1347, %dma_start3A_1359] : memref<1664x16xf32, #tpu.memory_space<vmem>> -> memref<26x16xf32, #tpu.memory_space<vmem>>
      tpu.enqueue_dma source(%dma_start3A_1360 : memref<26x16xf32, #tpu.memory_space<vmem>>) target(%dma_start3A_1358 : memref<26x16xf32, #tpu.memory_space<hbm>>) target_semaphore(%arg11 : memref<!tpu.dma_semaphore, #tpu.memory_space<semaphore_mem>>)
      %scan3A_1361 = arith.constant 0 : i32
      scf.yield %scan3A_1361 : i32
    }
    %scan3A_108 = arith.constant 64 : i32
    %dma_wait3A_109 = arith.constant 0 : i32
    %dma_wait3A_110 = arith.constant 0 : i32
    %dma_wait3A_111 = tpu.memref_slice %arg3[%select_n3A, %dma_wait3A_109, %dma_wait3A_110] : memref<4x1000000x16xf32, #tpu.memory_space<hbm>> -> memref<1x1000000x16xf32, #tpu.memory_space<hbm>>
    %dma_wait3A_112 = tpu.memref_squeeze %dma_wait3A_111 : memref<1x1000000x16xf32, #tpu.memory_space<hbm>> -> memref<1000000x16xf32, #tpu.memory_space<hbm>>
    %dma_wait3A_113 = arith.constant 0 : i32
    %dma_wait3A_114 = arith.constant 0 : i32
    %dma_wait3A_115 = tpu.memref_slice %dma_wait3A_112[%dma_wait3A_113, %dma_wait3A_114] : memref<1000000x16xf32, #tpu.memory_space<hbm>> -> memref<1664x16xf32, #tpu.memory_space<hbm>>
    %dma_wait3A_116 = arith.constant 0 : i32
    %dma_wait3A_117 = arith.constant 0 : i32
    %dma_wait3A_118 = tpu.memref_slice %arg3[%select_n3A, %dma_wait3A_116, %dma_wait3A_117] : memref<4x1000000x16xf32, #tpu.memory_space<hbm>> -> memref<1x1000000x16xf32, #tpu.memory_space<hbm>>
    %dma_wait3A_119 = tpu.memref_squeeze %dma_wait3A_118 : memref<1x1000000x16xf32, #tpu.memory_space<hbm>> -> memref<1000000x16xf32, #tpu.memory_space<hbm>>
    %dma_wait3A_120 = arith.constant 0 : i32
    %dma_wait3A_121 = arith.constant 0 : i32
    %dma_wait3A_122 = tpu.memref_slice %dma_wait3A_119[%dma_wait3A_120, %dma_wait3A_121] : memref<1000000x16xf32, #tpu.memory_space<hbm>> -> memref<1664x16xf32, #tpu.memory_space<hbm>>
    tpu.wait_dma2 semaphore(%arg11 : memref<!tpu.dma_semaphore, #tpu.memory_space<semaphore_mem>>) src(%dma_wait3A_122 : memref<1664x16xf32, #tpu.memory_space<hbm>>) dst(%arg7 : memref<1664x16xf32, #tpu.memory_space<vmem>>)
    %dma_start3A_123 = arith.constant 4992 : i32
    %dma_start3A_124 = tpu.memref_slice %arg5[%dma_start3A_123] : memref<53248xi32, #tpu.memory_space<vmem>> -> memref<1664xi32, #tpu.memory_space<vmem>>
    %dma_start3A_125 = arith.constant 0 : i32
    %dma_start3A_126 = arith.constant 0 : i32
    %dma_start3A_127 = tpu.memref_slice %arg3[%select_n3A, %dma_start3A_125, %dma_start3A_126] : memref<4x1000000x16xf32, #tpu.memory_space<hbm>> -> memref<1x1000000x16xf32, #tpu.memory_space<hbm>>
    %dma_start3A_128 = tpu.memref_squeeze %dma_start3A_127 : memref<1x1000000x16xf32, #tpu.memory_space<hbm>> -> memref<1000000x16xf32, #tpu.memory_space<hbm>>
    %dma_start3A_129 = arith.constant 0 : i32
    %dma_start3A_130 = arith.constant 0 : i32
    %dma_start3A_131 = tpu.memref_slice %dma_start3A_128[%dma_start3A_129, %dma_start3A_130] : memref<1000000x16xf32, #tpu.memory_space<hbm>> -> memref<1000000x16xf32, #tpu.memory_space<hbm>>
    tpu.enqueue_indirect_dma source(%dma_start3A_131 : memref<1000000x16xf32, #tpu.memory_space<hbm>>) target(%arg7 : memref<1664x16xf32, #tpu.memory_space<vmem>>) offsets(%dma_start3A_124 : memref<1664xi32, #tpu.memory_space<vmem>>) semaphore(%arg9 : memref<!tpu.dma_semaphore, #tpu.memory_space<semaphore_mem>>)
    %dma_wait3A_132 = arith.constant 3328 : i32
    %dma_wait3A_133 = tpu.memref_slice %arg5[%dma_wait3A_132] : memref<53248xi32, #tpu.memory_space<vmem>> -> memref<1664xi32, #tpu.memory_space<vmem>>
    %dma_wait3A_134 = arith.constant 0 : i32
    %dma_wait3A_135 = arith.constant 0 : i32
    %dma_wait3A_136 = tpu.memref_slice %arg3[%select_n3A, %dma_wait3A_134, %dma_wait3A_135] : memref<4x1000000x16xf32, #tpu.memory_space<hbm>> -> memref<1x1000000x16xf32, #tpu.memory_space<hbm>>
    %dma_wait3A_137 = tpu.memref_squeeze %dma_wait3A_136 : memref<1x1000000x16xf32, #tpu.memory_space<hbm>> -> memref<1000000x16xf32, #tpu.memory_space<hbm>>
    %dma_wait3A_138 = arith.constant 0 : i32
    %dma_wait3A_139 = arith.constant 0 : i32
    %dma_wait3A_140 = tpu.memref_slice %dma_wait3A_137[%dma_wait3A_138, %dma_wait3A_139] : memref<1000000x16xf32, #tpu.memory_space<hbm>> -> memref<1000000x16xf32, #tpu.memory_space<hbm>>
    tpu.wait_indirect_dma semaphore(%arg8 : memref<!tpu.dma_semaphore, #tpu.memory_space<semaphore_mem>>) src(%dma_wait3A_140 : memref<1000000x16xf32, #tpu.memory_space<hbm>>) dst(%arg6 : memref<1664x16xf32, #tpu.memory_space<vmem>>)
    %add3A_141 = arith.constant 128 : i32
    %add3A_142 = arith.addi %mul3A_34, %add3A_141 : i32
    %scan3A_143 = arith.constant 0 : i32
    %scan3A_144 = arith.constant 0 : i32
    %scan3A_145 = arith.constant 64 : i32
    %scan3A_146 = arith.addi %scan3A_144, %scan3A_145 : i32
    %scan3A_147 = arith.constant 1 : i32
    %scan3A_148 = scf.for %scan3A_1344 = %scan3A_144 to %scan3A_146 step %scan3A_147 iter_args(%scan3A_1345 = %scan3A_143) -> (i32)  : i32 {
      %mul3A_1346 = arith.constant 26 : i32
      %mul3A_1347 = arith.muli %scan3A_1344, %mul3A_1346 : i32
      %add3A_1348 = arith.addi %add3A_142, %scan3A_1344 : i32
      %dma_start3A_1349 = arith.constant 0 : i32
      %dma_start3A_1350 = tpu.memref_slice %arg6[%mul3A_1347, %dma_start3A_1349] : memref<1664x16xf32, #tpu.memory_space<vmem>> -> memref<26x16xf32, #tpu.memory_space<vmem>>
      %dma_start3A_1351 = arith.constant 0 : i32
      %dma_start3A_1352 = arith.constant 0 : i32
      %dma_start3A_1353 = tpu.memref_slice %arg4[%select_n3A, %add3A_1348, %dma_start3A_1351, %dma_start3A_1352] : memref<4x16384x26x16xf32, #tpu.memory_space<hbm>> -> memref<1x1x26x16xf32, #tpu.memory_space<hbm>>
      %dma_start3A_1354 = tpu.memref_squeeze %dma_start3A_1353 : memref<1x1x26x16xf32, #tpu.memory_space<hbm>> -> memref<26x16xf32, #tpu.memory_space<hbm>>
      %dma_start3A_1355 = arith.constant 0 : i32
      %dma_start3A_1356 = arith.constant 0 : i32
      %dma_start3A_1357 = tpu.memref_slice %arg4[%select_n3A, %add3A_1348, %dma_start3A_1355, %dma_start3A_1356] : memref<4x16384x26x16xf32, #tpu.memory_space<hbm>> -> memref<1x1x26x16xf32, #tpu.memory_space<hbm>>
      %dma_start3A_1358 = tpu.memref_squeeze %dma_start3A_1357 : memref<1x1x26x16xf32, #tpu.memory_space<hbm>> -> memref<26x16xf32, #tpu.memory_space<hbm>>
      %dma_start3A_1359 = arith.constant 0 : i32
      %dma_start3A_1360 = tpu.memref_slice %arg6[%mul3A_1347, %dma_start3A_1359] : memref<1664x16xf32, #tpu.memory_space<vmem>> -> memref<26x16xf32, #tpu.memory_space<vmem>>
      tpu.enqueue_dma source(%dma_start3A_1360 : memref<26x16xf32, #tpu.memory_space<vmem>>) target(%dma_start3A_1358 : memref<26x16xf32, #tpu.memory_space<hbm>>) target_semaphore(%arg10 : memref<!tpu.dma_semaphore, #tpu.memory_space<semaphore_mem>>)
      %scan3A_1361 = arith.constant 0 : i32
      scf.yield %scan3A_1361 : i32
    }
    %scan3A_149 = arith.constant 64 : i32
    %dma_wait3A_150 = arith.constant 0 : i32
    %dma_wait3A_151 = arith.constant 0 : i32
    %dma_wait3A_152 = tpu.memref_slice %arg3[%select_n3A, %dma_wait3A_150, %dma_wait3A_151] : memref<4x1000000x16xf32, #tpu.memory_space<hbm>> -> memref<1x1000000x16xf32, #tpu.memory_space<hbm>>
    %dma_wait3A_153 = tpu.memref_squeeze %dma_wait3A_152 : memref<1x1000000x16xf32, #tpu.memory_space<hbm>> -> memref<1000000x16xf32, #tpu.memory_space<hbm>>
    %dma_wait3A_154 = arith.constant 0 : i32
    %dma_wait3A_155 = arith.constant 0 : i32
    %dma_wait3A_156 = tpu.memref_slice %dma_wait3A_153[%dma_wait3A_154, %dma_wait3A_155] : memref<1000000x16xf32, #tpu.memory_space<hbm>> -> memref<1664x16xf32, #tpu.memory_space<hbm>>
    %dma_wait3A_157 = arith.constant 0 : i32
    %dma_wait3A_158 = arith.constant 0 : i32
    %dma_wait3A_159 = tpu.memref_slice %arg3[%select_n3A, %dma_wait3A_157, %dma_wait3A_158] : memref<4x1000000x16xf32, #tpu.memory_space<hbm>> -> memref<1x1000000x16xf32, #tpu.memory_space<hbm>>
    %dma_wait3A_160 = tpu.memref_squeeze %dma_wait3A_159 : memref<1x1000000x16xf32, #tpu.memory_space<hbm>> -> memref<1000000x16xf32, #tpu.memory_space<hbm>>
    %dma_wait3A_161 = arith.constant 0 : i32
    %dma_wait3A_162 = arith.constant 0 : i32
    %dma_wait3A_163 = tpu.memref_slice %dma_wait3A_160[%dma_wait3A_161, %dma_wait3A_162] : memref<1000000x16xf32, #tpu.memory_space<hbm>> -> memref<1664x16xf32, #tpu.memory_space<hbm>>
    tpu.wait_dma2 semaphore(%arg10 : memref<!tpu.dma_semaphore, #tpu.memory_space<semaphore_mem>>) src(%dma_wait3A_163 : memref<1664x16xf32, #tpu.memory_space<hbm>>) dst(%arg6 : memref<1664x16xf32, #tpu.memory_space<vmem>>)
    %dma_start3A_164 = arith.constant 6656 : i32
    %dma_start3A_165 = tpu.memref_slice %arg5[%dma_start3A_164] : memref<53248xi32, #tpu.memory_space<vmem>> -> memref<1664xi32, #tpu.memory_space<vmem>>
    %dma_start3A_166 = arith.constant 0 : i32
    %dma_start3A_167 = arith.constant 0 : i32
    %dma_start3A_168 = tpu.memref_slice %arg3[%select_n3A, %dma_start3A_166, %dma_start3A_167] : memref<4x1000000x16xf32, #tpu.memory_space<hbm>> -> memref<1x1000000x16xf32, #tpu.memory_space<hbm>>
    %dma_start3A_169 = tpu.memref_squeeze %dma_start3A_168 : memref<1x1000000x16xf32, #tpu.memory_space<hbm>> -> memref<1000000x16xf32, #tpu.memory_space<hbm>>
    %dma_start3A_170 = arith.constant 0 : i32
    %dma_start3A_171 = arith.constant 0 : i32
    %dma_start3A_172 = tpu.memref_slice %dma_start3A_169[%dma_start3A_170, %dma_start3A_171] : memref<1000000x16xf32, #tpu.memory_space<hbm>> -> memref<1000000x16xf32, #tpu.memory_space<hbm>>
    tpu.enqueue_indirect_dma source(%dma_start3A_172 : memref<1000000x16xf32, #tpu.memory_space<hbm>>) target(%arg6 : memref<1664x16xf32, #tpu.memory_space<vmem>>) offsets(%dma_start3A_165 : memref<1664xi32, #tpu.memory_space<vmem>>) semaphore(%arg8 : memref<!tpu.dma_semaphore, #tpu.memory_space<semaphore_mem>>)
    %dma_wait3A_173 = arith.constant 4992 : i32
    %dma_wait3A_174 = tpu.memref_slice %arg5[%dma_wait3A_173] : memref<53248xi32, #tpu.memory_space<vmem>> -> memref<1664xi32, #tpu.memory_space<vmem>>
    %dma_wait3A_175 = arith.constant 0 : i32
    %dma_wait3A_176 = arith.constant 0 : i32
    %dma_wait3A_177 = tpu.memref_slice %arg3[%select_n3A, %dma_wait3A_175, %dma_wait3A_176] : memref<4x1000000x16xf32, #tpu.memory_space<hbm>> -> memref<1x1000000x16xf32, #tpu.memory_space<hbm>>
    %dma_wait3A_178 = tpu.memref_squeeze %dma_wait3A_177 : memref<1x1000000x16xf32, #tpu.memory_space<hbm>> -> memref<1000000x16xf32, #tpu.memory_space<hbm>>
    %dma_wait3A_179 = arith.constant 0 : i32
    %dma_wait3A_180 = arith.constant 0 : i32
    %dma_wait3A_181 = tpu.memref_slice %dma_wait3A_178[%dma_wait3A_179, %dma_wait3A_180] : memref<1000000x16xf32, #tpu.memory_space<hbm>> -> memref<1000000x16xf32, #tpu.memory_space<hbm>>
    tpu.wait_indirect_dma semaphore(%arg9 : memref<!tpu.dma_semaphore, #tpu.memory_space<semaphore_mem>>) src(%dma_wait3A_181 : memref<1000000x16xf32, #tpu.memory_space<hbm>>) dst(%arg7 : memref<1664x16xf32, #tpu.memory_space<vmem>>)
    %add3A_182 = arith.constant 192 : i32
    %add3A_183 = arith.addi %mul3A_34, %add3A_182 : i32
    %scan3A_184 = arith.constant 0 : i32
    %scan3A_185 = arith.constant 0 : i32
    %scan3A_186 = arith.constant 64 : i32
    %scan3A_187 = arith.addi %scan3A_185, %scan3A_186 : i32
    %scan3A_188 = arith.constant 1 : i32
    %scan3A_189 = scf.for %scan3A_1344 = %scan3A_185 to %scan3A_187 step %scan3A_188 iter_args(%scan3A_1345 = %scan3A_184) -> (i32)  : i32 {
      %mul3A_1346 = arith.constant 26 : i32
      %mul3A_1347 = arith.muli %scan3A_1344, %mul3A_1346 : i32
      %add3A_1348 = arith.addi %add3A_183, %scan3A_1344 : i32
      %dma_start3A_1349 = arith.constant 0 : i32
      %dma_start3A_1350 = tpu.memref_slice %arg7[%mul3A_1347, %dma_start3A_1349] : memref<1664x16xf32, #tpu.memory_space<vmem>> -> memref<26x16xf32, #tpu.memory_space<vmem>>
      %dma_start3A_1351 = arith.constant 0 : i32
      %dma_start3A_1352 = arith.constant 0 : i32
      %dma_start3A_1353 = tpu.memref_slice %arg4[%select_n3A, %add3A_1348, %dma_start3A_1351, %dma_start3A_1352] : memref<4x16384x26x16xf32, #tpu.memory_space<hbm>> -> memref<1x1x26x16xf32, #tpu.memory_space<hbm>>
      %dma_start3A_1354 = tpu.memref_squeeze %dma_start3A_1353 : memref<1x1x26x16xf32, #tpu.memory_space<hbm>> -> memref<26x16xf32, #tpu.memory_space<hbm>>
      %dma_start3A_1355 = arith.constant 0 : i32
      %dma_start3A_1356 = arith.constant 0 : i32
      %dma_start3A_1357 = tpu.memref_slice %arg4[%select_n3A, %add3A_1348, %dma_start3A_1355, %dma_start3A_1356] : memref<4x16384x26x16xf32, #tpu.memory_space<hbm>> -> memref<1x1x26x16xf32, #tpu.memory_space<hbm>>
      %dma_start3A_1358 = tpu.memref_squeeze %dma_start3A_1357 : memref<1x1x26x16xf32, #tpu.memory_space<hbm>> -> memref<26x16xf32, #tpu.memory_space<hbm>>
      %dma_start3A_1359 = arith.constant 0 : i32
      %dma_start3A_1360 = tpu.memref_slice %arg7[%mul3A_1347, %dma_start3A_1359] : memref<1664x16xf32, #tpu.memory_space<vmem>> -> memref<26x16xf32, #tpu.memory_space<vmem>>
      tpu.enqueue_dma source(%dma_start3A_1360 : memref<26x16xf32, #tpu.memory_space<vmem>>) target(%dma_start3A_1358 : memref<26x16xf32, #tpu.memory_space<hbm>>) target_semaphore(%arg11 : memref<!tpu.dma_semaphore, #tpu.memory_space<semaphore_mem>>)
      %scan3A_1361 = arith.constant 0 : i32
      scf.yield %scan3A_1361 : i32
    }
    %scan3A_190 = arith.constant 64 : i32
    %dma_wait3A_191 = arith.constant 0 : i32
    %dma_wait3A_192 = arith.constant 0 : i32
    %dma_wait3A_193 = tpu.memref_slice %arg3[%select_n3A, %dma_wait3A_191, %dma_wait3A_192] : memref<4x1000000x16xf32, #tpu.memory_space<hbm>> -> memref<1x1000000x16xf32, #tpu.memory_space<hbm>>
    %dma_wait3A_194 = tpu.memref_squeeze %dma_wait3A_193 : memref<1x1000000x16xf32, #tpu.memory_space<hbm>> -> memref<1000000x16xf32, #tpu.memory_space<hbm>>
    %dma_wait3A_195 = arith.constant 0 : i32
    %dma_wait3A_196 = arith.constant 0 : i32
    %dma_wait3A_197 = tpu.memref_slice %dma_wait3A_194[%dma_wait3A_195, %dma_wait3A_196] : memref<1000000x16xf32, #tpu.memory_space<hbm>> -> memref<1664x16xf32, #tpu.memory_space<hbm>>
    %dma_wait3A_198 = arith.constant 0 : i32
    %dma_wait3A_199 = arith.constant 0 : i32
    %dma_wait3A_200 = tpu.memref_slice %arg3[%select_n3A, %dma_wait3A_198, %dma_wait3A_199] : memref<4x1000000x16xf32, #tpu.memory_space<hbm>> -> memref<1x1000000x16xf32, #tpu.memory_space<hbm>>
    %dma_wait3A_201 = tpu.memref_squeeze %dma_wait3A_200 : memref<1x1000000x16xf32, #tpu.memory_space<hbm>> -> memref<1000000x16xf32, #tpu.memory_space<hbm>>
    %dma_wait3A_202 = arith.constant 0 : i32
    %dma_wait3A_203 = arith.constant 0 : i32
    %dma_wait3A_204 = tpu.memref_slice %dma_wait3A_201[%dma_wait3A_202, %dma_wait3A_203] : memref<1000000x16xf32, #tpu.memory_space<hbm>> -> memref<1664x16xf32, #tpu.memory_space<hbm>>
    tpu.wait_dma2 semaphore(%arg11 : memref<!tpu.dma_semaphore, #tpu.memory_space<semaphore_mem>>) src(%dma_wait3A_204 : memref<1664x16xf32, #tpu.memory_space<hbm>>) dst(%arg7 : memref<1664x16xf32, #tpu.memory_space<vmem>>)
    %dma_start3A_205 = arith.constant 8320 : i32
    %dma_start3A_206 = tpu.memref_slice %arg5[%dma_start3A_205] : memref<53248xi32, #tpu.memory_space<vmem>> -> memref<1664xi32, #tpu.memory_space<vmem>>
    %dma_start3A_207 = arith.constant 0 : i32
    %dma_start3A_208 = arith.constant 0 : i32
    %dma_start3A_209 = tpu.memref_slice %arg3[%select_n3A, %dma_start3A_207, %dma_start3A_208] : memref<4x1000000x16xf32, #tpu.memory_space<hbm>> -> memref<1x1000000x16xf32, #tpu.memory_space<hbm>>
    %dma_start3A_210 = tpu.memref_squeeze %dma_start3A_209 : memref<1x1000000x16xf32, #tpu.memory_space<hbm>> -> memref<1000000x16xf32, #tpu.memory_space<hbm>>
    %dma_start3A_211 = arith.constant 0 : i32
    %dma_start3A_212 = arith.constant 0 : i32
    %dma_start3A_213 = tpu.memref_slice %dma_start3A_210[%dma_start3A_211, %dma_start3A_212] : memref<1000000x16xf32, #tpu.memory_space<hbm>> -> memref<1000000x16xf32, #tpu.memory_space<hbm>>
    tpu.enqueue_indirect_dma source(%dma_start3A_213 : memref<1000000x16xf32, #tpu.memory_space<hbm>>) target(%arg7 : memref<1664x16xf32, #tpu.memory_space<vmem>>) offsets(%dma_start3A_206 : memref<1664xi32, #tpu.memory_space<vmem>>) semaphore(%arg9 : memref<!tpu.dma_semaphore, #tpu.memory_space<semaphore_mem>>)
    %dma_wait3A_214 = arith.constant 6656 : i32
    %dma_wait3A_215 = tpu.memref_slice %arg5[%dma_wait3A_214] : memref<53248xi32, #tpu.memory_space<vmem>> -> memref<1664xi32, #tpu.memory_space<vmem>>
    %dma_wait3A_216 = arith.constant 0 : i32
    %dma_wait3A_217 = arith.constant 0 : i32
    %dma_wait3A_218 = tpu.memref_slice %arg3[%select_n3A, %dma_wait3A_216, %dma_wait3A_217] : memref<4x1000000x16xf32, #tpu.memory_space<hbm>> -> memref<1x1000000x16xf32, #tpu.memory_space<hbm>>
    %dma_wait3A_219 = tpu.memref_squeeze %dma_wait3A_218 : memref<1x1000000x16xf32, #tpu.memory_space<hbm>> -> memref<1000000x16xf32, #tpu.memory_space<hbm>>
    %dma_wait3A_220 = arith.constant 0 : i32
    %dma_wait3A_221 = arith.constant 0 : i32
    %dma_wait3A_222 = tpu.memref_slice %dma_wait3A_219[%dma_wait3A_220, %dma_wait3A_221] : memref<1000000x16xf32, #tpu.memory_space<hbm>> -> memref<1000000x16xf32, #tpu.memory_space<hbm>>
    tpu.wait_indirect_dma semaphore(%arg8 : memref<!tpu.dma_semaphore, #tpu.memory_space<semaphore_mem>>) src(%dma_wait3A_222 : memref<1000000x16xf32, #tpu.memory_space<hbm>>) dst(%arg6 : memref<1664x16xf32, #tpu.memory_space<vmem>>)
    %add3A_223 = arith.constant 256 : i32
    %add3A_224 = arith.addi %mul3A_34, %add3A_223 : i32
    %scan3A_225 = arith.constant 0 : i32
    %scan3A_226 = arith.constant 0 : i32
    %scan3A_227 = arith.constant 64 : i32
    %scan3A_228 = arith.addi %scan3A_226, %scan3A_227 : i32
    %scan3A_229 = arith.constant 1 : i32
    %scan3A_230 = scf.for %scan3A_1344 = %scan3A_226 to %scan3A_228 step %scan3A_229 iter_args(%scan3A_1345 = %scan3A_225) -> (i32)  : i32 {
      %mul3A_1346 = arith.constant 26 : i32
      %mul3A_1347 = arith.muli %scan3A_1344, %mul3A_1346 : i32
      %add3A_1348 = arith.addi %add3A_224, %scan3A_1344 : i32
      %dma_start3A_1349 = arith.constant 0 : i32
      %dma_start3A_1350 = tpu.memref_slice %arg6[%mul3A_1347, %dma_start3A_1349] : memref<1664x16xf32, #tpu.memory_space<vmem>> -> memref<26x16xf32, #tpu.memory_space<vmem>>
      %dma_start3A_1351 = arith.constant 0 : i32
      %dma_start3A_1352 = arith.constant 0 : i32
      %dma_start3A_1353 = tpu.memref_slice %arg4[%select_n3A, %add3A_1348, %dma_start3A_1351, %dma_start3A_1352] : memref<4x16384x26x16xf32, #tpu.memory_space<hbm>> -> memref<1x1x26x16xf32, #tpu.memory_space<hbm>>
      %dma_start3A_1354 = tpu.memref_squeeze %dma_start3A_1353 : memref<1x1x26x16xf32, #tpu.memory_space<hbm>> -> memref<26x16xf32, #tpu.memory_space<hbm>>
      %dma_start3A_1355 = arith.constant 0 : i32
      %dma_start3A_1356 = arith.constant 0 : i32
      %dma_start3A_1357 = tpu.memref_slice %arg4[%select_n3A, %add3A_1348, %dma_start3A_1355, %dma_start3A_1356] : memref<4x16384x26x16xf32, #tpu.memory_space<hbm>> -> memref<1x1x26x16xf32, #tpu.memory_space<hbm>>
      %dma_start3A_1358 = tpu.memref_squeeze %dma_start3A_1357 : memref<1x1x26x16xf32, #tpu.memory_space<hbm>> -> memref<26x16xf32, #tpu.memory_space<hbm>>
      %dma_start3A_1359 = arith.constant 0 : i32
      %dma_start3A_1360 = tpu.memref_slice %arg6[%mul3A_1347, %dma_start3A_1359] : memref<1664x16xf32, #tpu.memory_space<vmem>> -> memref<26x16xf32, #tpu.memory_space<vmem>>
      tpu.enqueue_dma source(%dma_start3A_1360 : memref<26x16xf32, #tpu.memory_space<vmem>>) target(%dma_start3A_1358 : memref<26x16xf32, #tpu.memory_space<hbm>>) target_semaphore(%arg10 : memref<!tpu.dma_semaphore, #tpu.memory_space<semaphore_mem>>)
      %scan3A_1361 = arith.constant 0 : i32
      scf.yield %scan3A_1361 : i32
    }
    %scan3A_231 = arith.constant 64 : i32
    %dma_wait3A_232 = arith.constant 0 : i32
    %dma_wait3A_233 = arith.constant 0 : i32
    %dma_wait3A_234 = tpu.memref_slice %arg3[%select_n3A, %dma_wait3A_232, %dma_wait3A_233] : memref<4x1000000x16xf32, #tpu.memory_space<hbm>> -> memref<1x1000000x16xf32, #tpu.memory_space<hbm>>
    %dma_wait3A_235 = tpu.memref_squeeze %dma_wait3A_234 : memref<1x1000000x16xf32, #tpu.memory_space<hbm>> -> memref<1000000x16xf32, #tpu.memory_space<hbm>>
    %dma_wait3A_236 = arith.constant 0 : i32
    %dma_wait3A_237 = arith.constant 0 : i32
    %dma_wait3A_238 = tpu.memref_slice %dma_wait3A_235[%dma_wait3A_236, %dma_wait3A_237] : memref<1000000x16xf32, #tpu.memory_space<hbm>> -> memref<1664x16xf32, #tpu.memory_space<hbm>>
    %dma_wait3A_239 = arith.constant 0 : i32
    %dma_wait3A_240 = arith.constant 0 : i32
    %dma_wait3A_241 = tpu.memref_slice %arg3[%select_n3A, %dma_wait3A_239, %dma_wait3A_240] : memref<4x1000000x16xf32, #tpu.memory_space<hbm>> -> memref<1x1000000x16xf32, #tpu.memory_space<hbm>>
    %dma_wait3A_242 = tpu.memref_squeeze %dma_wait3A_241 : memref<1x1000000x16xf32, #tpu.memory_space<hbm>> -> memref<1000000x16xf32, #tpu.memory_space<hbm>>
    %dma_wait3A_243 = arith.constant 0 : i32
    %dma_wait3A_244 = arith.constant 0 : i32
    %dma_wait3A_245 = tpu.memref_slice %dma_wait3A_242[%dma_wait3A_243, %dma_wait3A_244] : memref<1000000x16xf32, #tpu.memory_space<hbm>> -> memref<1664x16xf32, #tpu.memory_space<hbm>>
    tpu.wait_dma2 semaphore(%arg10 : memref<!tpu.dma_semaphore, #tpu.memory_space<semaphore_mem>>) src(%dma_wait3A_245 : memref<1664x16xf32, #tpu.memory_space<hbm>>) dst(%arg6 : memref<1664x16xf32, #tpu.memory_space<vmem>>)
    %dma_start3A_246 = arith.constant 9984 : i32
    %dma_start3A_247 = tpu.memref_slice %arg5[%dma_start3A_246] : memref<53248xi32, #tpu.memory_space<vmem>> -> memref<1664xi32, #tpu.memory_space<vmem>>
    %dma_start3A_248 = arith.constant 0 : i32
    %dma_start3A_249 = arith.constant 0 : i32
    %dma_start3A_250 = tpu.memref_slice %arg3[%select_n3A, %dma_start3A_248, %dma_start3A_249] : memref<4x1000000x16xf32, #tpu.memory_space<hbm>> -> memref<1x1000000x16xf32, #tpu.memory_space<hbm>>
    %dma_start3A_251 = tpu.memref_squeeze %dma_start3A_250 : memref<1x1000000x16xf32, #tpu.memory_space<hbm>> -> memref<1000000x16xf32, #tpu.memory_space<hbm>>
    %dma_start3A_252 = arith.constant 0 : i32
    %dma_start3A_253 = arith.constant 0 : i32
    %dma_start3A_254 = tpu.memref_slice %dma_start3A_251[%dma_start3A_252, %dma_start3A_253] : memref<1000000x16xf32, #tpu.memory_space<hbm>> -> memref<1000000x16xf32, #tpu.memory_space<hbm>>
    tpu.enqueue_indirect_dma source(%dma_start3A_254 : memref<1000000x16xf32, #tpu.memory_space<hbm>>) target(%arg6 : memref<1664x16xf32, #tpu.memory_space<vmem>>) offsets(%dma_start3A_247 : memref<1664xi32, #tpu.memory_space<vmem>>) semaphore(%arg8 : memref<!tpu.dma_semaphore, #tpu.memory_space<semaphore_mem>>)
    %dma_wait3A_255 = arith.constant 8320 : i32
    %dma_wait3A_256 = tpu.memref_slice %arg5[%dma_wait3A_255] : memref<53248xi32, #tpu.memory_space<vmem>> -> memref<1664xi32, #tpu.memory_space<vmem>>
    %dma_wait3A_257 = arith.constant 0 : i32
    %dma_wait3A_258 = arith.constant 0 : i32
    %dma_wait3A_259 = tpu.memref_slice %arg3[%select_n3A, %dma_wait3A_257, %dma_wait3A_258] : memref<4x1000000x16xf32, #tpu.memory_space<hbm>> -> memref<1x1000000x16xf32, #tpu.memory_space<hbm>>
    %dma_wait3A_260 = tpu.memref_squeeze %dma_wait3A_259 : memref<1x1000000x16xf32, #tpu.memory_space<hbm>> -> memref<1000000x16xf32, #tpu.memory_space<hbm>>
    %dma_wait3A_261 = arith.constant 0 : i32
    %dma_wait3A_262 = arith.constant 0 : i32
    %dma_wait3A_263 = tpu.memref_slice %dma_wait3A_260[%dma_wait3A_261, %dma_wait3A_262] : memref<1000000x16xf32, #tpu.memory_space<hbm>> -> memref<1000000x16xf32, #tpu.memory_space<hbm>>
    tpu.wait_indirect_dma semaphore(%arg9 : memref<!tpu.dma_semaphore, #tpu.memory_space<semaphore_mem>>) src(%dma_wait3A_263 : memref<1000000x16xf32, #tpu.memory_space<hbm>>) dst(%arg7 : memref<1664x16xf32, #tpu.memory_space<vmem>>)
    %add3A_264 = arith.constant 320 : i32
    %add3A_265 = arith.addi %mul3A_34, %add3A_264 : i32
    %scan3A_266 = arith.constant 0 : i32
    %scan3A_267 = arith.constant 0 : i32
    %scan3A_268 = arith.constant 64 : i32
    %scan3A_269 = arith.addi %scan3A_267, %scan3A_268 : i32
    %scan3A_270 = arith.constant 1 : i32
    %scan3A_271 = scf.for %scan3A_1344 = %scan3A_267 to %scan3A_269 step %scan3A_270 iter_args(%scan3A_1345 = %scan3A_266) -> (i32)  : i32 {
      %mul3A_1346 = arith.constant 26 : i32
      %mul3A_1347 = arith.muli %scan3A_1344, %mul3A_1346 : i32
      %add3A_1348 = arith.addi %add3A_265, %scan3A_1344 : i32
      %dma_start3A_1349 = arith.constant 0 : i32
      %dma_start3A_1350 = tpu.memref_slice %arg7[%mul3A_1347, %dma_start3A_1349] : memref<1664x16xf32, #tpu.memory_space<vmem>> -> memref<26x16xf32, #tpu.memory_space<vmem>>
      %dma_start3A_1351 = arith.constant 0 : i32
      %dma_start3A_1352 = arith.constant 0 : i32
      %dma_start3A_1353 = tpu.memref_slice %arg4[%select_n3A, %add3A_1348, %dma_start3A_1351, %dma_start3A_1352] : memref<4x16384x26x16xf32, #tpu.memory_space<hbm>> -> memref<1x1x26x16xf32, #tpu.memory_space<hbm>>
      %dma_start3A_1354 = tpu.memref_squeeze %dma_start3A_1353 : memref<1x1x26x16xf32, #tpu.memory_space<hbm>> -> memref<26x16xf32, #tpu.memory_space<hbm>>
      %dma_start3A_1355 = arith.constant 0 : i32
      %dma_start3A_1356 = arith.constant 0 : i32
      %dma_start3A_1357 = tpu.memref_slice %arg4[%select_n3A, %add3A_1348, %dma_start3A_1355, %dma_start3A_1356] : memref<4x16384x26x16xf32, #tpu.memory_space<hbm>> -> memref<1x1x26x16xf32, #tpu.memory_space<hbm>>
      %dma_start3A_1358 = tpu.memref_squeeze %dma_start3A_1357 : memref<1x1x26x16xf32, #tpu.memory_space<hbm>> -> memref<26x16xf32, #tpu.memory_space<hbm>>
      %dma_start3A_1359 = arith.constant 0 : i32
      %dma_start3A_1360 = tpu.memref_slice %arg7[%mul3A_1347, %dma_start3A_1359] : memref<1664x16xf32, #tpu.memory_space<vmem>> -> memref<26x16xf32, #tpu.memory_space<vmem>>
      tpu.enqueue_dma source(%dma_start3A_1360 : memref<26x16xf32, #tpu.memory_space<vmem>>) target(%dma_start3A_1358 : memref<26x16xf32, #tpu.memory_space<hbm>>) target_semaphore(%arg11 : memref<!tpu.dma_semaphore, #tpu.memory_space<semaphore_mem>>)
      %scan3A_1361 = arith.constant 0 : i32
      scf.yield %scan3A_1361 : i32
    }
    %scan3A_272 = arith.constant 64 : i32
    %dma_wait3A_273 = arith.constant 0 : i32
    %dma_wait3A_274 = arith.constant 0 : i32
    %dma_wait3A_275 = tpu.memref_slice %arg3[%select_n3A, %dma_wait3A_273, %dma_wait3A_274] : memref<4x1000000x16xf32, #tpu.memory_space<hbm>> -> memref<1x1000000x16xf32, #tpu.memory_space<hbm>>
    %dma_wait3A_276 = tpu.memref_squeeze %dma_wait3A_275 : memref<1x1000000x16xf32, #tpu.memory_space<hbm>> -> memref<1000000x16xf32, #tpu.memory_space<hbm>>
    %dma_wait3A_277 = arith.constant 0 : i32
    %dma_wait3A_278 = arith.constant 0 : i32
    %dma_wait3A_279 = tpu.memref_slice %dma_wait3A_276[%dma_wait3A_277, %dma_wait3A_278] : memref<1000000x16xf32, #tpu.memory_space<hbm>> -> memref<1664x16xf32, #tpu.memory_space<hbm>>
    %dma_wait3A_280 = arith.constant 0 : i32
    %dma_wait3A_281 = arith.constant 0 : i32
    %dma_wait3A_282 = tpu.memref_slice %arg3[%select_n3A, %dma_wait3A_280, %dma_wait3A_281] : memref<4x1000000x16xf32, #tpu.memory_space<hbm>> -> memref<1x1000000x16xf32, #tpu.memory_space<hbm>>
    %dma_wait3A_283 = tpu.memref_squeeze %dma_wait3A_282 : memref<1x1000000x16xf32, #tpu.memory_space<hbm>> -> memref<1000000x16xf32, #tpu.memory_space<hbm>>
    %dma_wait3A_284 = arith.constant 0 : i32
    %dma_wait3A_285 = arith.constant 0 : i32
    %dma_wait3A_286 = tpu.memref_slice %dma_wait3A_283[%dma_wait3A_284, %dma_wait3A_285] : memref<1000000x16xf32, #tpu.memory_space<hbm>> -> memref<1664x16xf32, #tpu.memory_space<hbm>>
    tpu.wait_dma2 semaphore(%arg11 : memref<!tpu.dma_semaphore, #tpu.memory_space<semaphore_mem>>) src(%dma_wait3A_286 : memref<1664x16xf32, #tpu.memory_space<hbm>>) dst(%arg7 : memref<1664x16xf32, #tpu.memory_space<vmem>>)
    %dma_start3A_287 = arith.constant 11648 : i32
    %dma_start3A_288 = tpu.memref_slice %arg5[%dma_start3A_287] : memref<53248xi32, #tpu.memory_space<vmem>> -> memref<1664xi32, #tpu.memory_space<vmem>>
    %dma_start3A_289 = arith.constant 0 : i32
    %dma_start3A_290 = arith.constant 0 : i32
    %dma_start3A_291 = tpu.memref_slice %arg3[%select_n3A, %dma_start3A_289, %dma_start3A_290] : memref<4x1000000x16xf32, #tpu.memory_space<hbm>> -> memref<1x1000000x16xf32, #tpu.memory_space<hbm>>
    %dma_start3A_292 = tpu.memref_squeeze %dma_start3A_291 : memref<1x1000000x16xf32, #tpu.memory_space<hbm>> -> memref<1000000x16xf32, #tpu.memory_space<hbm>>
    %dma_start3A_293 = arith.constant 0 : i32
    %dma_start3A_294 = arith.constant 0 : i32
    %dma_start3A_295 = tpu.memref_slice %dma_start3A_292[%dma_start3A_293, %dma_start3A_294] : memref<1000000x16xf32, #tpu.memory_space<hbm>> -> memref<1000000x16xf32, #tpu.memory_space<hbm>>
    tpu.enqueue_indirect_dma source(%dma_start3A_295 : memref<1000000x16xf32, #tpu.memory_space<hbm>>) target(%arg7 : memref<1664x16xf32, #tpu.memory_space<vmem>>) offsets(%dma_start3A_288 : memref<1664xi32, #tpu.memory_space<vmem>>) semaphore(%arg9 : memref<!tpu.dma_semaphore, #tpu.memory_space<semaphore_mem>>)
    %dma_wait3A_296 = arith.constant 9984 : i32
    %dma_wait3A_297 = tpu.memref_slice %arg5[%dma_wait3A_296] : memref<53248xi32, #tpu.memory_space<vmem>> -> memref<1664xi32, #tpu.memory_space<vmem>>
    %dma_wait3A_298 = arith.constant 0 : i32
    %dma_wait3A_299 = arith.constant 0 : i32
    %dma_wait3A_300 = tpu.memref_slice %arg3[%select_n3A, %dma_wait3A_298, %dma_wait3A_299] : memref<4x1000000x16xf32, #tpu.memory_space<hbm>> -> memref<1x1000000x16xf32, #tpu.memory_space<hbm>>
    %dma_wait3A_301 = tpu.memref_squeeze %dma_wait3A_300 : memref<1x1000000x16xf32, #tpu.memory_space<hbm>> -> memref<1000000x16xf32, #tpu.memory_space<hbm>>
    %dma_wait3A_302 = arith.constant 0 : i32
    %dma_wait3A_303 = arith.constant 0 : i32
    %dma_wait3A_304 = tpu.memref_slice %dma_wait3A_301[%dma_wait3A_302, %dma_wait3A_303] : memref<1000000x16xf32, #tpu.memory_space<hbm>> -> memref<1000000x16xf32, #tpu.memory_space<hbm>>
    tpu.wait_indirect_dma semaphore(%arg8 : memref<!tpu.dma_semaphore, #tpu.memory_space<semaphore_mem>>) src(%dma_wait3A_304 : memref<1000000x16xf32, #tpu.memory_space<hbm>>) dst(%arg6 : memref<1664x16xf32, #tpu.memory_space<vmem>>)
    %add3A_305 = arith.constant 384 : i32
    %add3A_306 = arith.addi %mul3A_34, %add3A_305 : i32
    %scan3A_307 = arith.constant 0 : i32
    %scan3A_308 = arith.constant 0 : i32
    %scan3A_309 = arith.constant 64 : i32
    %scan3A_310 = arith.addi %scan3A_308, %scan3A_309 : i32
    %scan3A_311 = arith.constant 1 : i32
    %scan3A_312 = scf.for %scan3A_1344 = %scan3A_308 to %scan3A_310 step %scan3A_311 iter_args(%scan3A_1345 = %scan3A_307) -> (i32)  : i32 {
      %mul3A_1346 = arith.constant 26 : i32
      %mul3A_1347 = arith.muli %scan3A_1344, %mul3A_1346 : i32
      %add3A_1348 = arith.addi %add3A_306, %scan3A_1344 : i32
      %dma_start3A_1349 = arith.constant 0 : i32
      %dma_start3A_1350 = tpu.memref_slice %arg6[%mul3A_1347, %dma_start3A_1349] : memref<1664x16xf32, #tpu.memory_space<vmem>> -> memref<26x16xf32, #tpu.memory_space<vmem>>
      %dma_start3A_1351 = arith.constant 0 : i32
      %dma_start3A_1352 = arith.constant 0 : i32
      %dma_start3A_1353 = tpu.memref_slice %arg4[%select_n3A, %add3A_1348, %dma_start3A_1351, %dma_start3A_1352] : memref<4x16384x26x16xf32, #tpu.memory_space<hbm>> -> memref<1x1x26x16xf32, #tpu.memory_space<hbm>>
      %dma_start3A_1354 = tpu.memref_squeeze %dma_start3A_1353 : memref<1x1x26x16xf32, #tpu.memory_space<hbm>> -> memref<26x16xf32, #tpu.memory_space<hbm>>
      %dma_start3A_1355 = arith.constant 0 : i32
      %dma_start3A_1356 = arith.constant 0 : i32
      %dma_start3A_1357 = tpu.memref_slice %arg4[%select_n3A, %add3A_1348, %dma_start3A_1355, %dma_start3A_1356] : memref<4x16384x26x16xf32, #tpu.memory_space<hbm>> -> memref<1x1x26x16xf32, #tpu.memory_space<hbm>>
      %dma_start3A_1358 = tpu.memref_squeeze %dma_start3A_1357 : memref<1x1x26x16xf32, #tpu.memory_space<hbm>> -> memref<26x16xf32, #tpu.memory_space<hbm>>
      %dma_start3A_1359 = arith.constant 0 : i32
      %dma_start3A_1360 = tpu.memref_slice %arg6[%mul3A_1347, %dma_start3A_1359] : memref<1664x16xf32, #tpu.memory_space<vmem>> -> memref<26x16xf32, #tpu.memory_space<vmem>>
      tpu.enqueue_dma source(%dma_start3A_1360 : memref<26x16xf32, #tpu.memory_space<vmem>>) target(%dma_start3A_1358 : memref<26x16xf32, #tpu.memory_space<hbm>>) target_semaphore(%arg10 : memref<!tpu.dma_semaphore, #tpu.memory_space<semaphore_mem>>)
      %scan3A_1361 = arith.constant 0 : i32
      scf.yield %scan3A_1361 : i32
    }
    %scan3A_313 = arith.constant 64 : i32
    %dma_wait3A_314 = arith.constant 0 : i32
    %dma_wait3A_315 = arith.constant 0 : i32
    %dma_wait3A_316 = tpu.memref_slice %arg3[%select_n3A, %dma_wait3A_314, %dma_wait3A_315] : memref<4x1000000x16xf32, #tpu.memory_space<hbm>> -> memref<1x1000000x16xf32, #tpu.memory_space<hbm>>
    %dma_wait3A_317 = tpu.memref_squeeze %dma_wait3A_316 : memref<1x1000000x16xf32, #tpu.memory_space<hbm>> -> memref<1000000x16xf32, #tpu.memory_space<hbm>>
    %dma_wait3A_318 = arith.constant 0 : i32
    %dma_wait3A_319 = arith.constant 0 : i32
    %dma_wait3A_320 = tpu.memref_slice %dma_wait3A_317[%dma_wait3A_318, %dma_wait3A_319] : memref<1000000x16xf32, #tpu.memory_space<hbm>> -> memref<1664x16xf32, #tpu.memory_space<hbm>>
    %dma_wait3A_321 = arith.constant 0 : i32
    %dma_wait3A_322 = arith.constant 0 : i32
    %dma_wait3A_323 = tpu.memref_slice %arg3[%select_n3A, %dma_wait3A_321, %dma_wait3A_322] : memref<4x1000000x16xf32, #tpu.memory_space<hbm>> -> memref<1x1000000x16xf32, #tpu.memory_space<hbm>>
    %dma_wait3A_324 = tpu.memref_squeeze %dma_wait3A_323 : memref<1x1000000x16xf32, #tpu.memory_space<hbm>> -> memref<1000000x16xf32, #tpu.memory_space<hbm>>
    %dma_wait3A_325 = arith.constant 0 : i32
    %dma_wait3A_326 = arith.constant 0 : i32
    %dma_wait3A_327 = tpu.memref_slice %dma_wait3A_324[%dma_wait3A_325, %dma_wait3A_326] : memref<1000000x16xf32, #tpu.memory_space<hbm>> -> memref<1664x16xf32, #tpu.memory_space<hbm>>
    tpu.wait_dma2 semaphore(%arg10 : memref<!tpu.dma_semaphore, #tpu.memory_space<semaphore_mem>>) src(%dma_wait3A_327 : memref<1664x16xf32, #tpu.memory_space<hbm>>) dst(%arg6 : memref<1664x16xf32, #tpu.memory_space<vmem>>)
    %dma_start3A_328 = arith.constant 13312 : i32
    %dma_start3A_329 = tpu.memref_slice %arg5[%dma_start3A_328] : memref<53248xi32, #tpu.memory_space<vmem>> -> memref<1664xi32, #tpu.memory_space<vmem>>
    %dma_start3A_330 = arith.constant 0 : i32
    %dma_start3A_331 = arith.constant 0 : i32
    %dma_start3A_332 = tpu.memref_slice %arg3[%select_n3A, %dma_start3A_330, %dma_start3A_331] : memref<4x1000000x16xf32, #tpu.memory_space<hbm>> -> memref<1x1000000x16xf32, #tpu.memory_space<hbm>>
    %dma_start3A_333 = tpu.memref_squeeze %dma_start3A_332 : memref<1x1000000x16xf32, #tpu.memory_space<hbm>> -> memref<1000000x16xf32, #tpu.memory_space<hbm>>
    %dma_start3A_334 = arith.constant 0 : i32
    %dma_start3A_335 = arith.constant 0 : i32
    %dma_start3A_336 = tpu.memref_slice %dma_start3A_333[%dma_start3A_334, %dma_start3A_335] : memref<1000000x16xf32, #tpu.memory_space<hbm>> -> memref<1000000x16xf32, #tpu.memory_space<hbm>>
    tpu.enqueue_indirect_dma source(%dma_start3A_336 : memref<1000000x16xf32, #tpu.memory_space<hbm>>) target(%arg6 : memref<1664x16xf32, #tpu.memory_space<vmem>>) offsets(%dma_start3A_329 : memref<1664xi32, #tpu.memory_space<vmem>>) semaphore(%arg8 : memref<!tpu.dma_semaphore, #tpu.memory_space<semaphore_mem>>)
    %dma_wait3A_337 = arith.constant 11648 : i32
    %dma_wait3A_338 = tpu.memref_slice %arg5[%dma_wait3A_337] : memref<53248xi32, #tpu.memory_space<vmem>> -> memref<1664xi32, #tpu.memory_space<vmem>>
    %dma_wait3A_339 = arith.constant 0 : i32
    %dma_wait3A_340 = arith.constant 0 : i32
    %dma_wait3A_341 = tpu.memref_slice %arg3[%select_n3A, %dma_wait3A_339, %dma_wait3A_340] : memref<4x1000000x16xf32, #tpu.memory_space<hbm>> -> memref<1x1000000x16xf32, #tpu.memory_space<hbm>>
    %dma_wait3A_342 = tpu.memref_squeeze %dma_wait3A_341 : memref<1x1000000x16xf32, #tpu.memory_space<hbm>> -> memref<1000000x16xf32, #tpu.memory_space<hbm>>
    %dma_wait3A_343 = arith.constant 0 : i32
    %dma_wait3A_344 = arith.constant 0 : i32
    %dma_wait3A_345 = tpu.memref_slice %dma_wait3A_342[%dma_wait3A_343, %dma_wait3A_344] : memref<1000000x16xf32, #tpu.memory_space<hbm>> -> memref<1000000x16xf32, #tpu.memory_space<hbm>>
    tpu.wait_indirect_dma semaphore(%arg9 : memref<!tpu.dma_semaphore, #tpu.memory_space<semaphore_mem>>) src(%dma_wait3A_345 : memref<1000000x16xf32, #tpu.memory_space<hbm>>) dst(%arg7 : memref<1664x16xf32, #tpu.memory_space<vmem>>)
    %add3A_346 = arith.constant 448 : i32
    %add3A_347 = arith.addi %mul3A_34, %add3A_346 : i32
    %scan3A_348 = arith.constant 0 : i32
    %scan3A_349 = arith.constant 0 : i32
    %scan3A_350 = arith.constant 64 : i32
    %scan3A_351 = arith.addi %scan3A_349, %scan3A_350 : i32
    %scan3A_352 = arith.constant 1 : i32
    %scan3A_353 = scf.for %scan3A_1344 = %scan3A_349 to %scan3A_351 step %scan3A_352 iter_args(%scan3A_1345 = %scan3A_348) -> (i32)  : i32 {
      %mul3A_1346 = arith.constant 26 : i32
      %mul3A_1347 = arith.muli %scan3A_1344, %mul3A_1346 : i32
      %add3A_1348 = arith.addi %add3A_347, %scan3A_1344 : i32
      %dma_start3A_1349 = arith.constant 0 : i32
      %dma_start3A_1350 = tpu.memref_slice %arg7[%mul3A_1347, %dma_start3A_1349] : memref<1664x16xf32, #tpu.memory_space<vmem>> -> memref<26x16xf32, #tpu.memory_space<vmem>>
      %dma_start3A_1351 = arith.constant 0 : i32
      %dma_start3A_1352 = arith.constant 0 : i32
      %dma_start3A_1353 = tpu.memref_slice %arg4[%select_n3A, %add3A_1348, %dma_start3A_1351, %dma_start3A_1352] : memref<4x16384x26x16xf32, #tpu.memory_space<hbm>> -> memref<1x1x26x16xf32, #tpu.memory_space<hbm>>
      %dma_start3A_1354 = tpu.memref_squeeze %dma_start3A_1353 : memref<1x1x26x16xf32, #tpu.memory_space<hbm>> -> memref<26x16xf32, #tpu.memory_space<hbm>>
      %dma_start3A_1355 = arith.constant 0 : i32
      %dma_start3A_1356 = arith.constant 0 : i32
      %dma_start3A_1357 = tpu.memref_slice %arg4[%select_n3A, %add3A_1348, %dma_start3A_1355, %dma_start3A_1356] : memref<4x16384x26x16xf32, #tpu.memory_space<hbm>> -> memref<1x1x26x16xf32, #tpu.memory_space<hbm>>
      %dma_start3A_1358 = tpu.memref_squeeze %dma_start3A_1357 : memref<1x1x26x16xf32, #tpu.memory_space<hbm>> -> memref<26x16xf32, #tpu.memory_space<hbm>>
      %dma_start3A_1359 = arith.constant 0 : i32
      %dma_start3A_1360 = tpu.memref_slice %arg7[%mul3A_1347, %dma_start3A_1359] : memref<1664x16xf32, #tpu.memory_space<vmem>> -> memref<26x16xf32, #tpu.memory_space<vmem>>
      tpu.enqueue_dma source(%dma_start3A_1360 : memref<26x16xf32, #tpu.memory_space<vmem>>) target(%dma_start3A_1358 : memref<26x16xf32, #tpu.memory_space<hbm>>) target_semaphore(%arg11 : memref<!tpu.dma_semaphore, #tpu.memory_space<semaphore_mem>>)
      %scan3A_1361 = arith.constant 0 : i32
      scf.yield %scan3A_1361 : i32
    }
    %scan3A_354 = arith.constant 64 : i32
    %dma_wait3A_355 = arith.constant 0 : i32
    %dma_wait3A_356 = arith.constant 0 : i32
    %dma_wait3A_357 = tpu.memref_slice %arg3[%select_n3A, %dma_wait3A_355, %dma_wait3A_356] : memref<4x1000000x16xf32, #tpu.memory_space<hbm>> -> memref<1x1000000x16xf32, #tpu.memory_space<hbm>>
    %dma_wait3A_358 = tpu.memref_squeeze %dma_wait3A_357 : memref<1x1000000x16xf32, #tpu.memory_space<hbm>> -> memref<1000000x16xf32, #tpu.memory_space<hbm>>
    %dma_wait3A_359 = arith.constant 0 : i32
    %dma_wait3A_360 = arith.constant 0 : i32
    %dma_wait3A_361 = tpu.memref_slice %dma_wait3A_358[%dma_wait3A_359, %dma_wait3A_360] : memref<1000000x16xf32, #tpu.memory_space<hbm>> -> memref<1664x16xf32, #tpu.memory_space<hbm>>
    %dma_wait3A_362 = arith.constant 0 : i32
    %dma_wait3A_363 = arith.constant 0 : i32
    %dma_wait3A_364 = tpu.memref_slice %arg3[%select_n3A, %dma_wait3A_362, %dma_wait3A_363] : memref<4x1000000x16xf32, #tpu.memory_space<hbm>> -> memref<1x1000000x16xf32, #tpu.memory_space<hbm>>
    %dma_wait3A_365 = tpu.memref_squeeze %dma_wait3A_364 : memref<1x1000000x16xf32, #tpu.memory_space<hbm>> -> memref<1000000x16xf32, #tpu.memory_space<hbm>>
    %dma_wait3A_366 = arith.constant 0 : i32
    %dma_wait3A_367 = arith.constant 0 : i32
    %dma_wait3A_368 = tpu.memref_slice %dma_wait3A_365[%dma_wait3A_366, %dma_wait3A_367] : memref<1000000x16xf32, #tpu.memory_space<hbm>> -> memref<1664x16xf32, #tpu.memory_space<hbm>>
    tpu.wait_dma2 semaphore(%arg11 : memref<!tpu.dma_semaphore, #tpu.memory_space<semaphore_mem>>) src(%dma_wait3A_368 : memref<1664x16xf32, #tpu.memory_space<hbm>>) dst(%arg7 : memref<1664x16xf32, #tpu.memory_space<vmem>>)
    %dma_start3A_369 = arith.constant 14976 : i32
    %dma_start3A_370 = tpu.memref_slice %arg5[%dma_start3A_369] : memref<53248xi32, #tpu.memory_space<vmem>> -> memref<1664xi32, #tpu.memory_space<vmem>>
    %dma_start3A_371 = arith.constant 0 : i32
    %dma_start3A_372 = arith.constant 0 : i32
    %dma_start3A_373 = tpu.memref_slice %arg3[%select_n3A, %dma_start3A_371, %dma_start3A_372] : memref<4x1000000x16xf32, #tpu.memory_space<hbm>> -> memref<1x1000000x16xf32, #tpu.memory_space<hbm>>
    %dma_start3A_374 = tpu.memref_squeeze %dma_start3A_373 : memref<1x1000000x16xf32, #tpu.memory_space<hbm>> -> memref<1000000x16xf32, #tpu.memory_space<hbm>>
    %dma_start3A_375 = arith.constant 0 : i32
    %dma_start3A_376 = arith.constant 0 : i32
    %dma_start3A_377 = tpu.memref_slice %dma_start3A_374[%dma_start3A_375, %dma_start3A_376] : memref<1000000x16xf32, #tpu.memory_space<hbm>> -> memref<1000000x16xf32, #tpu.memory_space<hbm>>
    tpu.enqueue_indirect_dma source(%dma_start3A_377 : memref<1000000x16xf32, #tpu.memory_space<hbm>>) target(%arg7 : memref<1664x16xf32, #tpu.memory_space<vmem>>) offsets(%dma_start3A_370 : memref<1664xi32, #tpu.memory_space<vmem>>) semaphore(%arg9 : memref<!tpu.dma_semaphore, #tpu.memory_space<semaphore_mem>>)
    %dma_wait3A_378 = arith.constant 13312 : i32
    %dma_wait3A_379 = tpu.memref_slice %arg5[%dma_wait3A_378] : memref<53248xi32, #tpu.memory_space<vmem>> -> memref<1664xi32, #tpu.memory_space<vmem>>
    %dma_wait3A_380 = arith.constant 0 : i32
    %dma_wait3A_381 = arith.constant 0 : i32
    %dma_wait3A_382 = tpu.memref_slice %arg3[%select_n3A, %dma_wait3A_380, %dma_wait3A_381] : memref<4x1000000x16xf32, #tpu.memory_space<hbm>> -> memref<1x1000000x16xf32, #tpu.memory_space<hbm>>
    %dma_wait3A_383 = tpu.memref_squeeze %dma_wait3A_382 : memref<1x1000000x16xf32, #tpu.memory_space<hbm>> -> memref<1000000x16xf32, #tpu.memory_space<hbm>>
    %dma_wait3A_384 = arith.constant 0 : i32
    %dma_wait3A_385 = arith.constant 0 : i32
    %dma_wait3A_386 = tpu.memref_slice %dma_wait3A_383[%dma_wait3A_384, %dma_wait3A_385] : memref<1000000x16xf32, #tpu.memory_space<hbm>> -> memref<1000000x16xf32, #tpu.memory_space<hbm>>
    tpu.wait_indirect_dma semaphore(%arg8 : memref<!tpu.dma_semaphore, #tpu.memory_space<semaphore_mem>>) src(%dma_wait3A_386 : memref<1000000x16xf32, #tpu.memory_space<hbm>>) dst(%arg6 : memref<1664x16xf32, #tpu.memory_space<vmem>>)
    %add3A_387 = arith.constant 512 : i32
    %add3A_388 = arith.addi %mul3A_34, %add3A_387 : i32
    %scan3A_389 = arith.constant 0 : i32
    %scan3A_390 = arith.constant 0 : i32
    %scan3A_391 = arith.constant 64 : i32
    %scan3A_392 = arith.addi %scan3A_390, %scan3A_391 : i32
    %scan3A_393 = arith.constant 1 : i32
    %scan3A_394 = scf.for %scan3A_1344 = %scan3A_390 to %scan3A_392 step %scan3A_393 iter_args(%scan3A_1345 = %scan3A_389) -> (i32)  : i32 {
      %mul3A_1346 = arith.constant 26 : i32
      %mul3A_1347 = arith.muli %scan3A_1344, %mul3A_1346 : i32
      %add3A_1348 = arith.addi %add3A_388, %scan3A_1344 : i32
      %dma_start3A_1349 = arith.constant 0 : i32
      %dma_start3A_1350 = tpu.memref_slice %arg6[%mul3A_1347, %dma_start3A_1349] : memref<1664x16xf32, #tpu.memory_space<vmem>> -> memref<26x16xf32, #tpu.memory_space<vmem>>
      %dma_start3A_1351 = arith.constant 0 : i32
      %dma_start3A_1352 = arith.constant 0 : i32
      %dma_start3A_1353 = tpu.memref_slice %arg4[%select_n3A, %add3A_1348, %dma_start3A_1351, %dma_start3A_1352] : memref<4x16384x26x16xf32, #tpu.memory_space<hbm>> -> memref<1x1x26x16xf32, #tpu.memory_space<hbm>>
      %dma_start3A_1354 = tpu.memref_squeeze %dma_start3A_1353 : memref<1x1x26x16xf32, #tpu.memory_space<hbm>> -> memref<26x16xf32, #tpu.memory_space<hbm>>
      %dma_start3A_1355 = arith.constant 0 : i32
      %dma_start3A_1356 = arith.constant 0 : i32
      %dma_start3A_1357 = tpu.memref_slice %arg4[%select_n3A, %add3A_1348, %dma_start3A_1355, %dma_start3A_1356] : memref<4x16384x26x16xf32, #tpu.memory_space<hbm>> -> memref<1x1x26x16xf32, #tpu.memory_space<hbm>>
      %dma_start3A_1358 = tpu.memref_squeeze %dma_start3A_1357 : memref<1x1x26x16xf32, #tpu.memory_space<hbm>> -> memref<26x16xf32, #tpu.memory_space<hbm>>
      %dma_start3A_1359 = arith.constant 0 : i32
      %dma_start3A_1360 = tpu.memref_slice %arg6[%mul3A_1347, %dma_start3A_1359] : memref<1664x16xf32, #tpu.memory_space<vmem>> -> memref<26x16xf32, #tpu.memory_space<vmem>>
      tpu.enqueue_dma source(%dma_start3A_1360 : memref<26x16xf32, #tpu.memory_space<vmem>>) target(%dma_start3A_1358 : memref<26x16xf32, #tpu.memory_space<hbm>>) target_semaphore(%arg10 : memref<!tpu.dma_semaphore, #tpu.memory_space<semaphore_mem>>)
      %scan3A_1361 = arith.constant 0 : i32
      scf.yield %scan3A_1361 : i32
    }
    %scan3A_395 = arith.constant 64 : i32
    %dma_wait3A_396 = arith.constant 0 : i32
    %dma_wait3A_397 = arith.constant 0 : i32
    %dma_wait3A_398 = tpu.memref_slice %arg3[%select_n3A, %dma_wait3A_396, %dma_wait3A_397] : memref<4x1000000x16xf32, #tpu.memory_space<hbm>> -> memref<1x1000000x16xf32, #tpu.memory_space<hbm>>
    %dma_wait3A_399 = tpu.memref_squeeze %dma_wait3A_398 : memref<1x1000000x16xf32, #tpu.memory_space<hbm>> -> memref<1000000x16xf32, #tpu.memory_space<hbm>>
    %dma_wait3A_400 = arith.constant 0 : i32
    %dma_wait3A_401 = arith.constant 0 : i32
    %dma_wait3A_402 = tpu.memref_slice %dma_wait3A_399[%dma_wait3A_400, %dma_wait3A_401] : memref<1000000x16xf32, #tpu.memory_space<hbm>> -> memref<1664x16xf32, #tpu.memory_space<hbm>>
    %dma_wait3A_403 = arith.constant 0 : i32
    %dma_wait3A_404 = arith.constant 0 : i32
    %dma_wait3A_405 = tpu.memref_slice %arg3[%select_n3A, %dma_wait3A_403, %dma_wait3A_404] : memref<4x1000000x16xf32, #tpu.memory_space<hbm>> -> memref<1x1000000x16xf32, #tpu.memory_space<hbm>>
    %dma_wait3A_406 = tpu.memref_squeeze %dma_wait3A_405 : memref<1x1000000x16xf32, #tpu.memory_space<hbm>> -> memref<1000000x16xf32, #tpu.memory_space<hbm>>
    %dma_wait3A_407 = arith.constant 0 : i32
    %dma_wait3A_408 = arith.constant 0 : i32
    %dma_wait3A_409 = tpu.memref_slice %dma_wait3A_406[%dma_wait3A_407, %dma_wait3A_408] : memref<1000000x16xf32, #tpu.memory_space<hbm>> -> memref<1664x16xf32, #tpu.memory_space<hbm>>
    tpu.wait_dma2 semaphore(%arg10 : memref<!tpu.dma_semaphore, #tpu.memory_space<semaphore_mem>>) src(%dma_wait3A_409 : memref<1664x16xf32, #tpu.memory_space<hbm>>) dst(%arg6 : memref<1664x16xf32, #tpu.memory_space<vmem>>)
    %dma_start3A_410 = arith.constant 16640 : i32
    %dma_start3A_411 = tpu.memref_slice %arg5[%dma_start3A_410] : memref<53248xi32, #tpu.memory_space<vmem>> -> memref<1664xi32, #tpu.memory_space<vmem>>
    %dma_start3A_412 = arith.constant 0 : i32
    %dma_start3A_413 = arith.constant 0 : i32
    %dma_start3A_414 = tpu.memref_slice %arg3[%select_n3A, %dma_start3A_412, %dma_start3A_413] : memref<4x1000000x16xf32, #tpu.memory_space<hbm>> -> memref<1x1000000x16xf32, #tpu.memory_space<hbm>>
    %dma_start3A_415 = tpu.memref_squeeze %dma_start3A_414 : memref<1x1000000x16xf32, #tpu.memory_space<hbm>> -> memref<1000000x16xf32, #tpu.memory_space<hbm>>
    %dma_start3A_416 = arith.constant 0 : i32
    %dma_start3A_417 = arith.constant 0 : i32
    %dma_start3A_418 = tpu.memref_slice %dma_start3A_415[%dma_start3A_416, %dma_start3A_417] : memref<1000000x16xf32, #tpu.memory_space<hbm>> -> memref<1000000x16xf32, #tpu.memory_space<hbm>>
    tpu.enqueue_indirect_dma source(%dma_start3A_418 : memref<1000000x16xf32, #tpu.memory_space<hbm>>) target(%arg6 : memref<1664x16xf32, #tpu.memory_space<vmem>>) offsets(%dma_start3A_411 : memref<1664xi32, #tpu.memory_space<vmem>>) semaphore(%arg8 : memref<!tpu.dma_semaphore, #tpu.memory_space<semaphore_mem>>)
    %dma_wait3A_419 = arith.constant 14976 : i32
    %dma_wait3A_420 = tpu.memref_slice %arg5[%dma_wait3A_419] : memref<53248xi32, #tpu.memory_space<vmem>> -> memref<1664xi32, #tpu.memory_space<vmem>>
    %dma_wait3A_421 = arith.constant 0 : i32
    %dma_wait3A_422 = arith.constant 0 : i32
    %dma_wait3A_423 = tpu.memref_slice %arg3[%select_n3A, %dma_wait3A_421, %dma_wait3A_422] : memref<4x1000000x16xf32, #tpu.memory_space<hbm>> -> memref<1x1000000x16xf32, #tpu.memory_space<hbm>>
    %dma_wait3A_424 = tpu.memref_squeeze %dma_wait3A_423 : memref<1x1000000x16xf32, #tpu.memory_space<hbm>> -> memref<1000000x16xf32, #tpu.memory_space<hbm>>
    %dma_wait3A_425 = arith.constant 0 : i32
    %dma_wait3A_426 = arith.constant 0 : i32
    %dma_wait3A_427 = tpu.memref_slice %dma_wait3A_424[%dma_wait3A_425, %dma_wait3A_426] : memref<1000000x16xf32, #tpu.memory_space<hbm>> -> memref<1000000x16xf32, #tpu.memory_space<hbm>>
    tpu.wait_indirect_dma semaphore(%arg9 : memref<!tpu.dma_semaphore, #tpu.memory_space<semaphore_mem>>) src(%dma_wait3A_427 : memref<1000000x16xf32, #tpu.memory_space<hbm>>) dst(%arg7 : memref<1664x16xf32, #tpu.memory_space<vmem>>)
    %add3A_428 = arith.constant 576 : i32
    %add3A_429 = arith.addi %mul3A_34, %add3A_428 : i32
    %scan3A_430 = arith.constant 0 : i32
    %scan3A_431 = arith.constant 0 : i32
    %scan3A_432 = arith.constant 64 : i32
    %scan3A_433 = arith.addi %scan3A_431, %scan3A_432 : i32
    %scan3A_434 = arith.constant 1 : i32
    %scan3A_435 = scf.for %scan3A_1344 = %scan3A_431 to %scan3A_433 step %scan3A_434 iter_args(%scan3A_1345 = %scan3A_430) -> (i32)  : i32 {
      %mul3A_1346 = arith.constant 26 : i32
      %mul3A_1347 = arith.muli %scan3A_1344, %mul3A_1346 : i32
      %add3A_1348 = arith.addi %add3A_429, %scan3A_1344 : i32
      %dma_start3A_1349 = arith.constant 0 : i32
      %dma_start3A_1350 = tpu.memref_slice %arg7[%mul3A_1347, %dma_start3A_1349] : memref<1664x16xf32, #tpu.memory_space<vmem>> -> memref<26x16xf32, #tpu.memory_space<vmem>>
      %dma_start3A_1351 = arith.constant 0 : i32
      %dma_start3A_1352 = arith.constant 0 : i32
      %dma_start3A_1353 = tpu.memref_slice %arg4[%select_n3A, %add3A_1348, %dma_start3A_1351, %dma_start3A_1352] : memref<4x16384x26x16xf32, #tpu.memory_space<hbm>> -> memref<1x1x26x16xf32, #tpu.memory_space<hbm>>
      %dma_start3A_1354 = tpu.memref_squeeze %dma_start3A_1353 : memref<1x1x26x16xf32, #tpu.memory_space<hbm>> -> memref<26x16xf32, #tpu.memory_space<hbm>>
      %dma_start3A_1355 = arith.constant 0 : i32
      %dma_start3A_1356 = arith.constant 0 : i32
      %dma_start3A_1357 = tpu.memref_slice %arg4[%select_n3A, %add3A_1348, %dma_start3A_1355, %dma_start3A_1356] : memref<4x16384x26x16xf32, #tpu.memory_space<hbm>> -> memref<1x1x26x16xf32, #tpu.memory_space<hbm>>
      %dma_start3A_1358 = tpu.memref_squeeze %dma_start3A_1357 : memref<1x1x26x16xf32, #tpu.memory_space<hbm>> -> memref<26x16xf32, #tpu.memory_space<hbm>>
      %dma_start3A_1359 = arith.constant 0 : i32
      %dma_start3A_1360 = tpu.memref_slice %arg7[%mul3A_1347, %dma_start3A_1359] : memref<1664x16xf32, #tpu.memory_space<vmem>> -> memref<26x16xf32, #tpu.memory_space<vmem>>
      tpu.enqueue_dma source(%dma_start3A_1360 : memref<26x16xf32, #tpu.memory_space<vmem>>) target(%dma_start3A_1358 : memref<26x16xf32, #tpu.memory_space<hbm>>) target_semaphore(%arg11 : memref<!tpu.dma_semaphore, #tpu.memory_space<semaphore_mem>>)
      %scan3A_1361 = arith.constant 0 : i32
      scf.yield %scan3A_1361 : i32
    }
    %scan3A_436 = arith.constant 64 : i32
    %dma_wait3A_437 = arith.constant 0 : i32
    %dma_wait3A_438 = arith.constant 0 : i32
    %dma_wait3A_439 = tpu.memref_slice %arg3[%select_n3A, %dma_wait3A_437, %dma_wait3A_438] : memref<4x1000000x16xf32, #tpu.memory_space<hbm>> -> memref<1x1000000x16xf32, #tpu.memory_space<hbm>>
    %dma_wait3A_440 = tpu.memref_squeeze %dma_wait3A_439 : memref<1x1000000x16xf32, #tpu.memory_space<hbm>> -> memref<1000000x16xf32, #tpu.memory_space<hbm>>
    %dma_wait3A_441 = arith.constant 0 : i32
    %dma_wait3A_442 = arith.constant 0 : i32
    %dma_wait3A_443 = tpu.memref_slice %dma_wait3A_440[%dma_wait3A_441, %dma_wait3A_442] : memref<1000000x16xf32, #tpu.memory_space<hbm>> -> memref<1664x16xf32, #tpu.memory_space<hbm>>
    %dma_wait3A_444 = arith.constant 0 : i32
    %dma_wait3A_445 = arith.constant 0 : i32
    %dma_wait3A_446 = tpu.memref_slice %arg3[%select_n3A, %dma_wait3A_444, %dma_wait3A_445] : memref<4x1000000x16xf32, #tpu.memory_space<hbm>> -> memref<1x1000000x16xf32, #tpu.memory_space<hbm>>
    %dma_wait3A_447 = tpu.memref_squeeze %dma_wait3A_446 : memref<1x1000000x16xf32, #tpu.memory_space<hbm>> -> memref<1000000x16xf32, #tpu.memory_space<hbm>>
    %dma_wait3A_448 = arith.constant 0 : i32
    %dma_wait3A_449 = arith.constant 0 : i32
    %dma_wait3A_450 = tpu.memref_slice %dma_wait3A_447[%dma_wait3A_448, %dma_wait3A_449] : memref<1000000x16xf32, #tpu.memory_space<hbm>> -> memref<1664x16xf32, #tpu.memory_space<hbm>>
    tpu.wait_dma2 semaphore(%arg11 : memref<!tpu.dma_semaphore, #tpu.memory_space<semaphore_mem>>) src(%dma_wait3A_450 : memref<1664x16xf32, #tpu.memory_space<hbm>>) dst(%arg7 : memref<1664x16xf32, #tpu.memory_space<vmem>>)
    %dma_start3A_451 = arith.constant 18304 : i32
    %dma_start3A_452 = tpu.memref_slice %arg5[%dma_start3A_451] : memref<53248xi32, #tpu.memory_space<vmem>> -> memref<1664xi32, #tpu.memory_space<vmem>>
    %dma_start3A_453 = arith.constant 0 : i32
    %dma_start3A_454 = arith.constant 0 : i32
    %dma_start3A_455 = tpu.memref_slice %arg3[%select_n3A, %dma_start3A_453, %dma_start3A_454] : memref<4x1000000x16xf32, #tpu.memory_space<hbm>> -> memref<1x1000000x16xf32, #tpu.memory_space<hbm>>
    %dma_start3A_456 = tpu.memref_squeeze %dma_start3A_455 : memref<1x1000000x16xf32, #tpu.memory_space<hbm>> -> memref<1000000x16xf32, #tpu.memory_space<hbm>>
    %dma_start3A_457 = arith.constant 0 : i32
    %dma_start3A_458 = arith.constant 0 : i32
    %dma_start3A_459 = tpu.memref_slice %dma_start3A_456[%dma_start3A_457, %dma_start3A_458] : memref<1000000x16xf32, #tpu.memory_space<hbm>> -> memref<1000000x16xf32, #tpu.memory_space<hbm>>
    tpu.enqueue_indirect_dma source(%dma_start3A_459 : memref<1000000x16xf32, #tpu.memory_space<hbm>>) target(%arg7 : memref<1664x16xf32, #tpu.memory_space<vmem>>) offsets(%dma_start3A_452 : memref<1664xi32, #tpu.memory_space<vmem>>) semaphore(%arg9 : memref<!tpu.dma_semaphore, #tpu.memory_space<semaphore_mem>>)
    %dma_wait3A_460 = arith.constant 16640 : i32
    %dma_wait3A_461 = tpu.memref_slice %arg5[%dma_wait3A_460] : memref<53248xi32, #tpu.memory_space<vmem>> -> memref<1664xi32, #tpu.memory_space<vmem>>
    %dma_wait3A_462 = arith.constant 0 : i32
    %dma_wait3A_463 = arith.constant 0 : i32
    %dma_wait3A_464 = tpu.memref_slice %arg3[%select_n3A, %dma_wait3A_462, %dma_wait3A_463] : memref<4x1000000x16xf32, #tpu.memory_space<hbm>> -> memref<1x1000000x16xf32, #tpu.memory_space<hbm>>
    %dma_wait3A_465 = tpu.memref_squeeze %dma_wait3A_464 : memref<1x1000000x16xf32, #tpu.memory_space<hbm>> -> memref<1000000x16xf32, #tpu.memory_space<hbm>>
    %dma_wait3A_466 = arith.constant 0 : i32
    %dma_wait3A_467 = arith.constant 0 : i32
    %dma_wait3A_468 = tpu.memref_slice %dma_wait3A_465[%dma_wait3A_466, %dma_wait3A_467] : memref<1000000x16xf32, #tpu.memory_space<hbm>> -> memref<1000000x16xf32, #tpu.memory_space<hbm>>
    tpu.wait_indirect_dma semaphore(%arg8 : memref<!tpu.dma_semaphore, #tpu.memory_space<semaphore_mem>>) src(%dma_wait3A_468 : memref<1000000x16xf32, #tpu.memory_space<hbm>>) dst(%arg6 : memref<1664x16xf32, #tpu.memory_space<vmem>>)
    %add3A_469 = arith.constant 640 : i32
    %add3A_470 = arith.addi %mul3A_34, %add3A_469 : i32
    %scan3A_471 = arith.constant 0 : i32
    %scan3A_472 = arith.constant 0 : i32
    %scan3A_473 = arith.constant 64 : i32
    %scan3A_474 = arith.addi %scan3A_472, %scan3A_473 : i32
    %scan3A_475 = arith.constant 1 : i32
    %scan3A_476 = scf.for %scan3A_1344 = %scan3A_472 to %scan3A_474 step %scan3A_475 iter_args(%scan3A_1345 = %scan3A_471) -> (i32)  : i32 {
      %mul3A_1346 = arith.constant 26 : i32
      %mul3A_1347 = arith.muli %scan3A_1344, %mul3A_1346 : i32
      %add3A_1348 = arith.addi %add3A_470, %scan3A_1344 : i32
      %dma_start3A_1349 = arith.constant 0 : i32
      %dma_start3A_1350 = tpu.memref_slice %arg6[%mul3A_1347, %dma_start3A_1349] : memref<1664x16xf32, #tpu.memory_space<vmem>> -> memref<26x16xf32, #tpu.memory_space<vmem>>
      %dma_start3A_1351 = arith.constant 0 : i32
      %dma_start3A_1352 = arith.constant 0 : i32
      %dma_start3A_1353 = tpu.memref_slice %arg4[%select_n3A, %add3A_1348, %dma_start3A_1351, %dma_start3A_1352] : memref<4x16384x26x16xf32, #tpu.memory_space<hbm>> -> memref<1x1x26x16xf32, #tpu.memory_space<hbm>>
      %dma_start3A_1354 = tpu.memref_squeeze %dma_start3A_1353 : memref<1x1x26x16xf32, #tpu.memory_space<hbm>> -> memref<26x16xf32, #tpu.memory_space<hbm>>
      %dma_start3A_1355 = arith.constant 0 : i32
      %dma_start3A_1356 = arith.constant 0 : i32
      %dma_start3A_1357 = tpu.memref_slice %arg4[%select_n3A, %add3A_1348, %dma_start3A_1355, %dma_start3A_1356] : memref<4x16384x26x16xf32, #tpu.memory_space<hbm>> -> memref<1x1x26x16xf32, #tpu.memory_space<hbm>>
      %dma_start3A_1358 = tpu.memref_squeeze %dma_start3A_1357 : memref<1x1x26x16xf32, #tpu.memory_space<hbm>> -> memref<26x16xf32, #tpu.memory_space<hbm>>
      %dma_start3A_1359 = arith.constant 0 : i32
      %dma_start3A_1360 = tpu.memref_slice %arg6[%mul3A_1347, %dma_start3A_1359] : memref<1664x16xf32, #tpu.memory_space<vmem>> -> memref<26x16xf32, #tpu.memory_space<vmem>>
      tpu.enqueue_dma source(%dma_start3A_1360 : memref<26x16xf32, #tpu.memory_space<vmem>>) target(%dma_start3A_1358 : memref<26x16xf32, #tpu.memory_space<hbm>>) target_semaphore(%arg10 : memref<!tpu.dma_semaphore, #tpu.memory_space<semaphore_mem>>)
      %scan3A_1361 = arith.constant 0 : i32
      scf.yield %scan3A_1361 : i32
    }
    %scan3A_477 = arith.constant 64 : i32
    %dma_wait3A_478 = arith.constant 0 : i32
    %dma_wait3A_479 = arith.constant 0 : i32
    %dma_wait3A_480 = tpu.memref_slice %arg3[%select_n3A, %dma_wait3A_478, %dma_wait3A_479] : memref<4x1000000x16xf32, #tpu.memory_space<hbm>> -> memref<1x1000000x16xf32, #tpu.memory_space<hbm>>
    %dma_wait3A_481 = tpu.memref_squeeze %dma_wait3A_480 : memref<1x1000000x16xf32, #tpu.memory_space<hbm>> -> memref<1000000x16xf32, #tpu.memory_space<hbm>>
    %dma_wait3A_482 = arith.constant 0 : i32
    %dma_wait3A_483 = arith.constant 0 : i32
    %dma_wait3A_484 = tpu.memref_slice %dma_wait3A_481[%dma_wait3A_482, %dma_wait3A_483] : memref<1000000x16xf32, #tpu.memory_space<hbm>> -> memref<1664x16xf32, #tpu.memory_space<hbm>>
    %dma_wait3A_485 = arith.constant 0 : i32
    %dma_wait3A_486 = arith.constant 0 : i32
    %dma_wait3A_487 = tpu.memref_slice %arg3[%select_n3A, %dma_wait3A_485, %dma_wait3A_486] : memref<4x1000000x16xf32, #tpu.memory_space<hbm>> -> memref<1x1000000x16xf32, #tpu.memory_space<hbm>>
    %dma_wait3A_488 = tpu.memref_squeeze %dma_wait3A_487 : memref<1x1000000x16xf32, #tpu.memory_space<hbm>> -> memref<1000000x16xf32, #tpu.memory_space<hbm>>
    %dma_wait3A_489 = arith.constant 0 : i32
    %dma_wait3A_490 = arith.constant 0 : i32
    %dma_wait3A_491 = tpu.memref_slice %dma_wait3A_488[%dma_wait3A_489, %dma_wait3A_490] : memref<1000000x16xf32, #tpu.memory_space<hbm>> -> memref<1664x16xf32, #tpu.memory_space<hbm>>
    tpu.wait_dma2 semaphore(%arg10 : memref<!tpu.dma_semaphore, #tpu.memory_space<semaphore_mem>>) src(%dma_wait3A_491 : memref<1664x16xf32, #tpu.memory_space<hbm>>) dst(%arg6 : memref<1664x16xf32, #tpu.memory_space<vmem>>)
    %dma_start3A_492 = arith.constant 19968 : i32
    %dma_start3A_493 = tpu.memref_slice %arg5[%dma_start3A_492] : memref<53248xi32, #tpu.memory_space<vmem>> -> memref<1664xi32, #tpu.memory_space<vmem>>
    %dma_start3A_494 = arith.constant 0 : i32
    %dma_start3A_495 = arith.constant 0 : i32
    %dma_start3A_496 = tpu.memref_slice %arg3[%select_n3A, %dma_start3A_494, %dma_start3A_495] : memref<4x1000000x16xf32, #tpu.memory_space<hbm>> -> memref<1x1000000x16xf32, #tpu.memory_space<hbm>>
    %dma_start3A_497 = tpu.memref_squeeze %dma_start3A_496 : memref<1x1000000x16xf32, #tpu.memory_space<hbm>> -> memref<1000000x16xf32, #tpu.memory_space<hbm>>
    %dma_start3A_498 = arith.constant 0 : i32
    %dma_start3A_499 = arith.constant 0 : i32
    %dma_start3A_500 = tpu.memref_slice %dma_start3A_497[%dma_start3A_498, %dma_start3A_499] : memref<1000000x16xf32, #tpu.memory_space<hbm>> -> memref<1000000x16xf32, #tpu.memory_space<hbm>>
    tpu.enqueue_indirect_dma source(%dma_start3A_500 : memref<1000000x16xf32, #tpu.memory_space<hbm>>) target(%arg6 : memref<1664x16xf32, #tpu.memory_space<vmem>>) offsets(%dma_start3A_493 : memref<1664xi32, #tpu.memory_space<vmem>>) semaphore(%arg8 : memref<!tpu.dma_semaphore, #tpu.memory_space<semaphore_mem>>)
    %dma_wait3A_501 = arith.constant 18304 : i32
    %dma_wait3A_502 = tpu.memref_slice %arg5[%dma_wait3A_501] : memref<53248xi32, #tpu.memory_space<vmem>> -> memref<1664xi32, #tpu.memory_space<vmem>>
    %dma_wait3A_503 = arith.constant 0 : i32
    %dma_wait3A_504 = arith.constant 0 : i32
    %dma_wait3A_505 = tpu.memref_slice %arg3[%select_n3A, %dma_wait3A_503, %dma_wait3A_504] : memref<4x1000000x16xf32, #tpu.memory_space<hbm>> -> memref<1x1000000x16xf32, #tpu.memory_space<hbm>>
    %dma_wait3A_506 = tpu.memref_squeeze %dma_wait3A_505 : memref<1x1000000x16xf32, #tpu.memory_space<hbm>> -> memref<1000000x16xf32, #tpu.memory_space<hbm>>
    %dma_wait3A_507 = arith.constant 0 : i32
    %dma_wait3A_508 = arith.constant 0 : i32
    %dma_wait3A_509 = tpu.memref_slice %dma_wait3A_506[%dma_wait3A_507, %dma_wait3A_508] : memref<1000000x16xf32, #tpu.memory_space<hbm>> -> memref<1000000x16xf32, #tpu.memory_space<hbm>>
    tpu.wait_indirect_dma semaphore(%arg9 : memref<!tpu.dma_semaphore, #tpu.memory_space<semaphore_mem>>) src(%dma_wait3A_509 : memref<1000000x16xf32, #tpu.memory_space<hbm>>) dst(%arg7 : memref<1664x16xf32, #tpu.memory_space<vmem>>)
    %add3A_510 = arith.constant 704 : i32
    %add3A_511 = arith.addi %mul3A_34, %add3A_510 : i32
    %scan3A_512 = arith.constant 0 : i32
    %scan3A_513 = arith.constant 0 : i32
    %scan3A_514 = arith.constant 64 : i32
    %scan3A_515 = arith.addi %scan3A_513, %scan3A_514 : i32
    %scan3A_516 = arith.constant 1 : i32
    %scan3A_517 = scf.for %scan3A_1344 = %scan3A_513 to %scan3A_515 step %scan3A_516 iter_args(%scan3A_1345 = %scan3A_512) -> (i32)  : i32 {
      %mul3A_1346 = arith.constant 26 : i32
      %mul3A_1347 = arith.muli %scan3A_1344, %mul3A_1346 : i32
      %add3A_1348 = arith.addi %add3A_511, %scan3A_1344 : i32
      %dma_start3A_1349 = arith.constant 0 : i32
      %dma_start3A_1350 = tpu.memref_slice %arg7[%mul3A_1347, %dma_start3A_1349] : memref<1664x16xf32, #tpu.memory_space<vmem>> -> memref<26x16xf32, #tpu.memory_space<vmem>>
      %dma_start3A_1351 = arith.constant 0 : i32
      %dma_start3A_1352 = arith.constant 0 : i32
      %dma_start3A_1353 = tpu.memref_slice %arg4[%select_n3A, %add3A_1348, %dma_start3A_1351, %dma_start3A_1352] : memref<4x16384x26x16xf32, #tpu.memory_space<hbm>> -> memref<1x1x26x16xf32, #tpu.memory_space<hbm>>
      %dma_start3A_1354 = tpu.memref_squeeze %dma_start3A_1353 : memref<1x1x26x16xf32, #tpu.memory_space<hbm>> -> memref<26x16xf32, #tpu.memory_space<hbm>>
      %dma_start3A_1355 = arith.constant 0 : i32
      %dma_start3A_1356 = arith.constant 0 : i32
      %dma_start3A_1357 = tpu.memref_slice %arg4[%select_n3A, %add3A_1348, %dma_start3A_1355, %dma_start3A_1356] : memref<4x16384x26x16xf32, #tpu.memory_space<hbm>> -> memref<1x1x26x16xf32, #tpu.memory_space<hbm>>
      %dma_start3A_1358 = tpu.memref_squeeze %dma_start3A_1357 : memref<1x1x26x16xf32, #tpu.memory_space<hbm>> -> memref<26x16xf32, #tpu.memory_space<hbm>>
      %dma_start3A_1359 = arith.constant 0 : i32
      %dma_start3A_1360 = tpu.memref_slice %arg7[%mul3A_1347, %dma_start3A_1359] : memref<1664x16xf32, #tpu.memory_space<vmem>> -> memref<26x16xf32, #tpu.memory_space<vmem>>
      tpu.enqueue_dma source(%dma_start3A_1360 : memref<26x16xf32, #tpu.memory_space<vmem>>) target(%dma_start3A_1358 : memref<26x16xf32, #tpu.memory_space<hbm>>) target_semaphore(%arg11 : memref<!tpu.dma_semaphore, #tpu.memory_space<semaphore_mem>>)
      %scan3A_1361 = arith.constant 0 : i32
      scf.yield %scan3A_1361 : i32
    }
    %scan3A_518 = arith.constant 64 : i32
    %dma_wait3A_519 = arith.constant 0 : i32
    %dma_wait3A_520 = arith.constant 0 : i32
    %dma_wait3A_521 = tpu.memref_slice %arg3[%select_n3A, %dma_wait3A_519, %dma_wait3A_520] : memref<4x1000000x16xf32, #tpu.memory_space<hbm>> -> memref<1x1000000x16xf32, #tpu.memory_space<hbm>>
    %dma_wait3A_522 = tpu.memref_squeeze %dma_wait3A_521 : memref<1x1000000x16xf32, #tpu.memory_space<hbm>> -> memref<1000000x16xf32, #tpu.memory_space<hbm>>
    %dma_wait3A_523 = arith.constant 0 : i32
    %dma_wait3A_524 = arith.constant 0 : i32
    %dma_wait3A_525 = tpu.memref_slice %dma_wait3A_522[%dma_wait3A_523, %dma_wait3A_524] : memref<1000000x16xf32, #tpu.memory_space<hbm>> -> memref<1664x16xf32, #tpu.memory_space<hbm>>
    %dma_wait3A_526 = arith.constant 0 : i32
    %dma_wait3A_527 = arith.constant 0 : i32
    %dma_wait3A_528 = tpu.memref_slice %arg3[%select_n3A, %dma_wait3A_526, %dma_wait3A_527] : memref<4x1000000x16xf32, #tpu.memory_space<hbm>> -> memref<1x1000000x16xf32, #tpu.memory_space<hbm>>
    %dma_wait3A_529 = tpu.memref_squeeze %dma_wait3A_528 : memref<1x1000000x16xf32, #tpu.memory_space<hbm>> -> memref<1000000x16xf32, #tpu.memory_space<hbm>>
    %dma_wait3A_530 = arith.constant 0 : i32
    %dma_wait3A_531 = arith.constant 0 : i32
    %dma_wait3A_532 = tpu.memref_slice %dma_wait3A_529[%dma_wait3A_530, %dma_wait3A_531] : memref<1000000x16xf32, #tpu.memory_space<hbm>> -> memref<1664x16xf32, #tpu.memory_space<hbm>>
    tpu.wait_dma2 semaphore(%arg11 : memref<!tpu.dma_semaphore, #tpu.memory_space<semaphore_mem>>) src(%dma_wait3A_532 : memref<1664x16xf32, #tpu.memory_space<hbm>>) dst(%arg7 : memref<1664x16xf32, #tpu.memory_space<vmem>>)
    %dma_start3A_533 = arith.constant 21632 : i32
    %dma_start3A_534 = tpu.memref_slice %arg5[%dma_start3A_533] : memref<53248xi32, #tpu.memory_space<vmem>> -> memref<1664xi32, #tpu.memory_space<vmem>>
    %dma_start3A_535 = arith.constant 0 : i32
    %dma_start3A_536 = arith.constant 0 : i32
    %dma_start3A_537 = tpu.memref_slice %arg3[%select_n3A, %dma_start3A_535, %dma_start3A_536] : memref<4x1000000x16xf32, #tpu.memory_space<hbm>> -> memref<1x1000000x16xf32, #tpu.memory_space<hbm>>
    %dma_start3A_538 = tpu.memref_squeeze %dma_start3A_537 : memref<1x1000000x16xf32, #tpu.memory_space<hbm>> -> memref<1000000x16xf32, #tpu.memory_space<hbm>>
    %dma_start3A_539 = arith.constant 0 : i32
    %dma_start3A_540 = arith.constant 0 : i32
    %dma_start3A_541 = tpu.memref_slice %dma_start3A_538[%dma_start3A_539, %dma_start3A_540] : memref<1000000x16xf32, #tpu.memory_space<hbm>> -> memref<1000000x16xf32, #tpu.memory_space<hbm>>
    tpu.enqueue_indirect_dma source(%dma_start3A_541 : memref<1000000x16xf32, #tpu.memory_space<hbm>>) target(%arg7 : memref<1664x16xf32, #tpu.memory_space<vmem>>) offsets(%dma_start3A_534 : memref<1664xi32, #tpu.memory_space<vmem>>) semaphore(%arg9 : memref<!tpu.dma_semaphore, #tpu.memory_space<semaphore_mem>>)
    %dma_wait3A_542 = arith.constant 19968 : i32
    %dma_wait3A_543 = tpu.memref_slice %arg5[%dma_wait3A_542] : memref<53248xi32, #tpu.memory_space<vmem>> -> memref<1664xi32, #tpu.memory_space<vmem>>
    %dma_wait3A_544 = arith.constant 0 : i32
    %dma_wait3A_545 = arith.constant 0 : i32
    %dma_wait3A_546 = tpu.memref_slice %arg3[%select_n3A, %dma_wait3A_544, %dma_wait3A_545] : memref<4x1000000x16xf32, #tpu.memory_space<hbm>> -> memref<1x1000000x16xf32, #tpu.memory_space<hbm>>
    %dma_wait3A_547 = tpu.memref_squeeze %dma_wait3A_546 : memref<1x1000000x16xf32, #tpu.memory_space<hbm>> -> memref<1000000x16xf32, #tpu.memory_space<hbm>>
    %dma_wait3A_548 = arith.constant 0 : i32
    %dma_wait3A_549 = arith.constant 0 : i32
    %dma_wait3A_550 = tpu.memref_slice %dma_wait3A_547[%dma_wait3A_548, %dma_wait3A_549] : memref<1000000x16xf32, #tpu.memory_space<hbm>> -> memref<1000000x16xf32, #tpu.memory_space<hbm>>
    tpu.wait_indirect_dma semaphore(%arg8 : memref<!tpu.dma_semaphore, #tpu.memory_space<semaphore_mem>>) src(%dma_wait3A_550 : memref<1000000x16xf32, #tpu.memory_space<hbm>>) dst(%arg6 : memref<1664x16xf32, #tpu.memory_space<vmem>>)
    %add3A_551 = arith.constant 768 : i32
    %add3A_552 = arith.addi %mul3A_34, %add3A_551 : i32
    %scan3A_553 = arith.constant 0 : i32
    %scan3A_554 = arith.constant 0 : i32
    %scan3A_555 = arith.constant 64 : i32
    %scan3A_556 = arith.addi %scan3A_554, %scan3A_555 : i32
    %scan3A_557 = arith.constant 1 : i32
    %scan3A_558 = scf.for %scan3A_1344 = %scan3A_554 to %scan3A_556 step %scan3A_557 iter_args(%scan3A_1345 = %scan3A_553) -> (i32)  : i32 {
      %mul3A_1346 = arith.constant 26 : i32
      %mul3A_1347 = arith.muli %scan3A_1344, %mul3A_1346 : i32
      %add3A_1348 = arith.addi %add3A_552, %scan3A_1344 : i32
      %dma_start3A_1349 = arith.constant 0 : i32
      %dma_start3A_1350 = tpu.memref_slice %arg6[%mul3A_1347, %dma_start3A_1349] : memref<1664x16xf32, #tpu.memory_space<vmem>> -> memref<26x16xf32, #tpu.memory_space<vmem>>
      %dma_start3A_1351 = arith.constant 0 : i32
      %dma_start3A_1352 = arith.constant 0 : i32
      %dma_start3A_1353 = tpu.memref_slice %arg4[%select_n3A, %add3A_1348, %dma_start3A_1351, %dma_start3A_1352] : memref<4x16384x26x16xf32, #tpu.memory_space<hbm>> -> memref<1x1x26x16xf32, #tpu.memory_space<hbm>>
      %dma_start3A_1354 = tpu.memref_squeeze %dma_start3A_1353 : memref<1x1x26x16xf32, #tpu.memory_space<hbm>> -> memref<26x16xf32, #tpu.memory_space<hbm>>
      %dma_start3A_1355 = arith.constant 0 : i32
      %dma_start3A_1356 = arith.constant 0 : i32
      %dma_start3A_1357 = tpu.memref_slice %arg4[%select_n3A, %add3A_1348, %dma_start3A_1355, %dma_start3A_1356] : memref<4x16384x26x16xf32, #tpu.memory_space<hbm>> -> memref<1x1x26x16xf32, #tpu.memory_space<hbm>>
      %dma_start3A_1358 = tpu.memref_squeeze %dma_start3A_1357 : memref<1x1x26x16xf32, #tpu.memory_space<hbm>> -> memref<26x16xf32, #tpu.memory_space<hbm>>
      %dma_start3A_1359 = arith.constant 0 : i32
      %dma_start3A_1360 = tpu.memref_slice %arg6[%mul3A_1347, %dma_start3A_1359] : memref<1664x16xf32, #tpu.memory_space<vmem>> -> memref<26x16xf32, #tpu.memory_space<vmem>>
      tpu.enqueue_dma source(%dma_start3A_1360 : memref<26x16xf32, #tpu.memory_space<vmem>>) target(%dma_start3A_1358 : memref<26x16xf32, #tpu.memory_space<hbm>>) target_semaphore(%arg10 : memref<!tpu.dma_semaphore, #tpu.memory_space<semaphore_mem>>)
      %scan3A_1361 = arith.constant 0 : i32
      scf.yield %scan3A_1361 : i32
    }
    %scan3A_559 = arith.constant 64 : i32
    %dma_wait3A_560 = arith.constant 0 : i32
    %dma_wait3A_561 = arith.constant 0 : i32
    %dma_wait3A_562 = tpu.memref_slice %arg3[%select_n3A, %dma_wait3A_560, %dma_wait3A_561] : memref<4x1000000x16xf32, #tpu.memory_space<hbm>> -> memref<1x1000000x16xf32, #tpu.memory_space<hbm>>
    %dma_wait3A_563 = tpu.memref_squeeze %dma_wait3A_562 : memref<1x1000000x16xf32, #tpu.memory_space<hbm>> -> memref<1000000x16xf32, #tpu.memory_space<hbm>>
    %dma_wait3A_564 = arith.constant 0 : i32
    %dma_wait3A_565 = arith.constant 0 : i32
    %dma_wait3A_566 = tpu.memref_slice %dma_wait3A_563[%dma_wait3A_564, %dma_wait3A_565] : memref<1000000x16xf32, #tpu.memory_space<hbm>> -> memref<1664x16xf32, #tpu.memory_space<hbm>>
    %dma_wait3A_567 = arith.constant 0 : i32
    %dma_wait3A_568 = arith.constant 0 : i32
    %dma_wait3A_569 = tpu.memref_slice %arg3[%select_n3A, %dma_wait3A_567, %dma_wait3A_568] : memref<4x1000000x16xf32, #tpu.memory_space<hbm>> -> memref<1x1000000x16xf32, #tpu.memory_space<hbm>>
    %dma_wait3A_570 = tpu.memref_squeeze %dma_wait3A_569 : memref<1x1000000x16xf32, #tpu.memory_space<hbm>> -> memref<1000000x16xf32, #tpu.memory_space<hbm>>
    %dma_wait3A_571 = arith.constant 0 : i32
    %dma_wait3A_572 = arith.constant 0 : i32
    %dma_wait3A_573 = tpu.memref_slice %dma_wait3A_570[%dma_wait3A_571, %dma_wait3A_572] : memref<1000000x16xf32, #tpu.memory_space<hbm>> -> memref<1664x16xf32, #tpu.memory_space<hbm>>
    tpu.wait_dma2 semaphore(%arg10 : memref<!tpu.dma_semaphore, #tpu.memory_space<semaphore_mem>>) src(%dma_wait3A_573 : memref<1664x16xf32, #tpu.memory_space<hbm>>) dst(%arg6 : memref<1664x16xf32, #tpu.memory_space<vmem>>)
    %dma_start3A_574 = arith.constant 23296 : i32
    %dma_start3A_575 = tpu.memref_slice %arg5[%dma_start3A_574] : memref<53248xi32, #tpu.memory_space<vmem>> -> memref<1664xi32, #tpu.memory_space<vmem>>
    %dma_start3A_576 = arith.constant 0 : i32
    %dma_start3A_577 = arith.constant 0 : i32
    %dma_start3A_578 = tpu.memref_slice %arg3[%select_n3A, %dma_start3A_576, %dma_start3A_577] : memref<4x1000000x16xf32, #tpu.memory_space<hbm>> -> memref<1x1000000x16xf32, #tpu.memory_space<hbm>>
    %dma_start3A_579 = tpu.memref_squeeze %dma_start3A_578 : memref<1x1000000x16xf32, #tpu.memory_space<hbm>> -> memref<1000000x16xf32, #tpu.memory_space<hbm>>
    %dma_start3A_580 = arith.constant 0 : i32
    %dma_start3A_581 = arith.constant 0 : i32
    %dma_start3A_582 = tpu.memref_slice %dma_start3A_579[%dma_start3A_580, %dma_start3A_581] : memref<1000000x16xf32, #tpu.memory_space<hbm>> -> memref<1000000x16xf32, #tpu.memory_space<hbm>>
    tpu.enqueue_indirect_dma source(%dma_start3A_582 : memref<1000000x16xf32, #tpu.memory_space<hbm>>) target(%arg6 : memref<1664x16xf32, #tpu.memory_space<vmem>>) offsets(%dma_start3A_575 : memref<1664xi32, #tpu.memory_space<vmem>>) semaphore(%arg8 : memref<!tpu.dma_semaphore, #tpu.memory_space<semaphore_mem>>)
    %dma_wait3A_583 = arith.constant 21632 : i32
    %dma_wait3A_584 = tpu.memref_slice %arg5[%dma_wait3A_583] : memref<53248xi32, #tpu.memory_space<vmem>> -> memref<1664xi32, #tpu.memory_space<vmem>>
    %dma_wait3A_585 = arith.constant 0 : i32
    %dma_wait3A_586 = arith.constant 0 : i32
    %dma_wait3A_587 = tpu.memref_slice %arg3[%select_n3A, %dma_wait3A_585, %dma_wait3A_586] : memref<4x1000000x16xf32, #tpu.memory_space<hbm>> -> memref<1x1000000x16xf32, #tpu.memory_space<hbm>>
    %dma_wait3A_588 = tpu.memref_squeeze %dma_wait3A_587 : memref<1x1000000x16xf32, #tpu.memory_space<hbm>> -> memref<1000000x16xf32, #tpu.memory_space<hbm>>
    %dma_wait3A_589 = arith.constant 0 : i32
    %dma_wait3A_590 = arith.constant 0 : i32
    %dma_wait3A_591 = tpu.memref_slice %dma_wait3A_588[%dma_wait3A_589, %dma_wait3A_590] : memref<1000000x16xf32, #tpu.memory_space<hbm>> -> memref<1000000x16xf32, #tpu.memory_space<hbm>>
    tpu.wait_indirect_dma semaphore(%arg9 : memref<!tpu.dma_semaphore, #tpu.memory_space<semaphore_mem>>) src(%dma_wait3A_591 : memref<1000000x16xf32, #tpu.memory_space<hbm>>) dst(%arg7 : memref<1664x16xf32, #tpu.memory_space<vmem>>)
    %add3A_592 = arith.constant 832 : i32
    %add3A_593 = arith.addi %mul3A_34, %add3A_592 : i32
    %scan3A_594 = arith.constant 0 : i32
    %scan3A_595 = arith.constant 0 : i32
    %scan3A_596 = arith.constant 64 : i32
    %scan3A_597 = arith.addi %scan3A_595, %scan3A_596 : i32
    %scan3A_598 = arith.constant 1 : i32
    %scan3A_599 = scf.for %scan3A_1344 = %scan3A_595 to %scan3A_597 step %scan3A_598 iter_args(%scan3A_1345 = %scan3A_594) -> (i32)  : i32 {
      %mul3A_1346 = arith.constant 26 : i32
      %mul3A_1347 = arith.muli %scan3A_1344, %mul3A_1346 : i32
      %add3A_1348 = arith.addi %add3A_593, %scan3A_1344 : i32
      %dma_start3A_1349 = arith.constant 0 : i32
      %dma_start3A_1350 = tpu.memref_slice %arg7[%mul3A_1347, %dma_start3A_1349] : memref<1664x16xf32, #tpu.memory_space<vmem>> -> memref<26x16xf32, #tpu.memory_space<vmem>>
      %dma_start3A_1351 = arith.constant 0 : i32
      %dma_start3A_1352 = arith.constant 0 : i32
      %dma_start3A_1353 = tpu.memref_slice %arg4[%select_n3A, %add3A_1348, %dma_start3A_1351, %dma_start3A_1352] : memref<4x16384x26x16xf32, #tpu.memory_space<hbm>> -> memref<1x1x26x16xf32, #tpu.memory_space<hbm>>
      %dma_start3A_1354 = tpu.memref_squeeze %dma_start3A_1353 : memref<1x1x26x16xf32, #tpu.memory_space<hbm>> -> memref<26x16xf32, #tpu.memory_space<hbm>>
      %dma_start3A_1355 = arith.constant 0 : i32
      %dma_start3A_1356 = arith.constant 0 : i32
      %dma_start3A_1357 = tpu.memref_slice %arg4[%select_n3A, %add3A_1348, %dma_start3A_1355, %dma_start3A_1356] : memref<4x16384x26x16xf32, #tpu.memory_space<hbm>> -> memref<1x1x26x16xf32, #tpu.memory_space<hbm>>
      %dma_start3A_1358 = tpu.memref_squeeze %dma_start3A_1357 : memref<1x1x26x16xf32, #tpu.memory_space<hbm>> -> memref<26x16xf32, #tpu.memory_space<hbm>>
      %dma_start3A_1359 = arith.constant 0 : i32
      %dma_start3A_1360 = tpu.memref_slice %arg7[%mul3A_1347, %dma_start3A_1359] : memref<1664x16xf32, #tpu.memory_space<vmem>> -> memref<26x16xf32, #tpu.memory_space<vmem>>
      tpu.enqueue_dma source(%dma_start3A_1360 : memref<26x16xf32, #tpu.memory_space<vmem>>) target(%dma_start3A_1358 : memref<26x16xf32, #tpu.memory_space<hbm>>) target_semaphore(%arg11 : memref<!tpu.dma_semaphore, #tpu.memory_space<semaphore_mem>>)
      %scan3A_1361 = arith.constant 0 : i32
      scf.yield %scan3A_1361 : i32
    }
    %scan3A_600 = arith.constant 64 : i32
    %dma_wait3A_601 = arith.constant 0 : i32
    %dma_wait3A_602 = arith.constant 0 : i32
    %dma_wait3A_603 = tpu.memref_slice %arg3[%select_n3A, %dma_wait3A_601, %dma_wait3A_602] : memref<4x1000000x16xf32, #tpu.memory_space<hbm>> -> memref<1x1000000x16xf32, #tpu.memory_space<hbm>>
    %dma_wait3A_604 = tpu.memref_squeeze %dma_wait3A_603 : memref<1x1000000x16xf32, #tpu.memory_space<hbm>> -> memref<1000000x16xf32, #tpu.memory_space<hbm>>
    %dma_wait3A_605 = arith.constant 0 : i32
    %dma_wait3A_606 = arith.constant 0 : i32
    %dma_wait3A_607 = tpu.memref_slice %dma_wait3A_604[%dma_wait3A_605, %dma_wait3A_606] : memref<1000000x16xf32, #tpu.memory_space<hbm>> -> memref<1664x16xf32, #tpu.memory_space<hbm>>
    %dma_wait3A_608 = arith.constant 0 : i32
    %dma_wait3A_609 = arith.constant 0 : i32
    %dma_wait3A_610 = tpu.memref_slice %arg3[%select_n3A, %dma_wait3A_608, %dma_wait3A_609] : memref<4x1000000x16xf32, #tpu.memory_space<hbm>> -> memref<1x1000000x16xf32, #tpu.memory_space<hbm>>
    %dma_wait3A_611 = tpu.memref_squeeze %dma_wait3A_610 : memref<1x1000000x16xf32, #tpu.memory_space<hbm>> -> memref<1000000x16xf32, #tpu.memory_space<hbm>>
    %dma_wait3A_612 = arith.constant 0 : i32
    %dma_wait3A_613 = arith.constant 0 : i32
    %dma_wait3A_614 = tpu.memref_slice %dma_wait3A_611[%dma_wait3A_612, %dma_wait3A_613] : memref<1000000x16xf32, #tpu.memory_space<hbm>> -> memref<1664x16xf32, #tpu.memory_space<hbm>>
    tpu.wait_dma2 semaphore(%arg11 : memref<!tpu.dma_semaphore, #tpu.memory_space<semaphore_mem>>) src(%dma_wait3A_614 : memref<1664x16xf32, #tpu.memory_space<hbm>>) dst(%arg7 : memref<1664x16xf32, #tpu.memory_space<vmem>>)
    %dma_start3A_615 = arith.constant 24960 : i32
    %dma_start3A_616 = tpu.memref_slice %arg5[%dma_start3A_615] : memref<53248xi32, #tpu.memory_space<vmem>> -> memref<1664xi32, #tpu.memory_space<vmem>>
    %dma_start3A_617 = arith.constant 0 : i32
    %dma_start3A_618 = arith.constant 0 : i32
    %dma_start3A_619 = tpu.memref_slice %arg3[%select_n3A, %dma_start3A_617, %dma_start3A_618] : memref<4x1000000x16xf32, #tpu.memory_space<hbm>> -> memref<1x1000000x16xf32, #tpu.memory_space<hbm>>
    %dma_start3A_620 = tpu.memref_squeeze %dma_start3A_619 : memref<1x1000000x16xf32, #tpu.memory_space<hbm>> -> memref<1000000x16xf32, #tpu.memory_space<hbm>>
    %dma_start3A_621 = arith.constant 0 : i32
    %dma_start3A_622 = arith.constant 0 : i32
    %dma_start3A_623 = tpu.memref_slice %dma_start3A_620[%dma_start3A_621, %dma_start3A_622] : memref<1000000x16xf32, #tpu.memory_space<hbm>> -> memref<1000000x16xf32, #tpu.memory_space<hbm>>
    tpu.enqueue_indirect_dma source(%dma_start3A_623 : memref<1000000x16xf32, #tpu.memory_space<hbm>>) target(%arg7 : memref<1664x16xf32, #tpu.memory_space<vmem>>) offsets(%dma_start3A_616 : memref<1664xi32, #tpu.memory_space<vmem>>) semaphore(%arg9 : memref<!tpu.dma_semaphore, #tpu.memory_space<semaphore_mem>>)
    %dma_wait3A_624 = arith.constant 23296 : i32
    %dma_wait3A_625 = tpu.memref_slice %arg5[%dma_wait3A_624] : memref<53248xi32, #tpu.memory_space<vmem>> -> memref<1664xi32, #tpu.memory_space<vmem>>
    %dma_wait3A_626 = arith.constant 0 : i32
    %dma_wait3A_627 = arith.constant 0 : i32
    %dma_wait3A_628 = tpu.memref_slice %arg3[%select_n3A, %dma_wait3A_626, %dma_wait3A_627] : memref<4x1000000x16xf32, #tpu.memory_space<hbm>> -> memref<1x1000000x16xf32, #tpu.memory_space<hbm>>
    %dma_wait3A_629 = tpu.memref_squeeze %dma_wait3A_628 : memref<1x1000000x16xf32, #tpu.memory_space<hbm>> -> memref<1000000x16xf32, #tpu.memory_space<hbm>>
    %dma_wait3A_630 = arith.constant 0 : i32
    %dma_wait3A_631 = arith.constant 0 : i32
    %dma_wait3A_632 = tpu.memref_slice %dma_wait3A_629[%dma_wait3A_630, %dma_wait3A_631] : memref<1000000x16xf32, #tpu.memory_space<hbm>> -> memref<1000000x16xf32, #tpu.memory_space<hbm>>
    tpu.wait_indirect_dma semaphore(%arg8 : memref<!tpu.dma_semaphore, #tpu.memory_space<semaphore_mem>>) src(%dma_wait3A_632 : memref<1000000x16xf32, #tpu.memory_space<hbm>>) dst(%arg6 : memref<1664x16xf32, #tpu.memory_space<vmem>>)
    %add3A_633 = arith.constant 896 : i32
    %add3A_634 = arith.addi %mul3A_34, %add3A_633 : i32
    %scan3A_635 = arith.constant 0 : i32
    %scan3A_636 = arith.constant 0 : i32
    %scan3A_637 = arith.constant 64 : i32
    %scan3A_638 = arith.addi %scan3A_636, %scan3A_637 : i32
    %scan3A_639 = arith.constant 1 : i32
    %scan3A_640 = scf.for %scan3A_1344 = %scan3A_636 to %scan3A_638 step %scan3A_639 iter_args(%scan3A_1345 = %scan3A_635) -> (i32)  : i32 {
      %mul3A_1346 = arith.constant 26 : i32
      %mul3A_1347 = arith.muli %scan3A_1344, %mul3A_1346 : i32
      %add3A_1348 = arith.addi %add3A_634, %scan3A_1344 : i32
      %dma_start3A_1349 = arith.constant 0 : i32
      %dma_start3A_1350 = tpu.memref_slice %arg6[%mul3A_1347, %dma_start3A_1349] : memref<1664x16xf32, #tpu.memory_space<vmem>> -> memref<26x16xf32, #tpu.memory_space<vmem>>
      %dma_start3A_1351 = arith.constant 0 : i32
      %dma_start3A_1352 = arith.constant 0 : i32
      %dma_start3A_1353 = tpu.memref_slice %arg4[%select_n3A, %add3A_1348, %dma_start3A_1351, %dma_start3A_1352] : memref<4x16384x26x16xf32, #tpu.memory_space<hbm>> -> memref<1x1x26x16xf32, #tpu.memory_space<hbm>>
      %dma_start3A_1354 = tpu.memref_squeeze %dma_start3A_1353 : memref<1x1x26x16xf32, #tpu.memory_space<hbm>> -> memref<26x16xf32, #tpu.memory_space<hbm>>
      %dma_start3A_1355 = arith.constant 0 : i32
      %dma_start3A_1356 = arith.constant 0 : i32
      %dma_start3A_1357 = tpu.memref_slice %arg4[%select_n3A, %add3A_1348, %dma_start3A_1355, %dma_start3A_1356] : memref<4x16384x26x16xf32, #tpu.memory_space<hbm>> -> memref<1x1x26x16xf32, #tpu.memory_space<hbm>>
      %dma_start3A_1358 = tpu.memref_squeeze %dma_start3A_1357 : memref<1x1x26x16xf32, #tpu.memory_space<hbm>> -> memref<26x16xf32, #tpu.memory_space<hbm>>
      %dma_start3A_1359 = arith.constant 0 : i32
      %dma_start3A_1360 = tpu.memref_slice %arg6[%mul3A_1347, %dma_start3A_1359] : memref<1664x16xf32, #tpu.memory_space<vmem>> -> memref<26x16xf32, #tpu.memory_space<vmem>>
      tpu.enqueue_dma source(%dma_start3A_1360 : memref<26x16xf32, #tpu.memory_space<vmem>>) target(%dma_start3A_1358 : memref<26x16xf32, #tpu.memory_space<hbm>>) target_semaphore(%arg10 : memref<!tpu.dma_semaphore, #tpu.memory_space<semaphore_mem>>)
      %scan3A_1361 = arith.constant 0 : i32
      scf.yield %scan3A_1361 : i32
    }
    %scan3A_641 = arith.constant 64 : i32
    %dma_wait3A_642 = arith.constant 0 : i32
    %dma_wait3A_643 = arith.constant 0 : i32
    %dma_wait3A_644 = tpu.memref_slice %arg3[%select_n3A, %dma_wait3A_642, %dma_wait3A_643] : memref<4x1000000x16xf32, #tpu.memory_space<hbm>> -> memref<1x1000000x16xf32, #tpu.memory_space<hbm>>
    %dma_wait3A_645 = tpu.memref_squeeze %dma_wait3A_644 : memref<1x1000000x16xf32, #tpu.memory_space<hbm>> -> memref<1000000x16xf32, #tpu.memory_space<hbm>>
    %dma_wait3A_646 = arith.constant 0 : i32
    %dma_wait3A_647 = arith.constant 0 : i32
    %dma_wait3A_648 = tpu.memref_slice %dma_wait3A_645[%dma_wait3A_646, %dma_wait3A_647] : memref<1000000x16xf32, #tpu.memory_space<hbm>> -> memref<1664x16xf32, #tpu.memory_space<hbm>>
    %dma_wait3A_649 = arith.constant 0 : i32
    %dma_wait3A_650 = arith.constant 0 : i32
    %dma_wait3A_651 = tpu.memref_slice %arg3[%select_n3A, %dma_wait3A_649, %dma_wait3A_650] : memref<4x1000000x16xf32, #tpu.memory_space<hbm>> -> memref<1x1000000x16xf32, #tpu.memory_space<hbm>>
    %dma_wait3A_652 = tpu.memref_squeeze %dma_wait3A_651 : memref<1x1000000x16xf32, #tpu.memory_space<hbm>> -> memref<1000000x16xf32, #tpu.memory_space<hbm>>
    %dma_wait3A_653 = arith.constant 0 : i32
    %dma_wait3A_654 = arith.constant 0 : i32
    %dma_wait3A_655 = tpu.memref_slice %dma_wait3A_652[%dma_wait3A_653, %dma_wait3A_654] : memref<1000000x16xf32, #tpu.memory_space<hbm>> -> memref<1664x16xf32, #tpu.memory_space<hbm>>
    tpu.wait_dma2 semaphore(%arg10 : memref<!tpu.dma_semaphore, #tpu.memory_space<semaphore_mem>>) src(%dma_wait3A_655 : memref<1664x16xf32, #tpu.memory_space<hbm>>) dst(%arg6 : memref<1664x16xf32, #tpu.memory_space<vmem>>)
    %dma_start3A_656 = arith.constant 26624 : i32
    %dma_start3A_657 = tpu.memref_slice %arg5[%dma_start3A_656] : memref<53248xi32, #tpu.memory_space<vmem>> -> memref<1664xi32, #tpu.memory_space<vmem>>
    %dma_start3A_658 = arith.constant 0 : i32
    %dma_start3A_659 = arith.constant 0 : i32
    %dma_start3A_660 = tpu.memref_slice %arg3[%select_n3A, %dma_start3A_658, %dma_start3A_659] : memref<4x1000000x16xf32, #tpu.memory_space<hbm>> -> memref<1x1000000x16xf32, #tpu.memory_space<hbm>>
    %dma_start3A_661 = tpu.memref_squeeze %dma_start3A_660 : memref<1x1000000x16xf32, #tpu.memory_space<hbm>> -> memref<1000000x16xf32, #tpu.memory_space<hbm>>
    %dma_start3A_662 = arith.constant 0 : i32
    %dma_start3A_663 = arith.constant 0 : i32
    %dma_start3A_664 = tpu.memref_slice %dma_start3A_661[%dma_start3A_662, %dma_start3A_663] : memref<1000000x16xf32, #tpu.memory_space<hbm>> -> memref<1000000x16xf32, #tpu.memory_space<hbm>>
    tpu.enqueue_indirect_dma source(%dma_start3A_664 : memref<1000000x16xf32, #tpu.memory_space<hbm>>) target(%arg6 : memref<1664x16xf32, #tpu.memory_space<vmem>>) offsets(%dma_start3A_657 : memref<1664xi32, #tpu.memory_space<vmem>>) semaphore(%arg8 : memref<!tpu.dma_semaphore, #tpu.memory_space<semaphore_mem>>)
    %dma_wait3A_665 = arith.constant 24960 : i32
    %dma_wait3A_666 = tpu.memref_slice %arg5[%dma_wait3A_665] : memref<53248xi32, #tpu.memory_space<vmem>> -> memref<1664xi32, #tpu.memory_space<vmem>>
    %dma_wait3A_667 = arith.constant 0 : i32
    %dma_wait3A_668 = arith.constant 0 : i32
    %dma_wait3A_669 = tpu.memref_slice %arg3[%select_n3A, %dma_wait3A_667, %dma_wait3A_668] : memref<4x1000000x16xf32, #tpu.memory_space<hbm>> -> memref<1x1000000x16xf32, #tpu.memory_space<hbm>>
    %dma_wait3A_670 = tpu.memref_squeeze %dma_wait3A_669 : memref<1x1000000x16xf32, #tpu.memory_space<hbm>> -> memref<1000000x16xf32, #tpu.memory_space<hbm>>
    %dma_wait3A_671 = arith.constant 0 : i32
    %dma_wait3A_672 = arith.constant 0 : i32
    %dma_wait3A_673 = tpu.memref_slice %dma_wait3A_670[%dma_wait3A_671, %dma_wait3A_672] : memref<1000000x16xf32, #tpu.memory_space<hbm>> -> memref<1000000x16xf32, #tpu.memory_space<hbm>>
    tpu.wait_indirect_dma semaphore(%arg9 : memref<!tpu.dma_semaphore, #tpu.memory_space<semaphore_mem>>) src(%dma_wait3A_673 : memref<1000000x16xf32, #tpu.memory_space<hbm>>) dst(%arg7 : memref<1664x16xf32, #tpu.memory_space<vmem>>)
    %add3A_674 = arith.constant 960 : i32
    %add3A_675 = arith.addi %mul3A_34, %add3A_674 : i32
    %scan3A_676 = arith.constant 0 : i32
    %scan3A_677 = arith.constant 0 : i32
    %scan3A_678 = arith.constant 64 : i32
    %scan3A_679 = arith.addi %scan3A_677, %scan3A_678 : i32
    %scan3A_680 = arith.constant 1 : i32
    %scan3A_681 = scf.for %scan3A_1344 = %scan3A_677 to %scan3A_679 step %scan3A_680 iter_args(%scan3A_1345 = %scan3A_676) -> (i32)  : i32 {
      %mul3A_1346 = arith.constant 26 : i32
      %mul3A_1347 = arith.muli %scan3A_1344, %mul3A_1346 : i32
      %add3A_1348 = arith.addi %add3A_675, %scan3A_1344 : i32
      %dma_start3A_1349 = arith.constant 0 : i32
      %dma_start3A_1350 = tpu.memref_slice %arg7[%mul3A_1347, %dma_start3A_1349] : memref<1664x16xf32, #tpu.memory_space<vmem>> -> memref<26x16xf32, #tpu.memory_space<vmem>>
      %dma_start3A_1351 = arith.constant 0 : i32
      %dma_start3A_1352 = arith.constant 0 : i32
      %dma_start3A_1353 = tpu.memref_slice %arg4[%select_n3A, %add3A_1348, %dma_start3A_1351, %dma_start3A_1352] : memref<4x16384x26x16xf32, #tpu.memory_space<hbm>> -> memref<1x1x26x16xf32, #tpu.memory_space<hbm>>
      %dma_start3A_1354 = tpu.memref_squeeze %dma_start3A_1353 : memref<1x1x26x16xf32, #tpu.memory_space<hbm>> -> memref<26x16xf32, #tpu.memory_space<hbm>>
      %dma_start3A_1355 = arith.constant 0 : i32
      %dma_start3A_1356 = arith.constant 0 : i32
      %dma_start3A_1357 = tpu.memref_slice %arg4[%select_n3A, %add3A_1348, %dma_start3A_1355, %dma_start3A_1356] : memref<4x16384x26x16xf32, #tpu.memory_space<hbm>> -> memref<1x1x26x16xf32, #tpu.memory_space<hbm>>
      %dma_start3A_1358 = tpu.memref_squeeze %dma_start3A_1357 : memref<1x1x26x16xf32, #tpu.memory_space<hbm>> -> memref<26x16xf32, #tpu.memory_space<hbm>>
      %dma_start3A_1359 = arith.constant 0 : i32
      %dma_start3A_1360 = tpu.memref_slice %arg7[%mul3A_1347, %dma_start3A_1359] : memref<1664x16xf32, #tpu.memory_space<vmem>> -> memref<26x16xf32, #tpu.memory_space<vmem>>
      tpu.enqueue_dma source(%dma_start3A_1360 : memref<26x16xf32, #tpu.memory_space<vmem>>) target(%dma_start3A_1358 : memref<26x16xf32, #tpu.memory_space<hbm>>) target_semaphore(%arg11 : memref<!tpu.dma_semaphore, #tpu.memory_space<semaphore_mem>>)
      %scan3A_1361 = arith.constant 0 : i32
      scf.yield %scan3A_1361 : i32
    }
    %scan3A_682 = arith.constant 64 : i32
    %dma_wait3A_683 = arith.constant 0 : i32
    %dma_wait3A_684 = arith.constant 0 : i32
    %dma_wait3A_685 = tpu.memref_slice %arg3[%select_n3A, %dma_wait3A_683, %dma_wait3A_684] : memref<4x1000000x16xf32, #tpu.memory_space<hbm>> -> memref<1x1000000x16xf32, #tpu.memory_space<hbm>>
    %dma_wait3A_686 = tpu.memref_squeeze %dma_wait3A_685 : memref<1x1000000x16xf32, #tpu.memory_space<hbm>> -> memref<1000000x16xf32, #tpu.memory_space<hbm>>
    %dma_wait3A_687 = arith.constant 0 : i32
    %dma_wait3A_688 = arith.constant 0 : i32
    %dma_wait3A_689 = tpu.memref_slice %dma_wait3A_686[%dma_wait3A_687, %dma_wait3A_688] : memref<1000000x16xf32, #tpu.memory_space<hbm>> -> memref<1664x16xf32, #tpu.memory_space<hbm>>
    %dma_wait3A_690 = arith.constant 0 : i32
    %dma_wait3A_691 = arith.constant 0 : i32
    %dma_wait3A_692 = tpu.memref_slice %arg3[%select_n3A, %dma_wait3A_690, %dma_wait3A_691] : memref<4x1000000x16xf32, #tpu.memory_space<hbm>> -> memref<1x1000000x16xf32, #tpu.memory_space<hbm>>
    %dma_wait3A_693 = tpu.memref_squeeze %dma_wait3A_692 : memref<1x1000000x16xf32, #tpu.memory_space<hbm>> -> memref<1000000x16xf32, #tpu.memory_space<hbm>>
    %dma_wait3A_694 = arith.constant 0 : i32
    %dma_wait3A_695 = arith.constant 0 : i32
    %dma_wait3A_696 = tpu.memref_slice %dma_wait3A_693[%dma_wait3A_694, %dma_wait3A_695] : memref<1000000x16xf32, #tpu.memory_space<hbm>> -> memref<1664x16xf32, #tpu.memory_space<hbm>>
    tpu.wait_dma2 semaphore(%arg11 : memref<!tpu.dma_semaphore, #tpu.memory_space<semaphore_mem>>) src(%dma_wait3A_696 : memref<1664x16xf32, #tpu.memory_space<hbm>>) dst(%arg7 : memref<1664x16xf32, #tpu.memory_space<vmem>>)
    %dma_start3A_697 = arith.constant 28288 : i32
    %dma_start3A_698 = tpu.memref_slice %arg5[%dma_start3A_697] : memref<53248xi32, #tpu.memory_space<vmem>> -> memref<1664xi32, #tpu.memory_space<vmem>>
    %dma_start3A_699 = arith.constant 0 : i32
    %dma_start3A_700 = arith.constant 0 : i32
    %dma_start3A_701 = tpu.memref_slice %arg3[%select_n3A, %dma_start3A_699, %dma_start3A_700] : memref<4x1000000x16xf32, #tpu.memory_space<hbm>> -> memref<1x1000000x16xf32, #tpu.memory_space<hbm>>
    %dma_start3A_702 = tpu.memref_squeeze %dma_start3A_701 : memref<1x1000000x16xf32, #tpu.memory_space<hbm>> -> memref<1000000x16xf32, #tpu.memory_space<hbm>>
    %dma_start3A_703 = arith.constant 0 : i32
    %dma_start3A_704 = arith.constant 0 : i32
    %dma_start3A_705 = tpu.memref_slice %dma_start3A_702[%dma_start3A_703, %dma_start3A_704] : memref<1000000x16xf32, #tpu.memory_space<hbm>> -> memref<1000000x16xf32, #tpu.memory_space<hbm>>
    tpu.enqueue_indirect_dma source(%dma_start3A_705 : memref<1000000x16xf32, #tpu.memory_space<hbm>>) target(%arg7 : memref<1664x16xf32, #tpu.memory_space<vmem>>) offsets(%dma_start3A_698 : memref<1664xi32, #tpu.memory_space<vmem>>) semaphore(%arg9 : memref<!tpu.dma_semaphore, #tpu.memory_space<semaphore_mem>>)
    %dma_wait3A_706 = arith.constant 26624 : i32
    %dma_wait3A_707 = tpu.memref_slice %arg5[%dma_wait3A_706] : memref<53248xi32, #tpu.memory_space<vmem>> -> memref<1664xi32, #tpu.memory_space<vmem>>
    %dma_wait3A_708 = arith.constant 0 : i32
    %dma_wait3A_709 = arith.constant 0 : i32
    %dma_wait3A_710 = tpu.memref_slice %arg3[%select_n3A, %dma_wait3A_708, %dma_wait3A_709] : memref<4x1000000x16xf32, #tpu.memory_space<hbm>> -> memref<1x1000000x16xf32, #tpu.memory_space<hbm>>
    %dma_wait3A_711 = tpu.memref_squeeze %dma_wait3A_710 : memref<1x1000000x16xf32, #tpu.memory_space<hbm>> -> memref<1000000x16xf32, #tpu.memory_space<hbm>>
    %dma_wait3A_712 = arith.constant 0 : i32
    %dma_wait3A_713 = arith.constant 0 : i32
    %dma_wait3A_714 = tpu.memref_slice %dma_wait3A_711[%dma_wait3A_712, %dma_wait3A_713] : memref<1000000x16xf32, #tpu.memory_space<hbm>> -> memref<1000000x16xf32, #tpu.memory_space<hbm>>
    tpu.wait_indirect_dma semaphore(%arg8 : memref<!tpu.dma_semaphore, #tpu.memory_space<semaphore_mem>>) src(%dma_wait3A_714 : memref<1000000x16xf32, #tpu.memory_space<hbm>>) dst(%arg6 : memref<1664x16xf32, #tpu.memory_space<vmem>>)
    %add3A_715 = arith.constant 1024 : i32
    %add3A_716 = arith.addi %mul3A_34, %add3A_715 : i32
    %scan3A_717 = arith.constant 0 : i32
    %scan3A_718 = arith.constant 0 : i32
    %scan3A_719 = arith.constant 64 : i32
    %scan3A_720 = arith.addi %scan3A_718, %scan3A_719 : i32
    %scan3A_721 = arith.constant 1 : i32
    %scan3A_722 = scf.for %scan3A_1344 = %scan3A_718 to %scan3A_720 step %scan3A_721 iter_args(%scan3A_1345 = %scan3A_717) -> (i32)  : i32 {
      %mul3A_1346 = arith.constant 26 : i32
      %mul3A_1347 = arith.muli %scan3A_1344, %mul3A_1346 : i32
      %add3A_1348 = arith.addi %add3A_716, %scan3A_1344 : i32
      %dma_start3A_1349 = arith.constant 0 : i32
      %dma_start3A_1350 = tpu.memref_slice %arg6[%mul3A_1347, %dma_start3A_1349] : memref<1664x16xf32, #tpu.memory_space<vmem>> -> memref<26x16xf32, #tpu.memory_space<vmem>>
      %dma_start3A_1351 = arith.constant 0 : i32
      %dma_start3A_1352 = arith.constant 0 : i32
      %dma_start3A_1353 = tpu.memref_slice %arg4[%select_n3A, %add3A_1348, %dma_start3A_1351, %dma_start3A_1352] : memref<4x16384x26x16xf32, #tpu.memory_space<hbm>> -> memref<1x1x26x16xf32, #tpu.memory_space<hbm>>
      %dma_start3A_1354 = tpu.memref_squeeze %dma_start3A_1353 : memref<1x1x26x16xf32, #tpu.memory_space<hbm>> -> memref<26x16xf32, #tpu.memory_space<hbm>>
      %dma_start3A_1355 = arith.constant 0 : i32
      %dma_start3A_1356 = arith.constant 0 : i32
      %dma_start3A_1357 = tpu.memref_slice %arg4[%select_n3A, %add3A_1348, %dma_start3A_1355, %dma_start3A_1356] : memref<4x16384x26x16xf32, #tpu.memory_space<hbm>> -> memref<1x1x26x16xf32, #tpu.memory_space<hbm>>
      %dma_start3A_1358 = tpu.memref_squeeze %dma_start3A_1357 : memref<1x1x26x16xf32, #tpu.memory_space<hbm>> -> memref<26x16xf32, #tpu.memory_space<hbm>>
      %dma_start3A_1359 = arith.constant 0 : i32
      %dma_start3A_1360 = tpu.memref_slice %arg6[%mul3A_1347, %dma_start3A_1359] : memref<1664x16xf32, #tpu.memory_space<vmem>> -> memref<26x16xf32, #tpu.memory_space<vmem>>
      tpu.enqueue_dma source(%dma_start3A_1360 : memref<26x16xf32, #tpu.memory_space<vmem>>) target(%dma_start3A_1358 : memref<26x16xf32, #tpu.memory_space<hbm>>) target_semaphore(%arg10 : memref<!tpu.dma_semaphore, #tpu.memory_space<semaphore_mem>>)
      %scan3A_1361 = arith.constant 0 : i32
      scf.yield %scan3A_1361 : i32
    }
    %scan3A_723 = arith.constant 64 : i32
    %dma_wait3A_724 = arith.constant 0 : i32
    %dma_wait3A_725 = arith.constant 0 : i32
    %dma_wait3A_726 = tpu.memref_slice %arg3[%select_n3A, %dma_wait3A_724, %dma_wait3A_725] : memref<4x1000000x16xf32, #tpu.memory_space<hbm>> -> memref<1x1000000x16xf32, #tpu.memory_space<hbm>>
    %dma_wait3A_727 = tpu.memref_squeeze %dma_wait3A_726 : memref<1x1000000x16xf32, #tpu.memory_space<hbm>> -> memref<1000000x16xf32, #tpu.memory_space<hbm>>
    %dma_wait3A_728 = arith.constant 0 : i32
    %dma_wait3A_729 = arith.constant 0 : i32
    %dma_wait3A_730 = tpu.memref_slice %dma_wait3A_727[%dma_wait3A_728, %dma_wait3A_729] : memref<1000000x16xf32, #tpu.memory_space<hbm>> -> memref<1664x16xf32, #tpu.memory_space<hbm>>
    %dma_wait3A_731 = arith.constant 0 : i32
    %dma_wait3A_732 = arith.constant 0 : i32
    %dma_wait3A_733 = tpu.memref_slice %arg3[%select_n3A, %dma_wait3A_731, %dma_wait3A_732] : memref<4x1000000x16xf32, #tpu.memory_space<hbm>> -> memref<1x1000000x16xf32, #tpu.memory_space<hbm>>
    %dma_wait3A_734 = tpu.memref_squeeze %dma_wait3A_733 : memref<1x1000000x16xf32, #tpu.memory_space<hbm>> -> memref<1000000x16xf32, #tpu.memory_space<hbm>>
    %dma_wait3A_735 = arith.constant 0 : i32
    %dma_wait3A_736 = arith.constant 0 : i32
    %dma_wait3A_737 = tpu.memref_slice %dma_wait3A_734[%dma_wait3A_735, %dma_wait3A_736] : memref<1000000x16xf32, #tpu.memory_space<hbm>> -> memref<1664x16xf32, #tpu.memory_space<hbm>>
    tpu.wait_dma2 semaphore(%arg10 : memref<!tpu.dma_semaphore, #tpu.memory_space<semaphore_mem>>) src(%dma_wait3A_737 : memref<1664x16xf32, #tpu.memory_space<hbm>>) dst(%arg6 : memref<1664x16xf32, #tpu.memory_space<vmem>>)
    %dma_start3A_738 = arith.constant 29952 : i32
    %dma_start3A_739 = tpu.memref_slice %arg5[%dma_start3A_738] : memref<53248xi32, #tpu.memory_space<vmem>> -> memref<1664xi32, #tpu.memory_space<vmem>>
    %dma_start3A_740 = arith.constant 0 : i32
    %dma_start3A_741 = arith.constant 0 : i32
    %dma_start3A_742 = tpu.memref_slice %arg3[%select_n3A, %dma_start3A_740, %dma_start3A_741] : memref<4x1000000x16xf32, #tpu.memory_space<hbm>> -> memref<1x1000000x16xf32, #tpu.memory_space<hbm>>
    %dma_start3A_743 = tpu.memref_squeeze %dma_start3A_742 : memref<1x1000000x16xf32, #tpu.memory_space<hbm>> -> memref<1000000x16xf32, #tpu.memory_space<hbm>>
    %dma_start3A_744 = arith.constant 0 : i32
    %dma_start3A_745 = arith.constant 0 : i32
    %dma_start3A_746 = tpu.memref_slice %dma_start3A_743[%dma_start3A_744, %dma_start3A_745] : memref<1000000x16xf32, #tpu.memory_space<hbm>> -> memref<1000000x16xf32, #tpu.memory_space<hbm>>
    tpu.enqueue_indirect_dma source(%dma_start3A_746 : memref<1000000x16xf32, #tpu.memory_space<hbm>>) target(%arg6 : memref<1664x16xf32, #tpu.memory_space<vmem>>) offsets(%dma_start3A_739 : memref<1664xi32, #tpu.memory_space<vmem>>) semaphore(%arg8 : memref<!tpu.dma_semaphore, #tpu.memory_space<semaphore_mem>>)
    %dma_wait3A_747 = arith.constant 28288 : i32
    %dma_wait3A_748 = tpu.memref_slice %arg5[%dma_wait3A_747] : memref<53248xi32, #tpu.memory_space<vmem>> -> memref<1664xi32, #tpu.memory_space<vmem>>
    %dma_wait3A_749 = arith.constant 0 : i32
    %dma_wait3A_750 = arith.constant 0 : i32
    %dma_wait3A_751 = tpu.memref_slice %arg3[%select_n3A, %dma_wait3A_749, %dma_wait3A_750] : memref<4x1000000x16xf32, #tpu.memory_space<hbm>> -> memref<1x1000000x16xf32, #tpu.memory_space<hbm>>
    %dma_wait3A_752 = tpu.memref_squeeze %dma_wait3A_751 : memref<1x1000000x16xf32, #tpu.memory_space<hbm>> -> memref<1000000x16xf32, #tpu.memory_space<hbm>>
    %dma_wait3A_753 = arith.constant 0 : i32
    %dma_wait3A_754 = arith.constant 0 : i32
    %dma_wait3A_755 = tpu.memref_slice %dma_wait3A_752[%dma_wait3A_753, %dma_wait3A_754] : memref<1000000x16xf32, #tpu.memory_space<hbm>> -> memref<1000000x16xf32, #tpu.memory_space<hbm>>
    tpu.wait_indirect_dma semaphore(%arg9 : memref<!tpu.dma_semaphore, #tpu.memory_space<semaphore_mem>>) src(%dma_wait3A_755 : memref<1000000x16xf32, #tpu.memory_space<hbm>>) dst(%arg7 : memref<1664x16xf32, #tpu.memory_space<vmem>>)
    %add3A_756 = arith.constant 1088 : i32
    %add3A_757 = arith.addi %mul3A_34, %add3A_756 : i32
    %scan3A_758 = arith.constant 0 : i32
    %scan3A_759 = arith.constant 0 : i32
    %scan3A_760 = arith.constant 64 : i32
    %scan3A_761 = arith.addi %scan3A_759, %scan3A_760 : i32
    %scan3A_762 = arith.constant 1 : i32
    %scan3A_763 = scf.for %scan3A_1344 = %scan3A_759 to %scan3A_761 step %scan3A_762 iter_args(%scan3A_1345 = %scan3A_758) -> (i32)  : i32 {
      %mul3A_1346 = arith.constant 26 : i32
      %mul3A_1347 = arith.muli %scan3A_1344, %mul3A_1346 : i32
      %add3A_1348 = arith.addi %add3A_757, %scan3A_1344 : i32
      %dma_start3A_1349 = arith.constant 0 : i32
      %dma_start3A_1350 = tpu.memref_slice %arg7[%mul3A_1347, %dma_start3A_1349] : memref<1664x16xf32, #tpu.memory_space<vmem>> -> memref<26x16xf32, #tpu.memory_space<vmem>>
      %dma_start3A_1351 = arith.constant 0 : i32
      %dma_start3A_1352 = arith.constant 0 : i32
      %dma_start3A_1353 = tpu.memref_slice %arg4[%select_n3A, %add3A_1348, %dma_start3A_1351, %dma_start3A_1352] : memref<4x16384x26x16xf32, #tpu.memory_space<hbm>> -> memref<1x1x26x16xf32, #tpu.memory_space<hbm>>
      %dma_start3A_1354 = tpu.memref_squeeze %dma_start3A_1353 : memref<1x1x26x16xf32, #tpu.memory_space<hbm>> -> memref<26x16xf32, #tpu.memory_space<hbm>>
      %dma_start3A_1355 = arith.constant 0 : i32
      %dma_start3A_1356 = arith.constant 0 : i32
      %dma_start3A_1357 = tpu.memref_slice %arg4[%select_n3A, %add3A_1348, %dma_start3A_1355, %dma_start3A_1356] : memref<4x16384x26x16xf32, #tpu.memory_space<hbm>> -> memref<1x1x26x16xf32, #tpu.memory_space<hbm>>
      %dma_start3A_1358 = tpu.memref_squeeze %dma_start3A_1357 : memref<1x1x26x16xf32, #tpu.memory_space<hbm>> -> memref<26x16xf32, #tpu.memory_space<hbm>>
      %dma_start3A_1359 = arith.constant 0 : i32
      %dma_start3A_1360 = tpu.memref_slice %arg7[%mul3A_1347, %dma_start3A_1359] : memref<1664x16xf32, #tpu.memory_space<vmem>> -> memref<26x16xf32, #tpu.memory_space<vmem>>
      tpu.enqueue_dma source(%dma_start3A_1360 : memref<26x16xf32, #tpu.memory_space<vmem>>) target(%dma_start3A_1358 : memref<26x16xf32, #tpu.memory_space<hbm>>) target_semaphore(%arg11 : memref<!tpu.dma_semaphore, #tpu.memory_space<semaphore_mem>>)
      %scan3A_1361 = arith.constant 0 : i32
      scf.yield %scan3A_1361 : i32
    }
    %scan3A_764 = arith.constant 64 : i32
    %dma_wait3A_765 = arith.constant 0 : i32
    %dma_wait3A_766 = arith.constant 0 : i32
    %dma_wait3A_767 = tpu.memref_slice %arg3[%select_n3A, %dma_wait3A_765, %dma_wait3A_766] : memref<4x1000000x16xf32, #tpu.memory_space<hbm>> -> memref<1x1000000x16xf32, #tpu.memory_space<hbm>>
    %dma_wait3A_768 = tpu.memref_squeeze %dma_wait3A_767 : memref<1x1000000x16xf32, #tpu.memory_space<hbm>> -> memref<1000000x16xf32, #tpu.memory_space<hbm>>
    %dma_wait3A_769 = arith.constant 0 : i32
    %dma_wait3A_770 = arith.constant 0 : i32
    %dma_wait3A_771 = tpu.memref_slice %dma_wait3A_768[%dma_wait3A_769, %dma_wait3A_770] : memref<1000000x16xf32, #tpu.memory_space<hbm>> -> memref<1664x16xf32, #tpu.memory_space<hbm>>
    %dma_wait3A_772 = arith.constant 0 : i32
    %dma_wait3A_773 = arith.constant 0 : i32
    %dma_wait3A_774 = tpu.memref_slice %arg3[%select_n3A, %dma_wait3A_772, %dma_wait3A_773] : memref<4x1000000x16xf32, #tpu.memory_space<hbm>> -> memref<1x1000000x16xf32, #tpu.memory_space<hbm>>
    %dma_wait3A_775 = tpu.memref_squeeze %dma_wait3A_774 : memref<1x1000000x16xf32, #tpu.memory_space<hbm>> -> memref<1000000x16xf32, #tpu.memory_space<hbm>>
    %dma_wait3A_776 = arith.constant 0 : i32
    %dma_wait3A_777 = arith.constant 0 : i32
    %dma_wait3A_778 = tpu.memref_slice %dma_wait3A_775[%dma_wait3A_776, %dma_wait3A_777] : memref<1000000x16xf32, #tpu.memory_space<hbm>> -> memref<1664x16xf32, #tpu.memory_space<hbm>>
    tpu.wait_dma2 semaphore(%arg11 : memref<!tpu.dma_semaphore, #tpu.memory_space<semaphore_mem>>) src(%dma_wait3A_778 : memref<1664x16xf32, #tpu.memory_space<hbm>>) dst(%arg7 : memref<1664x16xf32, #tpu.memory_space<vmem>>)
    %dma_start3A_779 = arith.constant 31616 : i32
    %dma_start3A_780 = tpu.memref_slice %arg5[%dma_start3A_779] : memref<53248xi32, #tpu.memory_space<vmem>> -> memref<1664xi32, #tpu.memory_space<vmem>>
    %dma_start3A_781 = arith.constant 0 : i32
    %dma_start3A_782 = arith.constant 0 : i32
    %dma_start3A_783 = tpu.memref_slice %arg3[%select_n3A, %dma_start3A_781, %dma_start3A_782] : memref<4x1000000x16xf32, #tpu.memory_space<hbm>> -> memref<1x1000000x16xf32, #tpu.memory_space<hbm>>
    %dma_start3A_784 = tpu.memref_squeeze %dma_start3A_783 : memref<1x1000000x16xf32, #tpu.memory_space<hbm>> -> memref<1000000x16xf32, #tpu.memory_space<hbm>>
    %dma_start3A_785 = arith.constant 0 : i32
    %dma_start3A_786 = arith.constant 0 : i32
    %dma_start3A_787 = tpu.memref_slice %dma_start3A_784[%dma_start3A_785, %dma_start3A_786] : memref<1000000x16xf32, #tpu.memory_space<hbm>> -> memref<1000000x16xf32, #tpu.memory_space<hbm>>
    tpu.enqueue_indirect_dma source(%dma_start3A_787 : memref<1000000x16xf32, #tpu.memory_space<hbm>>) target(%arg7 : memref<1664x16xf32, #tpu.memory_space<vmem>>) offsets(%dma_start3A_780 : memref<1664xi32, #tpu.memory_space<vmem>>) semaphore(%arg9 : memref<!tpu.dma_semaphore, #tpu.memory_space<semaphore_mem>>)
    %dma_wait3A_788 = arith.constant 29952 : i32
    %dma_wait3A_789 = tpu.memref_slice %arg5[%dma_wait3A_788] : memref<53248xi32, #tpu.memory_space<vmem>> -> memref<1664xi32, #tpu.memory_space<vmem>>
    %dma_wait3A_790 = arith.constant 0 : i32
    %dma_wait3A_791 = arith.constant 0 : i32
    %dma_wait3A_792 = tpu.memref_slice %arg3[%select_n3A, %dma_wait3A_790, %dma_wait3A_791] : memref<4x1000000x16xf32, #tpu.memory_space<hbm>> -> memref<1x1000000x16xf32, #tpu.memory_space<hbm>>
    %dma_wait3A_793 = tpu.memref_squeeze %dma_wait3A_792 : memref<1x1000000x16xf32, #tpu.memory_space<hbm>> -> memref<1000000x16xf32, #tpu.memory_space<hbm>>
    %dma_wait3A_794 = arith.constant 0 : i32
    %dma_wait3A_795 = arith.constant 0 : i32
    %dma_wait3A_796 = tpu.memref_slice %dma_wait3A_793[%dma_wait3A_794, %dma_wait3A_795] : memref<1000000x16xf32, #tpu.memory_space<hbm>> -> memref<1000000x16xf32, #tpu.memory_space<hbm>>
    tpu.wait_indirect_dma semaphore(%arg8 : memref<!tpu.dma_semaphore, #tpu.memory_space<semaphore_mem>>) src(%dma_wait3A_796 : memref<1000000x16xf32, #tpu.memory_space<hbm>>) dst(%arg6 : memref<1664x16xf32, #tpu.memory_space<vmem>>)
    %add3A_797 = arith.constant 1152 : i32
    %add3A_798 = arith.addi %mul3A_34, %add3A_797 : i32
    %scan3A_799 = arith.constant 0 : i32
    %scan3A_800 = arith.constant 0 : i32
    %scan3A_801 = arith.constant 64 : i32
    %scan3A_802 = arith.addi %scan3A_800, %scan3A_801 : i32
    %scan3A_803 = arith.constant 1 : i32
    %scan3A_804 = scf.for %scan3A_1344 = %scan3A_800 to %scan3A_802 step %scan3A_803 iter_args(%scan3A_1345 = %scan3A_799) -> (i32)  : i32 {
      %mul3A_1346 = arith.constant 26 : i32
      %mul3A_1347 = arith.muli %scan3A_1344, %mul3A_1346 : i32
      %add3A_1348 = arith.addi %add3A_798, %scan3A_1344 : i32
      %dma_start3A_1349 = arith.constant 0 : i32
      %dma_start3A_1350 = tpu.memref_slice %arg6[%mul3A_1347, %dma_start3A_1349] : memref<1664x16xf32, #tpu.memory_space<vmem>> -> memref<26x16xf32, #tpu.memory_space<vmem>>
      %dma_start3A_1351 = arith.constant 0 : i32
      %dma_start3A_1352 = arith.constant 0 : i32
      %dma_start3A_1353 = tpu.memref_slice %arg4[%select_n3A, %add3A_1348, %dma_start3A_1351, %dma_start3A_1352] : memref<4x16384x26x16xf32, #tpu.memory_space<hbm>> -> memref<1x1x26x16xf32, #tpu.memory_space<hbm>>
      %dma_start3A_1354 = tpu.memref_squeeze %dma_start3A_1353 : memref<1x1x26x16xf32, #tpu.memory_space<hbm>> -> memref<26x16xf32, #tpu.memory_space<hbm>>
      %dma_start3A_1355 = arith.constant 0 : i32
      %dma_start3A_1356 = arith.constant 0 : i32
      %dma_start3A_1357 = tpu.memref_slice %arg4[%select_n3A, %add3A_1348, %dma_start3A_1355, %dma_start3A_1356] : memref<4x16384x26x16xf32, #tpu.memory_space<hbm>> -> memref<1x1x26x16xf32, #tpu.memory_space<hbm>>
      %dma_start3A_1358 = tpu.memref_squeeze %dma_start3A_1357 : memref<1x1x26x16xf32, #tpu.memory_space<hbm>> -> memref<26x16xf32, #tpu.memory_space<hbm>>
      %dma_start3A_1359 = arith.constant 0 : i32
      %dma_start3A_1360 = tpu.memref_slice %arg6[%mul3A_1347, %dma_start3A_1359] : memref<1664x16xf32, #tpu.memory_space<vmem>> -> memref<26x16xf32, #tpu.memory_space<vmem>>
      tpu.enqueue_dma source(%dma_start3A_1360 : memref<26x16xf32, #tpu.memory_space<vmem>>) target(%dma_start3A_1358 : memref<26x16xf32, #tpu.memory_space<hbm>>) target_semaphore(%arg10 : memref<!tpu.dma_semaphore, #tpu.memory_space<semaphore_mem>>)
      %scan3A_1361 = arith.constant 0 : i32
      scf.yield %scan3A_1361 : i32
    }
    %scan3A_805 = arith.constant 64 : i32
    %dma_wait3A_806 = arith.constant 0 : i32
    %dma_wait3A_807 = arith.constant 0 : i32
    %dma_wait3A_808 = tpu.memref_slice %arg3[%select_n3A, %dma_wait3A_806, %dma_wait3A_807] : memref<4x1000000x16xf32, #tpu.memory_space<hbm>> -> memref<1x1000000x16xf32, #tpu.memory_space<hbm>>
    %dma_wait3A_809 = tpu.memref_squeeze %dma_wait3A_808 : memref<1x1000000x16xf32, #tpu.memory_space<hbm>> -> memref<1000000x16xf32, #tpu.memory_space<hbm>>
    %dma_wait3A_810 = arith.constant 0 : i32
    %dma_wait3A_811 = arith.constant 0 : i32
    %dma_wait3A_812 = tpu.memref_slice %dma_wait3A_809[%dma_wait3A_810, %dma_wait3A_811] : memref<1000000x16xf32, #tpu.memory_space<hbm>> -> memref<1664x16xf32, #tpu.memory_space<hbm>>
    %dma_wait3A_813 = arith.constant 0 : i32
    %dma_wait3A_814 = arith.constant 0 : i32
    %dma_wait3A_815 = tpu.memref_slice %arg3[%select_n3A, %dma_wait3A_813, %dma_wait3A_814] : memref<4x1000000x16xf32, #tpu.memory_space<hbm>> -> memref<1x1000000x16xf32, #tpu.memory_space<hbm>>
    %dma_wait3A_816 = tpu.memref_squeeze %dma_wait3A_815 : memref<1x1000000x16xf32, #tpu.memory_space<hbm>> -> memref<1000000x16xf32, #tpu.memory_space<hbm>>
    %dma_wait3A_817 = arith.constant 0 : i32
    %dma_wait3A_818 = arith.constant 0 : i32
    %dma_wait3A_819 = tpu.memref_slice %dma_wait3A_816[%dma_wait3A_817, %dma_wait3A_818] : memref<1000000x16xf32, #tpu.memory_space<hbm>> -> memref<1664x16xf32, #tpu.memory_space<hbm>>
    tpu.wait_dma2 semaphore(%arg10 : memref<!tpu.dma_semaphore, #tpu.memory_space<semaphore_mem>>) src(%dma_wait3A_819 : memref<1664x16xf32, #tpu.memory_space<hbm>>) dst(%arg6 : memref<1664x16xf32, #tpu.memory_space<vmem>>)
    %dma_start3A_820 = arith.constant 33280 : i32
    %dma_start3A_821 = tpu.memref_slice %arg5[%dma_start3A_820] : memref<53248xi32, #tpu.memory_space<vmem>> -> memref<1664xi32, #tpu.memory_space<vmem>>
    %dma_start3A_822 = arith.constant 0 : i32
    %dma_start3A_823 = arith.constant 0 : i32
    %dma_start3A_824 = tpu.memref_slice %arg3[%select_n3A, %dma_start3A_822, %dma_start3A_823] : memref<4x1000000x16xf32, #tpu.memory_space<hbm>> -> memref<1x1000000x16xf32, #tpu.memory_space<hbm>>
    %dma_start3A_825 = tpu.memref_squeeze %dma_start3A_824 : memref<1x1000000x16xf32, #tpu.memory_space<hbm>> -> memref<1000000x16xf32, #tpu.memory_space<hbm>>
    %dma_start3A_826 = arith.constant 0 : i32
    %dma_start3A_827 = arith.constant 0 : i32
    %dma_start3A_828 = tpu.memref_slice %dma_start3A_825[%dma_start3A_826, %dma_start3A_827] : memref<1000000x16xf32, #tpu.memory_space<hbm>> -> memref<1000000x16xf32, #tpu.memory_space<hbm>>
    tpu.enqueue_indirect_dma source(%dma_start3A_828 : memref<1000000x16xf32, #tpu.memory_space<hbm>>) target(%arg6 : memref<1664x16xf32, #tpu.memory_space<vmem>>) offsets(%dma_start3A_821 : memref<1664xi32, #tpu.memory_space<vmem>>) semaphore(%arg8 : memref<!tpu.dma_semaphore, #tpu.memory_space<semaphore_mem>>)
    %dma_wait3A_829 = arith.constant 31616 : i32
    %dma_wait3A_830 = tpu.memref_slice %arg5[%dma_wait3A_829] : memref<53248xi32, #tpu.memory_space<vmem>> -> memref<1664xi32, #tpu.memory_space<vmem>>
    %dma_wait3A_831 = arith.constant 0 : i32
    %dma_wait3A_832 = arith.constant 0 : i32
    %dma_wait3A_833 = tpu.memref_slice %arg3[%select_n3A, %dma_wait3A_831, %dma_wait3A_832] : memref<4x1000000x16xf32, #tpu.memory_space<hbm>> -> memref<1x1000000x16xf32, #tpu.memory_space<hbm>>
    %dma_wait3A_834 = tpu.memref_squeeze %dma_wait3A_833 : memref<1x1000000x16xf32, #tpu.memory_space<hbm>> -> memref<1000000x16xf32, #tpu.memory_space<hbm>>
    %dma_wait3A_835 = arith.constant 0 : i32
    %dma_wait3A_836 = arith.constant 0 : i32
    %dma_wait3A_837 = tpu.memref_slice %dma_wait3A_834[%dma_wait3A_835, %dma_wait3A_836] : memref<1000000x16xf32, #tpu.memory_space<hbm>> -> memref<1000000x16xf32, #tpu.memory_space<hbm>>
    tpu.wait_indirect_dma semaphore(%arg9 : memref<!tpu.dma_semaphore, #tpu.memory_space<semaphore_mem>>) src(%dma_wait3A_837 : memref<1000000x16xf32, #tpu.memory_space<hbm>>) dst(%arg7 : memref<1664x16xf32, #tpu.memory_space<vmem>>)
    %add3A_838 = arith.constant 1216 : i32
    %add3A_839 = arith.addi %mul3A_34, %add3A_838 : i32
    %scan3A_840 = arith.constant 0 : i32
    %scan3A_841 = arith.constant 0 : i32
    %scan3A_842 = arith.constant 64 : i32
    %scan3A_843 = arith.addi %scan3A_841, %scan3A_842 : i32
    %scan3A_844 = arith.constant 1 : i32
    %scan3A_845 = scf.for %scan3A_1344 = %scan3A_841 to %scan3A_843 step %scan3A_844 iter_args(%scan3A_1345 = %scan3A_840) -> (i32)  : i32 {
      %mul3A_1346 = arith.constant 26 : i32
      %mul3A_1347 = arith.muli %scan3A_1344, %mul3A_1346 : i32
      %add3A_1348 = arith.addi %add3A_839, %scan3A_1344 : i32
      %dma_start3A_1349 = arith.constant 0 : i32
      %dma_start3A_1350 = tpu.memref_slice %arg7[%mul3A_1347, %dma_start3A_1349] : memref<1664x16xf32, #tpu.memory_space<vmem>> -> memref<26x16xf32, #tpu.memory_space<vmem>>
      %dma_start3A_1351 = arith.constant 0 : i32
      %dma_start3A_1352 = arith.constant 0 : i32
      %dma_start3A_1353 = tpu.memref_slice %arg4[%select_n3A, %add3A_1348, %dma_start3A_1351, %dma_start3A_1352] : memref<4x16384x26x16xf32, #tpu.memory_space<hbm>> -> memref<1x1x26x16xf32, #tpu.memory_space<hbm>>
      %dma_start3A_1354 = tpu.memref_squeeze %dma_start3A_1353 : memref<1x1x26x16xf32, #tpu.memory_space<hbm>> -> memref<26x16xf32, #tpu.memory_space<hbm>>
      %dma_start3A_1355 = arith.constant 0 : i32
      %dma_start3A_1356 = arith.constant 0 : i32
      %dma_start3A_1357 = tpu.memref_slice %arg4[%select_n3A, %add3A_1348, %dma_start3A_1355, %dma_start3A_1356] : memref<4x16384x26x16xf32, #tpu.memory_space<hbm>> -> memref<1x1x26x16xf32, #tpu.memory_space<hbm>>
      %dma_start3A_1358 = tpu.memref_squeeze %dma_start3A_1357 : memref<1x1x26x16xf32, #tpu.memory_space<hbm>> -> memref<26x16xf32, #tpu.memory_space<hbm>>
      %dma_start3A_1359 = arith.constant 0 : i32
      %dma_start3A_1360 = tpu.memref_slice %arg7[%mul3A_1347, %dma_start3A_1359] : memref<1664x16xf32, #tpu.memory_space<vmem>> -> memref<26x16xf32, #tpu.memory_space<vmem>>
      tpu.enqueue_dma source(%dma_start3A_1360 : memref<26x16xf32, #tpu.memory_space<vmem>>) target(%dma_start3A_1358 : memref<26x16xf32, #tpu.memory_space<hbm>>) target_semaphore(%arg11 : memref<!tpu.dma_semaphore, #tpu.memory_space<semaphore_mem>>)
      %scan3A_1361 = arith.constant 0 : i32
      scf.yield %scan3A_1361 : i32
    }
    %scan3A_846 = arith.constant 64 : i32
    %dma_wait3A_847 = arith.constant 0 : i32
    %dma_wait3A_848 = arith.constant 0 : i32
    %dma_wait3A_849 = tpu.memref_slice %arg3[%select_n3A, %dma_wait3A_847, %dma_wait3A_848] : memref<4x1000000x16xf32, #tpu.memory_space<hbm>> -> memref<1x1000000x16xf32, #tpu.memory_space<hbm>>
    %dma_wait3A_850 = tpu.memref_squeeze %dma_wait3A_849 : memref<1x1000000x16xf32, #tpu.memory_space<hbm>> -> memref<1000000x16xf32, #tpu.memory_space<hbm>>
    %dma_wait3A_851 = arith.constant 0 : i32
    %dma_wait3A_852 = arith.constant 0 : i32
    %dma_wait3A_853 = tpu.memref_slice %dma_wait3A_850[%dma_wait3A_851, %dma_wait3A_852] : memref<1000000x16xf32, #tpu.memory_space<hbm>> -> memref<1664x16xf32, #tpu.memory_space<hbm>>
    %dma_wait3A_854 = arith.constant 0 : i32
    %dma_wait3A_855 = arith.constant 0 : i32
    %dma_wait3A_856 = tpu.memref_slice %arg3[%select_n3A, %dma_wait3A_854, %dma_wait3A_855] : memref<4x1000000x16xf32, #tpu.memory_space<hbm>> -> memref<1x1000000x16xf32, #tpu.memory_space<hbm>>
    %dma_wait3A_857 = tpu.memref_squeeze %dma_wait3A_856 : memref<1x1000000x16xf32, #tpu.memory_space<hbm>> -> memref<1000000x16xf32, #tpu.memory_space<hbm>>
    %dma_wait3A_858 = arith.constant 0 : i32
    %dma_wait3A_859 = arith.constant 0 : i32
    %dma_wait3A_860 = tpu.memref_slice %dma_wait3A_857[%dma_wait3A_858, %dma_wait3A_859] : memref<1000000x16xf32, #tpu.memory_space<hbm>> -> memref<1664x16xf32, #tpu.memory_space<hbm>>
    tpu.wait_dma2 semaphore(%arg11 : memref<!tpu.dma_semaphore, #tpu.memory_space<semaphore_mem>>) src(%dma_wait3A_860 : memref<1664x16xf32, #tpu.memory_space<hbm>>) dst(%arg7 : memref<1664x16xf32, #tpu.memory_space<vmem>>)
    %dma_start3A_861 = arith.constant 34944 : i32
    %dma_start3A_862 = tpu.memref_slice %arg5[%dma_start3A_861] : memref<53248xi32, #tpu.memory_space<vmem>> -> memref<1664xi32, #tpu.memory_space<vmem>>
    %dma_start3A_863 = arith.constant 0 : i32
    %dma_start3A_864 = arith.constant 0 : i32
    %dma_start3A_865 = tpu.memref_slice %arg3[%select_n3A, %dma_start3A_863, %dma_start3A_864] : memref<4x1000000x16xf32, #tpu.memory_space<hbm>> -> memref<1x1000000x16xf32, #tpu.memory_space<hbm>>
    %dma_start3A_866 = tpu.memref_squeeze %dma_start3A_865 : memref<1x1000000x16xf32, #tpu.memory_space<hbm>> -> memref<1000000x16xf32, #tpu.memory_space<hbm>>
    %dma_start3A_867 = arith.constant 0 : i32
    %dma_start3A_868 = arith.constant 0 : i32
    %dma_start3A_869 = tpu.memref_slice %dma_start3A_866[%dma_start3A_867, %dma_start3A_868] : memref<1000000x16xf32, #tpu.memory_space<hbm>> -> memref<1000000x16xf32, #tpu.memory_space<hbm>>
    tpu.enqueue_indirect_dma source(%dma_start3A_869 : memref<1000000x16xf32, #tpu.memory_space<hbm>>) target(%arg7 : memref<1664x16xf32, #tpu.memory_space<vmem>>) offsets(%dma_start3A_862 : memref<1664xi32, #tpu.memory_space<vmem>>) semaphore(%arg9 : memref<!tpu.dma_semaphore, #tpu.memory_space<semaphore_mem>>)
    %dma_wait3A_870 = arith.constant 33280 : i32
    %dma_wait3A_871 = tpu.memref_slice %arg5[%dma_wait3A_870] : memref<53248xi32, #tpu.memory_space<vmem>> -> memref<1664xi32, #tpu.memory_space<vmem>>
    %dma_wait3A_872 = arith.constant 0 : i32
    %dma_wait3A_873 = arith.constant 0 : i32
    %dma_wait3A_874 = tpu.memref_slice %arg3[%select_n3A, %dma_wait3A_872, %dma_wait3A_873] : memref<4x1000000x16xf32, #tpu.memory_space<hbm>> -> memref<1x1000000x16xf32, #tpu.memory_space<hbm>>
    %dma_wait3A_875 = tpu.memref_squeeze %dma_wait3A_874 : memref<1x1000000x16xf32, #tpu.memory_space<hbm>> -> memref<1000000x16xf32, #tpu.memory_space<hbm>>
    %dma_wait3A_876 = arith.constant 0 : i32
    %dma_wait3A_877 = arith.constant 0 : i32
    %dma_wait3A_878 = tpu.memref_slice %dma_wait3A_875[%dma_wait3A_876, %dma_wait3A_877] : memref<1000000x16xf32, #tpu.memory_space<hbm>> -> memref<1000000x16xf32, #tpu.memory_space<hbm>>
    tpu.wait_indirect_dma semaphore(%arg8 : memref<!tpu.dma_semaphore, #tpu.memory_space<semaphore_mem>>) src(%dma_wait3A_878 : memref<1000000x16xf32, #tpu.memory_space<hbm>>) dst(%arg6 : memref<1664x16xf32, #tpu.memory_space<vmem>>)
    %add3A_879 = arith.constant 1280 : i32
    %add3A_880 = arith.addi %mul3A_34, %add3A_879 : i32
    %scan3A_881 = arith.constant 0 : i32
    %scan3A_882 = arith.constant 0 : i32
    %scan3A_883 = arith.constant 64 : i32
    %scan3A_884 = arith.addi %scan3A_882, %scan3A_883 : i32
    %scan3A_885 = arith.constant 1 : i32
    %scan3A_886 = scf.for %scan3A_1344 = %scan3A_882 to %scan3A_884 step %scan3A_885 iter_args(%scan3A_1345 = %scan3A_881) -> (i32)  : i32 {
      %mul3A_1346 = arith.constant 26 : i32
      %mul3A_1347 = arith.muli %scan3A_1344, %mul3A_1346 : i32
      %add3A_1348 = arith.addi %add3A_880, %scan3A_1344 : i32
      %dma_start3A_1349 = arith.constant 0 : i32
      %dma_start3A_1350 = tpu.memref_slice %arg6[%mul3A_1347, %dma_start3A_1349] : memref<1664x16xf32, #tpu.memory_space<vmem>> -> memref<26x16xf32, #tpu.memory_space<vmem>>
      %dma_start3A_1351 = arith.constant 0 : i32
      %dma_start3A_1352 = arith.constant 0 : i32
      %dma_start3A_1353 = tpu.memref_slice %arg4[%select_n3A, %add3A_1348, %dma_start3A_1351, %dma_start3A_1352] : memref<4x16384x26x16xf32, #tpu.memory_space<hbm>> -> memref<1x1x26x16xf32, #tpu.memory_space<hbm>>
      %dma_start3A_1354 = tpu.memref_squeeze %dma_start3A_1353 : memref<1x1x26x16xf32, #tpu.memory_space<hbm>> -> memref<26x16xf32, #tpu.memory_space<hbm>>
      %dma_start3A_1355 = arith.constant 0 : i32
      %dma_start3A_1356 = arith.constant 0 : i32
      %dma_start3A_1357 = tpu.memref_slice %arg4[%select_n3A, %add3A_1348, %dma_start3A_1355, %dma_start3A_1356] : memref<4x16384x26x16xf32, #tpu.memory_space<hbm>> -> memref<1x1x26x16xf32, #tpu.memory_space<hbm>>
      %dma_start3A_1358 = tpu.memref_squeeze %dma_start3A_1357 : memref<1x1x26x16xf32, #tpu.memory_space<hbm>> -> memref<26x16xf32, #tpu.memory_space<hbm>>
      %dma_start3A_1359 = arith.constant 0 : i32
      %dma_start3A_1360 = tpu.memref_slice %arg6[%mul3A_1347, %dma_start3A_1359] : memref<1664x16xf32, #tpu.memory_space<vmem>> -> memref<26x16xf32, #tpu.memory_space<vmem>>
      tpu.enqueue_dma source(%dma_start3A_1360 : memref<26x16xf32, #tpu.memory_space<vmem>>) target(%dma_start3A_1358 : memref<26x16xf32, #tpu.memory_space<hbm>>) target_semaphore(%arg10 : memref<!tpu.dma_semaphore, #tpu.memory_space<semaphore_mem>>)
      %scan3A_1361 = arith.constant 0 : i32
      scf.yield %scan3A_1361 : i32
    }
    %scan3A_887 = arith.constant 64 : i32
    %dma_wait3A_888 = arith.constant 0 : i32
    %dma_wait3A_889 = arith.constant 0 : i32
    %dma_wait3A_890 = tpu.memref_slice %arg3[%select_n3A, %dma_wait3A_888, %dma_wait3A_889] : memref<4x1000000x16xf32, #tpu.memory_space<hbm>> -> memref<1x1000000x16xf32, #tpu.memory_space<hbm>>
    %dma_wait3A_891 = tpu.memref_squeeze %dma_wait3A_890 : memref<1x1000000x16xf32, #tpu.memory_space<hbm>> -> memref<1000000x16xf32, #tpu.memory_space<hbm>>
    %dma_wait3A_892 = arith.constant 0 : i32
    %dma_wait3A_893 = arith.constant 0 : i32
    %dma_wait3A_894 = tpu.memref_slice %dma_wait3A_891[%dma_wait3A_892, %dma_wait3A_893] : memref<1000000x16xf32, #tpu.memory_space<hbm>> -> memref<1664x16xf32, #tpu.memory_space<hbm>>
    %dma_wait3A_895 = arith.constant 0 : i32
    %dma_wait3A_896 = arith.constant 0 : i32
    %dma_wait3A_897 = tpu.memref_slice %arg3[%select_n3A, %dma_wait3A_895, %dma_wait3A_896] : memref<4x1000000x16xf32, #tpu.memory_space<hbm>> -> memref<1x1000000x16xf32, #tpu.memory_space<hbm>>
    %dma_wait3A_898 = tpu.memref_squeeze %dma_wait3A_897 : memref<1x1000000x16xf32, #tpu.memory_space<hbm>> -> memref<1000000x16xf32, #tpu.memory_space<hbm>>
    %dma_wait3A_899 = arith.constant 0 : i32
    %dma_wait3A_900 = arith.constant 0 : i32
    %dma_wait3A_901 = tpu.memref_slice %dma_wait3A_898[%dma_wait3A_899, %dma_wait3A_900] : memref<1000000x16xf32, #tpu.memory_space<hbm>> -> memref<1664x16xf32, #tpu.memory_space<hbm>>
    tpu.wait_dma2 semaphore(%arg10 : memref<!tpu.dma_semaphore, #tpu.memory_space<semaphore_mem>>) src(%dma_wait3A_901 : memref<1664x16xf32, #tpu.memory_space<hbm>>) dst(%arg6 : memref<1664x16xf32, #tpu.memory_space<vmem>>)
    %dma_start3A_902 = arith.constant 36608 : i32
    %dma_start3A_903 = tpu.memref_slice %arg5[%dma_start3A_902] : memref<53248xi32, #tpu.memory_space<vmem>> -> memref<1664xi32, #tpu.memory_space<vmem>>
    %dma_start3A_904 = arith.constant 0 : i32
    %dma_start3A_905 = arith.constant 0 : i32
    %dma_start3A_906 = tpu.memref_slice %arg3[%select_n3A, %dma_start3A_904, %dma_start3A_905] : memref<4x1000000x16xf32, #tpu.memory_space<hbm>> -> memref<1x1000000x16xf32, #tpu.memory_space<hbm>>
    %dma_start3A_907 = tpu.memref_squeeze %dma_start3A_906 : memref<1x1000000x16xf32, #tpu.memory_space<hbm>> -> memref<1000000x16xf32, #tpu.memory_space<hbm>>
    %dma_start3A_908 = arith.constant 0 : i32
    %dma_start3A_909 = arith.constant 0 : i32
    %dma_start3A_910 = tpu.memref_slice %dma_start3A_907[%dma_start3A_908, %dma_start3A_909] : memref<1000000x16xf32, #tpu.memory_space<hbm>> -> memref<1000000x16xf32, #tpu.memory_space<hbm>>
    tpu.enqueue_indirect_dma source(%dma_start3A_910 : memref<1000000x16xf32, #tpu.memory_space<hbm>>) target(%arg6 : memref<1664x16xf32, #tpu.memory_space<vmem>>) offsets(%dma_start3A_903 : memref<1664xi32, #tpu.memory_space<vmem>>) semaphore(%arg8 : memref<!tpu.dma_semaphore, #tpu.memory_space<semaphore_mem>>)
    %dma_wait3A_911 = arith.constant 34944 : i32
    %dma_wait3A_912 = tpu.memref_slice %arg5[%dma_wait3A_911] : memref<53248xi32, #tpu.memory_space<vmem>> -> memref<1664xi32, #tpu.memory_space<vmem>>
    %dma_wait3A_913 = arith.constant 0 : i32
    %dma_wait3A_914 = arith.constant 0 : i32
    %dma_wait3A_915 = tpu.memref_slice %arg3[%select_n3A, %dma_wait3A_913, %dma_wait3A_914] : memref<4x1000000x16xf32, #tpu.memory_space<hbm>> -> memref<1x1000000x16xf32, #tpu.memory_space<hbm>>
    %dma_wait3A_916 = tpu.memref_squeeze %dma_wait3A_915 : memref<1x1000000x16xf32, #tpu.memory_space<hbm>> -> memref<1000000x16xf32, #tpu.memory_space<hbm>>
    %dma_wait3A_917 = arith.constant 0 : i32
    %dma_wait3A_918 = arith.constant 0 : i32
    %dma_wait3A_919 = tpu.memref_slice %dma_wait3A_916[%dma_wait3A_917, %dma_wait3A_918] : memref<1000000x16xf32, #tpu.memory_space<hbm>> -> memref<1000000x16xf32, #tpu.memory_space<hbm>>
    tpu.wait_indirect_dma semaphore(%arg9 : memref<!tpu.dma_semaphore, #tpu.memory_space<semaphore_mem>>) src(%dma_wait3A_919 : memref<1000000x16xf32, #tpu.memory_space<hbm>>) dst(%arg7 : memref<1664x16xf32, #tpu.memory_space<vmem>>)
    %add3A_920 = arith.constant 1344 : i32
    %add3A_921 = arith.addi %mul3A_34, %add3A_920 : i32
    %scan3A_922 = arith.constant 0 : i32
    %scan3A_923 = arith.constant 0 : i32
    %scan3A_924 = arith.constant 64 : i32
    %scan3A_925 = arith.addi %scan3A_923, %scan3A_924 : i32
    %scan3A_926 = arith.constant 1 : i32
    %scan3A_927 = scf.for %scan3A_1344 = %scan3A_923 to %scan3A_925 step %scan3A_926 iter_args(%scan3A_1345 = %scan3A_922) -> (i32)  : i32 {
      %mul3A_1346 = arith.constant 26 : i32
      %mul3A_1347 = arith.muli %scan3A_1344, %mul3A_1346 : i32
      %add3A_1348 = arith.addi %add3A_921, %scan3A_1344 : i32
      %dma_start3A_1349 = arith.constant 0 : i32
      %dma_start3A_1350 = tpu.memref_slice %arg7[%mul3A_1347, %dma_start3A_1349] : memref<1664x16xf32, #tpu.memory_space<vmem>> -> memref<26x16xf32, #tpu.memory_space<vmem>>
      %dma_start3A_1351 = arith.constant 0 : i32
      %dma_start3A_1352 = arith.constant 0 : i32
      %dma_start3A_1353 = tpu.memref_slice %arg4[%select_n3A, %add3A_1348, %dma_start3A_1351, %dma_start3A_1352] : memref<4x16384x26x16xf32, #tpu.memory_space<hbm>> -> memref<1x1x26x16xf32, #tpu.memory_space<hbm>>
      %dma_start3A_1354 = tpu.memref_squeeze %dma_start3A_1353 : memref<1x1x26x16xf32, #tpu.memory_space<hbm>> -> memref<26x16xf32, #tpu.memory_space<hbm>>
      %dma_start3A_1355 = arith.constant 0 : i32
      %dma_start3A_1356 = arith.constant 0 : i32
      %dma_start3A_1357 = tpu.memref_slice %arg4[%select_n3A, %add3A_1348, %dma_start3A_1355, %dma_start3A_1356] : memref<4x16384x26x16xf32, #tpu.memory_space<hbm>> -> memref<1x1x26x16xf32, #tpu.memory_space<hbm>>
      %dma_start3A_1358 = tpu.memref_squeeze %dma_start3A_1357 : memref<1x1x26x16xf32, #tpu.memory_space<hbm>> -> memref<26x16xf32, #tpu.memory_space<hbm>>
      %dma_start3A_1359 = arith.constant 0 : i32
      %dma_start3A_1360 = tpu.memref_slice %arg7[%mul3A_1347, %dma_start3A_1359] : memref<1664x16xf32, #tpu.memory_space<vmem>> -> memref<26x16xf32, #tpu.memory_space<vmem>>
      tpu.enqueue_dma source(%dma_start3A_1360 : memref<26x16xf32, #tpu.memory_space<vmem>>) target(%dma_start3A_1358 : memref<26x16xf32, #tpu.memory_space<hbm>>) target_semaphore(%arg11 : memref<!tpu.dma_semaphore, #tpu.memory_space<semaphore_mem>>)
      %scan3A_1361 = arith.constant 0 : i32
      scf.yield %scan3A_1361 : i32
    }
    %scan3A_928 = arith.constant 64 : i32
    %dma_wait3A_929 = arith.constant 0 : i32
    %dma_wait3A_930 = arith.constant 0 : i32
    %dma_wait3A_931 = tpu.memref_slice %arg3[%select_n3A, %dma_wait3A_929, %dma_wait3A_930] : memref<4x1000000x16xf32, #tpu.memory_space<hbm>> -> memref<1x1000000x16xf32, #tpu.memory_space<hbm>>
    %dma_wait3A_932 = tpu.memref_squeeze %dma_wait3A_931 : memref<1x1000000x16xf32, #tpu.memory_space<hbm>> -> memref<1000000x16xf32, #tpu.memory_space<hbm>>
    %dma_wait3A_933 = arith.constant 0 : i32
    %dma_wait3A_934 = arith.constant 0 : i32
    %dma_wait3A_935 = tpu.memref_slice %dma_wait3A_932[%dma_wait3A_933, %dma_wait3A_934] : memref<1000000x16xf32, #tpu.memory_space<hbm>> -> memref<1664x16xf32, #tpu.memory_space<hbm>>
    %dma_wait3A_936 = arith.constant 0 : i32
    %dma_wait3A_937 = arith.constant 0 : i32
    %dma_wait3A_938 = tpu.memref_slice %arg3[%select_n3A, %dma_wait3A_936, %dma_wait3A_937] : memref<4x1000000x16xf32, #tpu.memory_space<hbm>> -> memref<1x1000000x16xf32, #tpu.memory_space<hbm>>
    %dma_wait3A_939 = tpu.memref_squeeze %dma_wait3A_938 : memref<1x1000000x16xf32, #tpu.memory_space<hbm>> -> memref<1000000x16xf32, #tpu.memory_space<hbm>>
    %dma_wait3A_940 = arith.constant 0 : i32
    %dma_wait3A_941 = arith.constant 0 : i32
    %dma_wait3A_942 = tpu.memref_slice %dma_wait3A_939[%dma_wait3A_940, %dma_wait3A_941] : memref<1000000x16xf32, #tpu.memory_space<hbm>> -> memref<1664x16xf32, #tpu.memory_space<hbm>>
    tpu.wait_dma2 semaphore(%arg11 : memref<!tpu.dma_semaphore, #tpu.memory_space<semaphore_mem>>) src(%dma_wait3A_942 : memref<1664x16xf32, #tpu.memory_space<hbm>>) dst(%arg7 : memref<1664x16xf32, #tpu.memory_space<vmem>>)
    %dma_start3A_943 = arith.constant 38272 : i32
    %dma_start3A_944 = tpu.memref_slice %arg5[%dma_start3A_943] : memref<53248xi32, #tpu.memory_space<vmem>> -> memref<1664xi32, #tpu.memory_space<vmem>>
    %dma_start3A_945 = arith.constant 0 : i32
    %dma_start3A_946 = arith.constant 0 : i32
    %dma_start3A_947 = tpu.memref_slice %arg3[%select_n3A, %dma_start3A_945, %dma_start3A_946] : memref<4x1000000x16xf32, #tpu.memory_space<hbm>> -> memref<1x1000000x16xf32, #tpu.memory_space<hbm>>
    %dma_start3A_948 = tpu.memref_squeeze %dma_start3A_947 : memref<1x1000000x16xf32, #tpu.memory_space<hbm>> -> memref<1000000x16xf32, #tpu.memory_space<hbm>>
    %dma_start3A_949 = arith.constant 0 : i32
    %dma_start3A_950 = arith.constant 0 : i32
    %dma_start3A_951 = tpu.memref_slice %dma_start3A_948[%dma_start3A_949, %dma_start3A_950] : memref<1000000x16xf32, #tpu.memory_space<hbm>> -> memref<1000000x16xf32, #tpu.memory_space<hbm>>
    tpu.enqueue_indirect_dma source(%dma_start3A_951 : memref<1000000x16xf32, #tpu.memory_space<hbm>>) target(%arg7 : memref<1664x16xf32, #tpu.memory_space<vmem>>) offsets(%dma_start3A_944 : memref<1664xi32, #tpu.memory_space<vmem>>) semaphore(%arg9 : memref<!tpu.dma_semaphore, #tpu.memory_space<semaphore_mem>>)
    %dma_wait3A_952 = arith.constant 36608 : i32
    %dma_wait3A_953 = tpu.memref_slice %arg5[%dma_wait3A_952] : memref<53248xi32, #tpu.memory_space<vmem>> -> memref<1664xi32, #tpu.memory_space<vmem>>
    %dma_wait3A_954 = arith.constant 0 : i32
    %dma_wait3A_955 = arith.constant 0 : i32
    %dma_wait3A_956 = tpu.memref_slice %arg3[%select_n3A, %dma_wait3A_954, %dma_wait3A_955] : memref<4x1000000x16xf32, #tpu.memory_space<hbm>> -> memref<1x1000000x16xf32, #tpu.memory_space<hbm>>
    %dma_wait3A_957 = tpu.memref_squeeze %dma_wait3A_956 : memref<1x1000000x16xf32, #tpu.memory_space<hbm>> -> memref<1000000x16xf32, #tpu.memory_space<hbm>>
    %dma_wait3A_958 = arith.constant 0 : i32
    %dma_wait3A_959 = arith.constant 0 : i32
    %dma_wait3A_960 = tpu.memref_slice %dma_wait3A_957[%dma_wait3A_958, %dma_wait3A_959] : memref<1000000x16xf32, #tpu.memory_space<hbm>> -> memref<1000000x16xf32, #tpu.memory_space<hbm>>
    tpu.wait_indirect_dma semaphore(%arg8 : memref<!tpu.dma_semaphore, #tpu.memory_space<semaphore_mem>>) src(%dma_wait3A_960 : memref<1000000x16xf32, #tpu.memory_space<hbm>>) dst(%arg6 : memref<1664x16xf32, #tpu.memory_space<vmem>>)
    %add3A_961 = arith.constant 1408 : i32
    %add3A_962 = arith.addi %mul3A_34, %add3A_961 : i32
    %scan3A_963 = arith.constant 0 : i32
    %scan3A_964 = arith.constant 0 : i32
    %scan3A_965 = arith.constant 64 : i32
    %scan3A_966 = arith.addi %scan3A_964, %scan3A_965 : i32
    %scan3A_967 = arith.constant 1 : i32
    %scan3A_968 = scf.for %scan3A_1344 = %scan3A_964 to %scan3A_966 step %scan3A_967 iter_args(%scan3A_1345 = %scan3A_963) -> (i32)  : i32 {
      %mul3A_1346 = arith.constant 26 : i32
      %mul3A_1347 = arith.muli %scan3A_1344, %mul3A_1346 : i32
      %add3A_1348 = arith.addi %add3A_962, %scan3A_1344 : i32
      %dma_start3A_1349 = arith.constant 0 : i32
      %dma_start3A_1350 = tpu.memref_slice %arg6[%mul3A_1347, %dma_start3A_1349] : memref<1664x16xf32, #tpu.memory_space<vmem>> -> memref<26x16xf32, #tpu.memory_space<vmem>>
      %dma_start3A_1351 = arith.constant 0 : i32
      %dma_start3A_1352 = arith.constant 0 : i32
      %dma_start3A_1353 = tpu.memref_slice %arg4[%select_n3A, %add3A_1348, %dma_start3A_1351, %dma_start3A_1352] : memref<4x16384x26x16xf32, #tpu.memory_space<hbm>> -> memref<1x1x26x16xf32, #tpu.memory_space<hbm>>
      %dma_start3A_1354 = tpu.memref_squeeze %dma_start3A_1353 : memref<1x1x26x16xf32, #tpu.memory_space<hbm>> -> memref<26x16xf32, #tpu.memory_space<hbm>>
      %dma_start3A_1355 = arith.constant 0 : i32
      %dma_start3A_1356 = arith.constant 0 : i32
      %dma_start3A_1357 = tpu.memref_slice %arg4[%select_n3A, %add3A_1348, %dma_start3A_1355, %dma_start3A_1356] : memref<4x16384x26x16xf32, #tpu.memory_space<hbm>> -> memref<1x1x26x16xf32, #tpu.memory_space<hbm>>
      %dma_start3A_1358 = tpu.memref_squeeze %dma_start3A_1357 : memref<1x1x26x16xf32, #tpu.memory_space<hbm>> -> memref<26x16xf32, #tpu.memory_space<hbm>>
      %dma_start3A_1359 = arith.constant 0 : i32
      %dma_start3A_1360 = tpu.memref_slice %arg6[%mul3A_1347, %dma_start3A_1359] : memref<1664x16xf32, #tpu.memory_space<vmem>> -> memref<26x16xf32, #tpu.memory_space<vmem>>
      tpu.enqueue_dma source(%dma_start3A_1360 : memref<26x16xf32, #tpu.memory_space<vmem>>) target(%dma_start3A_1358 : memref<26x16xf32, #tpu.memory_space<hbm>>) target_semaphore(%arg10 : memref<!tpu.dma_semaphore, #tpu.memory_space<semaphore_mem>>)
      %scan3A_1361 = arith.constant 0 : i32
      scf.yield %scan3A_1361 : i32
    }
    %scan3A_969 = arith.constant 64 : i32
    %dma_wait3A_970 = arith.constant 0 : i32
    %dma_wait3A_971 = arith.constant 0 : i32
    %dma_wait3A_972 = tpu.memref_slice %arg3[%select_n3A, %dma_wait3A_970, %dma_wait3A_971] : memref<4x1000000x16xf32, #tpu.memory_space<hbm>> -> memref<1x1000000x16xf32, #tpu.memory_space<hbm>>
    %dma_wait3A_973 = tpu.memref_squeeze %dma_wait3A_972 : memref<1x1000000x16xf32, #tpu.memory_space<hbm>> -> memref<1000000x16xf32, #tpu.memory_space<hbm>>
    %dma_wait3A_974 = arith.constant 0 : i32
    %dma_wait3A_975 = arith.constant 0 : i32
    %dma_wait3A_976 = tpu.memref_slice %dma_wait3A_973[%dma_wait3A_974, %dma_wait3A_975] : memref<1000000x16xf32, #tpu.memory_space<hbm>> -> memref<1664x16xf32, #tpu.memory_space<hbm>>
    %dma_wait3A_977 = arith.constant 0 : i32
    %dma_wait3A_978 = arith.constant 0 : i32
    %dma_wait3A_979 = tpu.memref_slice %arg3[%select_n3A, %dma_wait3A_977, %dma_wait3A_978] : memref<4x1000000x16xf32, #tpu.memory_space<hbm>> -> memref<1x1000000x16xf32, #tpu.memory_space<hbm>>
    %dma_wait3A_980 = tpu.memref_squeeze %dma_wait3A_979 : memref<1x1000000x16xf32, #tpu.memory_space<hbm>> -> memref<1000000x16xf32, #tpu.memory_space<hbm>>
    %dma_wait3A_981 = arith.constant 0 : i32
    %dma_wait3A_982 = arith.constant 0 : i32
    %dma_wait3A_983 = tpu.memref_slice %dma_wait3A_980[%dma_wait3A_981, %dma_wait3A_982] : memref<1000000x16xf32, #tpu.memory_space<hbm>> -> memref<1664x16xf32, #tpu.memory_space<hbm>>
    tpu.wait_dma2 semaphore(%arg10 : memref<!tpu.dma_semaphore, #tpu.memory_space<semaphore_mem>>) src(%dma_wait3A_983 : memref<1664x16xf32, #tpu.memory_space<hbm>>) dst(%arg6 : memref<1664x16xf32, #tpu.memory_space<vmem>>)
    %dma_start3A_984 = arith.constant 39936 : i32
    %dma_start3A_985 = tpu.memref_slice %arg5[%dma_start3A_984] : memref<53248xi32, #tpu.memory_space<vmem>> -> memref<1664xi32, #tpu.memory_space<vmem>>
    %dma_start3A_986 = arith.constant 0 : i32
    %dma_start3A_987 = arith.constant 0 : i32
    %dma_start3A_988 = tpu.memref_slice %arg3[%select_n3A, %dma_start3A_986, %dma_start3A_987] : memref<4x1000000x16xf32, #tpu.memory_space<hbm>> -> memref<1x1000000x16xf32, #tpu.memory_space<hbm>>
    %dma_start3A_989 = tpu.memref_squeeze %dma_start3A_988 : memref<1x1000000x16xf32, #tpu.memory_space<hbm>> -> memref<1000000x16xf32, #tpu.memory_space<hbm>>
    %dma_start3A_990 = arith.constant 0 : i32
    %dma_start3A_991 = arith.constant 0 : i32
    %dma_start3A_992 = tpu.memref_slice %dma_start3A_989[%dma_start3A_990, %dma_start3A_991] : memref<1000000x16xf32, #tpu.memory_space<hbm>> -> memref<1000000x16xf32, #tpu.memory_space<hbm>>
    tpu.enqueue_indirect_dma source(%dma_start3A_992 : memref<1000000x16xf32, #tpu.memory_space<hbm>>) target(%arg6 : memref<1664x16xf32, #tpu.memory_space<vmem>>) offsets(%dma_start3A_985 : memref<1664xi32, #tpu.memory_space<vmem>>) semaphore(%arg8 : memref<!tpu.dma_semaphore, #tpu.memory_space<semaphore_mem>>)
    %dma_wait3A_993 = arith.constant 38272 : i32
    %dma_wait3A_994 = tpu.memref_slice %arg5[%dma_wait3A_993] : memref<53248xi32, #tpu.memory_space<vmem>> -> memref<1664xi32, #tpu.memory_space<vmem>>
    %dma_wait3A_995 = arith.constant 0 : i32
    %dma_wait3A_996 = arith.constant 0 : i32
    %dma_wait3A_997 = tpu.memref_slice %arg3[%select_n3A, %dma_wait3A_995, %dma_wait3A_996] : memref<4x1000000x16xf32, #tpu.memory_space<hbm>> -> memref<1x1000000x16xf32, #tpu.memory_space<hbm>>
    %dma_wait3A_998 = tpu.memref_squeeze %dma_wait3A_997 : memref<1x1000000x16xf32, #tpu.memory_space<hbm>> -> memref<1000000x16xf32, #tpu.memory_space<hbm>>
    %dma_wait3A_999 = arith.constant 0 : i32
    %dma_wait3A_1000 = arith.constant 0 : i32
    %dma_wait3A_1001 = tpu.memref_slice %dma_wait3A_998[%dma_wait3A_999, %dma_wait3A_1000] : memref<1000000x16xf32, #tpu.memory_space<hbm>> -> memref<1000000x16xf32, #tpu.memory_space<hbm>>
    tpu.wait_indirect_dma semaphore(%arg9 : memref<!tpu.dma_semaphore, #tpu.memory_space<semaphore_mem>>) src(%dma_wait3A_1001 : memref<1000000x16xf32, #tpu.memory_space<hbm>>) dst(%arg7 : memref<1664x16xf32, #tpu.memory_space<vmem>>)
    %add3A_1002 = arith.constant 1472 : i32
    %add3A_1003 = arith.addi %mul3A_34, %add3A_1002 : i32
    %scan3A_1004 = arith.constant 0 : i32
    %scan3A_1005 = arith.constant 0 : i32
    %scan3A_1006 = arith.constant 64 : i32
    %scan3A_1007 = arith.addi %scan3A_1005, %scan3A_1006 : i32
    %scan3A_1008 = arith.constant 1 : i32
    %scan3A_1009 = scf.for %scan3A_1344 = %scan3A_1005 to %scan3A_1007 step %scan3A_1008 iter_args(%scan3A_1345 = %scan3A_1004) -> (i32)  : i32 {
      %mul3A_1346 = arith.constant 26 : i32
      %mul3A_1347 = arith.muli %scan3A_1344, %mul3A_1346 : i32
      %add3A_1348 = arith.addi %add3A_1003, %scan3A_1344 : i32
      %dma_start3A_1349 = arith.constant 0 : i32
      %dma_start3A_1350 = tpu.memref_slice %arg7[%mul3A_1347, %dma_start3A_1349] : memref<1664x16xf32, #tpu.memory_space<vmem>> -> memref<26x16xf32, #tpu.memory_space<vmem>>
      %dma_start3A_1351 = arith.constant 0 : i32
      %dma_start3A_1352 = arith.constant 0 : i32
      %dma_start3A_1353 = tpu.memref_slice %arg4[%select_n3A, %add3A_1348, %dma_start3A_1351, %dma_start3A_1352] : memref<4x16384x26x16xf32, #tpu.memory_space<hbm>> -> memref<1x1x26x16xf32, #tpu.memory_space<hbm>>
      %dma_start3A_1354 = tpu.memref_squeeze %dma_start3A_1353 : memref<1x1x26x16xf32, #tpu.memory_space<hbm>> -> memref<26x16xf32, #tpu.memory_space<hbm>>
      %dma_start3A_1355 = arith.constant 0 : i32
      %dma_start3A_1356 = arith.constant 0 : i32
      %dma_start3A_1357 = tpu.memref_slice %arg4[%select_n3A, %add3A_1348, %dma_start3A_1355, %dma_start3A_1356] : memref<4x16384x26x16xf32, #tpu.memory_space<hbm>> -> memref<1x1x26x16xf32, #tpu.memory_space<hbm>>
      %dma_start3A_1358 = tpu.memref_squeeze %dma_start3A_1357 : memref<1x1x26x16xf32, #tpu.memory_space<hbm>> -> memref<26x16xf32, #tpu.memory_space<hbm>>
      %dma_start3A_1359 = arith.constant 0 : i32
      %dma_start3A_1360 = tpu.memref_slice %arg7[%mul3A_1347, %dma_start3A_1359] : memref<1664x16xf32, #tpu.memory_space<vmem>> -> memref<26x16xf32, #tpu.memory_space<vmem>>
      tpu.enqueue_dma source(%dma_start3A_1360 : memref<26x16xf32, #tpu.memory_space<vmem>>) target(%dma_start3A_1358 : memref<26x16xf32, #tpu.memory_space<hbm>>) target_semaphore(%arg11 : memref<!tpu.dma_semaphore, #tpu.memory_space<semaphore_mem>>)
      %scan3A_1361 = arith.constant 0 : i32
      scf.yield %scan3A_1361 : i32
    }
    %scan3A_1010 = arith.constant 64 : i32
    %dma_wait3A_1011 = arith.constant 0 : i32
    %dma_wait3A_1012 = arith.constant 0 : i32
    %dma_wait3A_1013 = tpu.memref_slice %arg3[%select_n3A, %dma_wait3A_1011, %dma_wait3A_1012] : memref<4x1000000x16xf32, #tpu.memory_space<hbm>> -> memref<1x1000000x16xf32, #tpu.memory_space<hbm>>
    %dma_wait3A_1014 = tpu.memref_squeeze %dma_wait3A_1013 : memref<1x1000000x16xf32, #tpu.memory_space<hbm>> -> memref<1000000x16xf32, #tpu.memory_space<hbm>>
    %dma_wait3A_1015 = arith.constant 0 : i32
    %dma_wait3A_1016 = arith.constant 0 : i32
    %dma_wait3A_1017 = tpu.memref_slice %dma_wait3A_1014[%dma_wait3A_1015, %dma_wait3A_1016] : memref<1000000x16xf32, #tpu.memory_space<hbm>> -> memref<1664x16xf32, #tpu.memory_space<hbm>>
    %dma_wait3A_1018 = arith.constant 0 : i32
    %dma_wait3A_1019 = arith.constant 0 : i32
    %dma_wait3A_1020 = tpu.memref_slice %arg3[%select_n3A, %dma_wait3A_1018, %dma_wait3A_1019] : memref<4x1000000x16xf32, #tpu.memory_space<hbm>> -> memref<1x1000000x16xf32, #tpu.memory_space<hbm>>
    %dma_wait3A_1021 = tpu.memref_squeeze %dma_wait3A_1020 : memref<1x1000000x16xf32, #tpu.memory_space<hbm>> -> memref<1000000x16xf32, #tpu.memory_space<hbm>>
    %dma_wait3A_1022 = arith.constant 0 : i32
    %dma_wait3A_1023 = arith.constant 0 : i32
    %dma_wait3A_1024 = tpu.memref_slice %dma_wait3A_1021[%dma_wait3A_1022, %dma_wait3A_1023] : memref<1000000x16xf32, #tpu.memory_space<hbm>> -> memref<1664x16xf32, #tpu.memory_space<hbm>>
    tpu.wait_dma2 semaphore(%arg11 : memref<!tpu.dma_semaphore, #tpu.memory_space<semaphore_mem>>) src(%dma_wait3A_1024 : memref<1664x16xf32, #tpu.memory_space<hbm>>) dst(%arg7 : memref<1664x16xf32, #tpu.memory_space<vmem>>)
    %dma_start3A_1025 = arith.constant 41600 : i32
    %dma_start3A_1026 = tpu.memref_slice %arg5[%dma_start3A_1025] : memref<53248xi32, #tpu.memory_space<vmem>> -> memref<1664xi32, #tpu.memory_space<vmem>>
    %dma_start3A_1027 = arith.constant 0 : i32
    %dma_start3A_1028 = arith.constant 0 : i32
    %dma_start3A_1029 = tpu.memref_slice %arg3[%select_n3A, %dma_start3A_1027, %dma_start3A_1028] : memref<4x1000000x16xf32, #tpu.memory_space<hbm>> -> memref<1x1000000x16xf32, #tpu.memory_space<hbm>>
    %dma_start3A_1030 = tpu.memref_squeeze %dma_start3A_1029 : memref<1x1000000x16xf32, #tpu.memory_space<hbm>> -> memref<1000000x16xf32, #tpu.memory_space<hbm>>
    %dma_start3A_1031 = arith.constant 0 : i32
    %dma_start3A_1032 = arith.constant 0 : i32
    %dma_start3A_1033 = tpu.memref_slice %dma_start3A_1030[%dma_start3A_1031, %dma_start3A_1032] : memref<1000000x16xf32, #tpu.memory_space<hbm>> -> memref<1000000x16xf32, #tpu.memory_space<hbm>>
    tpu.enqueue_indirect_dma source(%dma_start3A_1033 : memref<1000000x16xf32, #tpu.memory_space<hbm>>) target(%arg7 : memref<1664x16xf32, #tpu.memory_space<vmem>>) offsets(%dma_start3A_1026 : memref<1664xi32, #tpu.memory_space<vmem>>) semaphore(%arg9 : memref<!tpu.dma_semaphore, #tpu.memory_space<semaphore_mem>>)
    %dma_wait3A_1034 = arith.constant 39936 : i32
    %dma_wait3A_1035 = tpu.memref_slice %arg5[%dma_wait3A_1034] : memref<53248xi32, #tpu.memory_space<vmem>> -> memref<1664xi32, #tpu.memory_space<vmem>>
    %dma_wait3A_1036 = arith.constant 0 : i32
    %dma_wait3A_1037 = arith.constant 0 : i32
    %dma_wait3A_1038 = tpu.memref_slice %arg3[%select_n3A, %dma_wait3A_1036, %dma_wait3A_1037] : memref<4x1000000x16xf32, #tpu.memory_space<hbm>> -> memref<1x1000000x16xf32, #tpu.memory_space<hbm>>
    %dma_wait3A_1039 = tpu.memref_squeeze %dma_wait3A_1038 : memref<1x1000000x16xf32, #tpu.memory_space<hbm>> -> memref<1000000x16xf32, #tpu.memory_space<hbm>>
    %dma_wait3A_1040 = arith.constant 0 : i32
    %dma_wait3A_1041 = arith.constant 0 : i32
    %dma_wait3A_1042 = tpu.memref_slice %dma_wait3A_1039[%dma_wait3A_1040, %dma_wait3A_1041] : memref<1000000x16xf32, #tpu.memory_space<hbm>> -> memref<1000000x16xf32, #tpu.memory_space<hbm>>
    tpu.wait_indirect_dma semaphore(%arg8 : memref<!tpu.dma_semaphore, #tpu.memory_space<semaphore_mem>>) src(%dma_wait3A_1042 : memref<1000000x16xf32, #tpu.memory_space<hbm>>) dst(%arg6 : memref<1664x16xf32, #tpu.memory_space<vmem>>)
    %add3A_1043 = arith.constant 1536 : i32
    %add3A_1044 = arith.addi %mul3A_34, %add3A_1043 : i32
    %scan3A_1045 = arith.constant 0 : i32
    %scan3A_1046 = arith.constant 0 : i32
    %scan3A_1047 = arith.constant 64 : i32
    %scan3A_1048 = arith.addi %scan3A_1046, %scan3A_1047 : i32
    %scan3A_1049 = arith.constant 1 : i32
    %scan3A_1050 = scf.for %scan3A_1344 = %scan3A_1046 to %scan3A_1048 step %scan3A_1049 iter_args(%scan3A_1345 = %scan3A_1045) -> (i32)  : i32 {
      %mul3A_1346 = arith.constant 26 : i32
      %mul3A_1347 = arith.muli %scan3A_1344, %mul3A_1346 : i32
      %add3A_1348 = arith.addi %add3A_1044, %scan3A_1344 : i32
      %dma_start3A_1349 = arith.constant 0 : i32
      %dma_start3A_1350 = tpu.memref_slice %arg6[%mul3A_1347, %dma_start3A_1349] : memref<1664x16xf32, #tpu.memory_space<vmem>> -> memref<26x16xf32, #tpu.memory_space<vmem>>
      %dma_start3A_1351 = arith.constant 0 : i32
      %dma_start3A_1352 = arith.constant 0 : i32
      %dma_start3A_1353 = tpu.memref_slice %arg4[%select_n3A, %add3A_1348, %dma_start3A_1351, %dma_start3A_1352] : memref<4x16384x26x16xf32, #tpu.memory_space<hbm>> -> memref<1x1x26x16xf32, #tpu.memory_space<hbm>>
      %dma_start3A_1354 = tpu.memref_squeeze %dma_start3A_1353 : memref<1x1x26x16xf32, #tpu.memory_space<hbm>> -> memref<26x16xf32, #tpu.memory_space<hbm>>
      %dma_start3A_1355 = arith.constant 0 : i32
      %dma_start3A_1356 = arith.constant 0 : i32
      %dma_start3A_1357 = tpu.memref_slice %arg4[%select_n3A, %add3A_1348, %dma_start3A_1355, %dma_start3A_1356] : memref<4x16384x26x16xf32, #tpu.memory_space<hbm>> -> memref<1x1x26x16xf32, #tpu.memory_space<hbm>>
      %dma_start3A_1358 = tpu.memref_squeeze %dma_start3A_1357 : memref<1x1x26x16xf32, #tpu.memory_space<hbm>> -> memref<26x16xf32, #tpu.memory_space<hbm>>
      %dma_start3A_1359 = arith.constant 0 : i32
      %dma_start3A_1360 = tpu.memref_slice %arg6[%mul3A_1347, %dma_start3A_1359] : memref<1664x16xf32, #tpu.memory_space<vmem>> -> memref<26x16xf32, #tpu.memory_space<vmem>>
      tpu.enqueue_dma source(%dma_start3A_1360 : memref<26x16xf32, #tpu.memory_space<vmem>>) target(%dma_start3A_1358 : memref<26x16xf32, #tpu.memory_space<hbm>>) target_semaphore(%arg10 : memref<!tpu.dma_semaphore, #tpu.memory_space<semaphore_mem>>)
      %scan3A_1361 = arith.constant 0 : i32
      scf.yield %scan3A_1361 : i32
    }
    %scan3A_1051 = arith.constant 64 : i32
    %dma_wait3A_1052 = arith.constant 0 : i32
    %dma_wait3A_1053 = arith.constant 0 : i32
    %dma_wait3A_1054 = tpu.memref_slice %arg3[%select_n3A, %dma_wait3A_1052, %dma_wait3A_1053] : memref<4x1000000x16xf32, #tpu.memory_space<hbm>> -> memref<1x1000000x16xf32, #tpu.memory_space<hbm>>
    %dma_wait3A_1055 = tpu.memref_squeeze %dma_wait3A_1054 : memref<1x1000000x16xf32, #tpu.memory_space<hbm>> -> memref<1000000x16xf32, #tpu.memory_space<hbm>>
    %dma_wait3A_1056 = arith.constant 0 : i32
    %dma_wait3A_1057 = arith.constant 0 : i32
    %dma_wait3A_1058 = tpu.memref_slice %dma_wait3A_1055[%dma_wait3A_1056, %dma_wait3A_1057] : memref<1000000x16xf32, #tpu.memory_space<hbm>> -> memref<1664x16xf32, #tpu.memory_space<hbm>>
    %dma_wait3A_1059 = arith.constant 0 : i32
    %dma_wait3A_1060 = arith.constant 0 : i32
    %dma_wait3A_1061 = tpu.memref_slice %arg3[%select_n3A, %dma_wait3A_1059, %dma_wait3A_1060] : memref<4x1000000x16xf32, #tpu.memory_space<hbm>> -> memref<1x1000000x16xf32, #tpu.memory_space<hbm>>
    %dma_wait3A_1062 = tpu.memref_squeeze %dma_wait3A_1061 : memref<1x1000000x16xf32, #tpu.memory_space<hbm>> -> memref<1000000x16xf32, #tpu.memory_space<hbm>>
    %dma_wait3A_1063 = arith.constant 0 : i32
    %dma_wait3A_1064 = arith.constant 0 : i32
    %dma_wait3A_1065 = tpu.memref_slice %dma_wait3A_1062[%dma_wait3A_1063, %dma_wait3A_1064] : memref<1000000x16xf32, #tpu.memory_space<hbm>> -> memref<1664x16xf32, #tpu.memory_space<hbm>>
    tpu.wait_dma2 semaphore(%arg10 : memref<!tpu.dma_semaphore, #tpu.memory_space<semaphore_mem>>) src(%dma_wait3A_1065 : memref<1664x16xf32, #tpu.memory_space<hbm>>) dst(%arg6 : memref<1664x16xf32, #tpu.memory_space<vmem>>)
    %dma_start3A_1066 = arith.constant 43264 : i32
    %dma_start3A_1067 = tpu.memref_slice %arg5[%dma_start3A_1066] : memref<53248xi32, #tpu.memory_space<vmem>> -> memref<1664xi32, #tpu.memory_space<vmem>>
    %dma_start3A_1068 = arith.constant 0 : i32
    %dma_start3A_1069 = arith.constant 0 : i32
    %dma_start3A_1070 = tpu.memref_slice %arg3[%select_n3A, %dma_start3A_1068, %dma_start3A_1069] : memref<4x1000000x16xf32, #tpu.memory_space<hbm>> -> memref<1x1000000x16xf32, #tpu.memory_space<hbm>>
    %dma_start3A_1071 = tpu.memref_squeeze %dma_start3A_1070 : memref<1x1000000x16xf32, #tpu.memory_space<hbm>> -> memref<1000000x16xf32, #tpu.memory_space<hbm>>
    %dma_start3A_1072 = arith.constant 0 : i32
    %dma_start3A_1073 = arith.constant 0 : i32
    %dma_start3A_1074 = tpu.memref_slice %dma_start3A_1071[%dma_start3A_1072, %dma_start3A_1073] : memref<1000000x16xf32, #tpu.memory_space<hbm>> -> memref<1000000x16xf32, #tpu.memory_space<hbm>>
    tpu.enqueue_indirect_dma source(%dma_start3A_1074 : memref<1000000x16xf32, #tpu.memory_space<hbm>>) target(%arg6 : memref<1664x16xf32, #tpu.memory_space<vmem>>) offsets(%dma_start3A_1067 : memref<1664xi32, #tpu.memory_space<vmem>>) semaphore(%arg8 : memref<!tpu.dma_semaphore, #tpu.memory_space<semaphore_mem>>)
    %dma_wait3A_1075 = arith.constant 41600 : i32
    %dma_wait3A_1076 = tpu.memref_slice %arg5[%dma_wait3A_1075] : memref<53248xi32, #tpu.memory_space<vmem>> -> memref<1664xi32, #tpu.memory_space<vmem>>
    %dma_wait3A_1077 = arith.constant 0 : i32
    %dma_wait3A_1078 = arith.constant 0 : i32
    %dma_wait3A_1079 = tpu.memref_slice %arg3[%select_n3A, %dma_wait3A_1077, %dma_wait3A_1078] : memref<4x1000000x16xf32, #tpu.memory_space<hbm>> -> memref<1x1000000x16xf32, #tpu.memory_space<hbm>>
    %dma_wait3A_1080 = tpu.memref_squeeze %dma_wait3A_1079 : memref<1x1000000x16xf32, #tpu.memory_space<hbm>> -> memref<1000000x16xf32, #tpu.memory_space<hbm>>
    %dma_wait3A_1081 = arith.constant 0 : i32
    %dma_wait3A_1082 = arith.constant 0 : i32
    %dma_wait3A_1083 = tpu.memref_slice %dma_wait3A_1080[%dma_wait3A_1081, %dma_wait3A_1082] : memref<1000000x16xf32, #tpu.memory_space<hbm>> -> memref<1000000x16xf32, #tpu.memory_space<hbm>>
    tpu.wait_indirect_dma semaphore(%arg9 : memref<!tpu.dma_semaphore, #tpu.memory_space<semaphore_mem>>) src(%dma_wait3A_1083 : memref<1000000x16xf32, #tpu.memory_space<hbm>>) dst(%arg7 : memref<1664x16xf32, #tpu.memory_space<vmem>>)
    %add3A_1084 = arith.constant 1600 : i32
    %add3A_1085 = arith.addi %mul3A_34, %add3A_1084 : i32
    %scan3A_1086 = arith.constant 0 : i32
    %scan3A_1087 = arith.constant 0 : i32
    %scan3A_1088 = arith.constant 64 : i32
    %scan3A_1089 = arith.addi %scan3A_1087, %scan3A_1088 : i32
    %scan3A_1090 = arith.constant 1 : i32
    %scan3A_1091 = scf.for %scan3A_1344 = %scan3A_1087 to %scan3A_1089 step %scan3A_1090 iter_args(%scan3A_1345 = %scan3A_1086) -> (i32)  : i32 {
      %mul3A_1346 = arith.constant 26 : i32
      %mul3A_1347 = arith.muli %scan3A_1344, %mul3A_1346 : i32
      %add3A_1348 = arith.addi %add3A_1085, %scan3A_1344 : i32
      %dma_start3A_1349 = arith.constant 0 : i32
      %dma_start3A_1350 = tpu.memref_slice %arg7[%mul3A_1347, %dma_start3A_1349] : memref<1664x16xf32, #tpu.memory_space<vmem>> -> memref<26x16xf32, #tpu.memory_space<vmem>>
      %dma_start3A_1351 = arith.constant 0 : i32
      %dma_start3A_1352 = arith.constant 0 : i32
      %dma_start3A_1353 = tpu.memref_slice %arg4[%select_n3A, %add3A_1348, %dma_start3A_1351, %dma_start3A_1352] : memref<4x16384x26x16xf32, #tpu.memory_space<hbm>> -> memref<1x1x26x16xf32, #tpu.memory_space<hbm>>
      %dma_start3A_1354 = tpu.memref_squeeze %dma_start3A_1353 : memref<1x1x26x16xf32, #tpu.memory_space<hbm>> -> memref<26x16xf32, #tpu.memory_space<hbm>>
      %dma_start3A_1355 = arith.constant 0 : i32
      %dma_start3A_1356 = arith.constant 0 : i32
      %dma_start3A_1357 = tpu.memref_slice %arg4[%select_n3A, %add3A_1348, %dma_start3A_1355, %dma_start3A_1356] : memref<4x16384x26x16xf32, #tpu.memory_space<hbm>> -> memref<1x1x26x16xf32, #tpu.memory_space<hbm>>
      %dma_start3A_1358 = tpu.memref_squeeze %dma_start3A_1357 : memref<1x1x26x16xf32, #tpu.memory_space<hbm>> -> memref<26x16xf32, #tpu.memory_space<hbm>>
      %dma_start3A_1359 = arith.constant 0 : i32
      %dma_start3A_1360 = tpu.memref_slice %arg7[%mul3A_1347, %dma_start3A_1359] : memref<1664x16xf32, #tpu.memory_space<vmem>> -> memref<26x16xf32, #tpu.memory_space<vmem>>
      tpu.enqueue_dma source(%dma_start3A_1360 : memref<26x16xf32, #tpu.memory_space<vmem>>) target(%dma_start3A_1358 : memref<26x16xf32, #tpu.memory_space<hbm>>) target_semaphore(%arg11 : memref<!tpu.dma_semaphore, #tpu.memory_space<semaphore_mem>>)
      %scan3A_1361 = arith.constant 0 : i32
      scf.yield %scan3A_1361 : i32
    }
    %scan3A_1092 = arith.constant 64 : i32
    %dma_wait3A_1093 = arith.constant 0 : i32
    %dma_wait3A_1094 = arith.constant 0 : i32
    %dma_wait3A_1095 = tpu.memref_slice %arg3[%select_n3A, %dma_wait3A_1093, %dma_wait3A_1094] : memref<4x1000000x16xf32, #tpu.memory_space<hbm>> -> memref<1x1000000x16xf32, #tpu.memory_space<hbm>>
    %dma_wait3A_1096 = tpu.memref_squeeze %dma_wait3A_1095 : memref<1x1000000x16xf32, #tpu.memory_space<hbm>> -> memref<1000000x16xf32, #tpu.memory_space<hbm>>
    %dma_wait3A_1097 = arith.constant 0 : i32
    %dma_wait3A_1098 = arith.constant 0 : i32
    %dma_wait3A_1099 = tpu.memref_slice %dma_wait3A_1096[%dma_wait3A_1097, %dma_wait3A_1098] : memref<1000000x16xf32, #tpu.memory_space<hbm>> -> memref<1664x16xf32, #tpu.memory_space<hbm>>
    %dma_wait3A_1100 = arith.constant 0 : i32
    %dma_wait3A_1101 = arith.constant 0 : i32
    %dma_wait3A_1102 = tpu.memref_slice %arg3[%select_n3A, %dma_wait3A_1100, %dma_wait3A_1101] : memref<4x1000000x16xf32, #tpu.memory_space<hbm>> -> memref<1x1000000x16xf32, #tpu.memory_space<hbm>>
    %dma_wait3A_1103 = tpu.memref_squeeze %dma_wait3A_1102 : memref<1x1000000x16xf32, #tpu.memory_space<hbm>> -> memref<1000000x16xf32, #tpu.memory_space<hbm>>
    %dma_wait3A_1104 = arith.constant 0 : i32
    %dma_wait3A_1105 = arith.constant 0 : i32
    %dma_wait3A_1106 = tpu.memref_slice %dma_wait3A_1103[%dma_wait3A_1104, %dma_wait3A_1105] : memref<1000000x16xf32, #tpu.memory_space<hbm>> -> memref<1664x16xf32, #tpu.memory_space<hbm>>
    tpu.wait_dma2 semaphore(%arg11 : memref<!tpu.dma_semaphore, #tpu.memory_space<semaphore_mem>>) src(%dma_wait3A_1106 : memref<1664x16xf32, #tpu.memory_space<hbm>>) dst(%arg7 : memref<1664x16xf32, #tpu.memory_space<vmem>>)
    %dma_start3A_1107 = arith.constant 44928 : i32
    %dma_start3A_1108 = tpu.memref_slice %arg5[%dma_start3A_1107] : memref<53248xi32, #tpu.memory_space<vmem>> -> memref<1664xi32, #tpu.memory_space<vmem>>
    %dma_start3A_1109 = arith.constant 0 : i32
    %dma_start3A_1110 = arith.constant 0 : i32
    %dma_start3A_1111 = tpu.memref_slice %arg3[%select_n3A, %dma_start3A_1109, %dma_start3A_1110] : memref<4x1000000x16xf32, #tpu.memory_space<hbm>> -> memref<1x1000000x16xf32, #tpu.memory_space<hbm>>
    %dma_start3A_1112 = tpu.memref_squeeze %dma_start3A_1111 : memref<1x1000000x16xf32, #tpu.memory_space<hbm>> -> memref<1000000x16xf32, #tpu.memory_space<hbm>>
    %dma_start3A_1113 = arith.constant 0 : i32
    %dma_start3A_1114 = arith.constant 0 : i32
    %dma_start3A_1115 = tpu.memref_slice %dma_start3A_1112[%dma_start3A_1113, %dma_start3A_1114] : memref<1000000x16xf32, #tpu.memory_space<hbm>> -> memref<1000000x16xf32, #tpu.memory_space<hbm>>
    tpu.enqueue_indirect_dma source(%dma_start3A_1115 : memref<1000000x16xf32, #tpu.memory_space<hbm>>) target(%arg7 : memref<1664x16xf32, #tpu.memory_space<vmem>>) offsets(%dma_start3A_1108 : memref<1664xi32, #tpu.memory_space<vmem>>) semaphore(%arg9 : memref<!tpu.dma_semaphore, #tpu.memory_space<semaphore_mem>>)
    %dma_wait3A_1116 = arith.constant 43264 : i32
    %dma_wait3A_1117 = tpu.memref_slice %arg5[%dma_wait3A_1116] : memref<53248xi32, #tpu.memory_space<vmem>> -> memref<1664xi32, #tpu.memory_space<vmem>>
    %dma_wait3A_1118 = arith.constant 0 : i32
    %dma_wait3A_1119 = arith.constant 0 : i32
    %dma_wait3A_1120 = tpu.memref_slice %arg3[%select_n3A, %dma_wait3A_1118, %dma_wait3A_1119] : memref<4x1000000x16xf32, #tpu.memory_space<hbm>> -> memref<1x1000000x16xf32, #tpu.memory_space<hbm>>
    %dma_wait3A_1121 = tpu.memref_squeeze %dma_wait3A_1120 : memref<1x1000000x16xf32, #tpu.memory_space<hbm>> -> memref<1000000x16xf32, #tpu.memory_space<hbm>>
    %dma_wait3A_1122 = arith.constant 0 : i32
    %dma_wait3A_1123 = arith.constant 0 : i32
    %dma_wait3A_1124 = tpu.memref_slice %dma_wait3A_1121[%dma_wait3A_1122, %dma_wait3A_1123] : memref<1000000x16xf32, #tpu.memory_space<hbm>> -> memref<1000000x16xf32, #tpu.memory_space<hbm>>
    tpu.wait_indirect_dma semaphore(%arg8 : memref<!tpu.dma_semaphore, #tpu.memory_space<semaphore_mem>>) src(%dma_wait3A_1124 : memref<1000000x16xf32, #tpu.memory_space<hbm>>) dst(%arg6 : memref<1664x16xf32, #tpu.memory_space<vmem>>)
    %add3A_1125 = arith.constant 1664 : i32
    %add3A_1126 = arith.addi %mul3A_34, %add3A_1125 : i32
    %scan3A_1127 = arith.constant 0 : i32
    %scan3A_1128 = arith.constant 0 : i32
    %scan3A_1129 = arith.constant 64 : i32
    %scan3A_1130 = arith.addi %scan3A_1128, %scan3A_1129 : i32
    %scan3A_1131 = arith.constant 1 : i32
    %scan3A_1132 = scf.for %scan3A_1344 = %scan3A_1128 to %scan3A_1130 step %scan3A_1131 iter_args(%scan3A_1345 = %scan3A_1127) -> (i32)  : i32 {
      %mul3A_1346 = arith.constant 26 : i32
      %mul3A_1347 = arith.muli %scan3A_1344, %mul3A_1346 : i32
      %add3A_1348 = arith.addi %add3A_1126, %scan3A_1344 : i32
      %dma_start3A_1349 = arith.constant 0 : i32
      %dma_start3A_1350 = tpu.memref_slice %arg6[%mul3A_1347, %dma_start3A_1349] : memref<1664x16xf32, #tpu.memory_space<vmem>> -> memref<26x16xf32, #tpu.memory_space<vmem>>
      %dma_start3A_1351 = arith.constant 0 : i32
      %dma_start3A_1352 = arith.constant 0 : i32
      %dma_start3A_1353 = tpu.memref_slice %arg4[%select_n3A, %add3A_1348, %dma_start3A_1351, %dma_start3A_1352] : memref<4x16384x26x16xf32, #tpu.memory_space<hbm>> -> memref<1x1x26x16xf32, #tpu.memory_space<hbm>>
      %dma_start3A_1354 = tpu.memref_squeeze %dma_start3A_1353 : memref<1x1x26x16xf32, #tpu.memory_space<hbm>> -> memref<26x16xf32, #tpu.memory_space<hbm>>
      %dma_start3A_1355 = arith.constant 0 : i32
      %dma_start3A_1356 = arith.constant 0 : i32
      %dma_start3A_1357 = tpu.memref_slice %arg4[%select_n3A, %add3A_1348, %dma_start3A_1355, %dma_start3A_1356] : memref<4x16384x26x16xf32, #tpu.memory_space<hbm>> -> memref<1x1x26x16xf32, #tpu.memory_space<hbm>>
      %dma_start3A_1358 = tpu.memref_squeeze %dma_start3A_1357 : memref<1x1x26x16xf32, #tpu.memory_space<hbm>> -> memref<26x16xf32, #tpu.memory_space<hbm>>
      %dma_start3A_1359 = arith.constant 0 : i32
      %dma_start3A_1360 = tpu.memref_slice %arg6[%mul3A_1347, %dma_start3A_1359] : memref<1664x16xf32, #tpu.memory_space<vmem>> -> memref<26x16xf32, #tpu.memory_space<vmem>>
      tpu.enqueue_dma source(%dma_start3A_1360 : memref<26x16xf32, #tpu.memory_space<vmem>>) target(%dma_start3A_1358 : memref<26x16xf32, #tpu.memory_space<hbm>>) target_semaphore(%arg10 : memref<!tpu.dma_semaphore, #tpu.memory_space<semaphore_mem>>)
      %scan3A_1361 = arith.constant 0 : i32
      scf.yield %scan3A_1361 : i32
    }
    %scan3A_1133 = arith.constant 64 : i32
    %dma_wait3A_1134 = arith.constant 0 : i32
    %dma_wait3A_1135 = arith.constant 0 : i32
    %dma_wait3A_1136 = tpu.memref_slice %arg3[%select_n3A, %dma_wait3A_1134, %dma_wait3A_1135] : memref<4x1000000x16xf32, #tpu.memory_space<hbm>> -> memref<1x1000000x16xf32, #tpu.memory_space<hbm>>
    %dma_wait3A_1137 = tpu.memref_squeeze %dma_wait3A_1136 : memref<1x1000000x16xf32, #tpu.memory_space<hbm>> -> memref<1000000x16xf32, #tpu.memory_space<hbm>>
    %dma_wait3A_1138 = arith.constant 0 : i32
    %dma_wait3A_1139 = arith.constant 0 : i32
    %dma_wait3A_1140 = tpu.memref_slice %dma_wait3A_1137[%dma_wait3A_1138, %dma_wait3A_1139] : memref<1000000x16xf32, #tpu.memory_space<hbm>> -> memref<1664x16xf32, #tpu.memory_space<hbm>>
    %dma_wait3A_1141 = arith.constant 0 : i32
    %dma_wait3A_1142 = arith.constant 0 : i32
    %dma_wait3A_1143 = tpu.memref_slice %arg3[%select_n3A, %dma_wait3A_1141, %dma_wait3A_1142] : memref<4x1000000x16xf32, #tpu.memory_space<hbm>> -> memref<1x1000000x16xf32, #tpu.memory_space<hbm>>
    %dma_wait3A_1144 = tpu.memref_squeeze %dma_wait3A_1143 : memref<1x1000000x16xf32, #tpu.memory_space<hbm>> -> memref<1000000x16xf32, #tpu.memory_space<hbm>>
    %dma_wait3A_1145 = arith.constant 0 : i32
    %dma_wait3A_1146 = arith.constant 0 : i32
    %dma_wait3A_1147 = tpu.memref_slice %dma_wait3A_1144[%dma_wait3A_1145, %dma_wait3A_1146] : memref<1000000x16xf32, #tpu.memory_space<hbm>> -> memref<1664x16xf32, #tpu.memory_space<hbm>>
    tpu.wait_dma2 semaphore(%arg10 : memref<!tpu.dma_semaphore, #tpu.memory_space<semaphore_mem>>) src(%dma_wait3A_1147 : memref<1664x16xf32, #tpu.memory_space<hbm>>) dst(%arg6 : memref<1664x16xf32, #tpu.memory_space<vmem>>)
    %dma_start3A_1148 = arith.constant 46592 : i32
    %dma_start3A_1149 = tpu.memref_slice %arg5[%dma_start3A_1148] : memref<53248xi32, #tpu.memory_space<vmem>> -> memref<1664xi32, #tpu.memory_space<vmem>>
    %dma_start3A_1150 = arith.constant 0 : i32
    %dma_start3A_1151 = arith.constant 0 : i32
    %dma_start3A_1152 = tpu.memref_slice %arg3[%select_n3A, %dma_start3A_1150, %dma_start3A_1151] : memref<4x1000000x16xf32, #tpu.memory_space<hbm>> -> memref<1x1000000x16xf32, #tpu.memory_space<hbm>>
    %dma_start3A_1153 = tpu.memref_squeeze %dma_start3A_1152 : memref<1x1000000x16xf32, #tpu.memory_space<hbm>> -> memref<1000000x16xf32, #tpu.memory_space<hbm>>
    %dma_start3A_1154 = arith.constant 0 : i32
    %dma_start3A_1155 = arith.constant 0 : i32
    %dma_start3A_1156 = tpu.memref_slice %dma_start3A_1153[%dma_start3A_1154, %dma_start3A_1155] : memref<1000000x16xf32, #tpu.memory_space<hbm>> -> memref<1000000x16xf32, #tpu.memory_space<hbm>>
    tpu.enqueue_indirect_dma source(%dma_start3A_1156 : memref<1000000x16xf32, #tpu.memory_space<hbm>>) target(%arg6 : memref<1664x16xf32, #tpu.memory_space<vmem>>) offsets(%dma_start3A_1149 : memref<1664xi32, #tpu.memory_space<vmem>>) semaphore(%arg8 : memref<!tpu.dma_semaphore, #tpu.memory_space<semaphore_mem>>)
    %dma_wait3A_1157 = arith.constant 44928 : i32
    %dma_wait3A_1158 = tpu.memref_slice %arg5[%dma_wait3A_1157] : memref<53248xi32, #tpu.memory_space<vmem>> -> memref<1664xi32, #tpu.memory_space<vmem>>
    %dma_wait3A_1159 = arith.constant 0 : i32
    %dma_wait3A_1160 = arith.constant 0 : i32
    %dma_wait3A_1161 = tpu.memref_slice %arg3[%select_n3A, %dma_wait3A_1159, %dma_wait3A_1160] : memref<4x1000000x16xf32, #tpu.memory_space<hbm>> -> memref<1x1000000x16xf32, #tpu.memory_space<hbm>>
    %dma_wait3A_1162 = tpu.memref_squeeze %dma_wait3A_1161 : memref<1x1000000x16xf32, #tpu.memory_space<hbm>> -> memref<1000000x16xf32, #tpu.memory_space<hbm>>
    %dma_wait3A_1163 = arith.constant 0 : i32
    %dma_wait3A_1164 = arith.constant 0 : i32
    %dma_wait3A_1165 = tpu.memref_slice %dma_wait3A_1162[%dma_wait3A_1163, %dma_wait3A_1164] : memref<1000000x16xf32, #tpu.memory_space<hbm>> -> memref<1000000x16xf32, #tpu.memory_space<hbm>>
    tpu.wait_indirect_dma semaphore(%arg9 : memref<!tpu.dma_semaphore, #tpu.memory_space<semaphore_mem>>) src(%dma_wait3A_1165 : memref<1000000x16xf32, #tpu.memory_space<hbm>>) dst(%arg7 : memref<1664x16xf32, #tpu.memory_space<vmem>>)
    %add3A_1166 = arith.constant 1728 : i32
    %add3A_1167 = arith.addi %mul3A_34, %add3A_1166 : i32
    %scan3A_1168 = arith.constant 0 : i32
    %scan3A_1169 = arith.constant 0 : i32
    %scan3A_1170 = arith.constant 64 : i32
    %scan3A_1171 = arith.addi %scan3A_1169, %scan3A_1170 : i32
    %scan3A_1172 = arith.constant 1 : i32
    %scan3A_1173 = scf.for %scan3A_1344 = %scan3A_1169 to %scan3A_1171 step %scan3A_1172 iter_args(%scan3A_1345 = %scan3A_1168) -> (i32)  : i32 {
      %mul3A_1346 = arith.constant 26 : i32
      %mul3A_1347 = arith.muli %scan3A_1344, %mul3A_1346 : i32
      %add3A_1348 = arith.addi %add3A_1167, %scan3A_1344 : i32
      %dma_start3A_1349 = arith.constant 0 : i32
      %dma_start3A_1350 = tpu.memref_slice %arg7[%mul3A_1347, %dma_start3A_1349] : memref<1664x16xf32, #tpu.memory_space<vmem>> -> memref<26x16xf32, #tpu.memory_space<vmem>>
      %dma_start3A_1351 = arith.constant 0 : i32
      %dma_start3A_1352 = arith.constant 0 : i32
      %dma_start3A_1353 = tpu.memref_slice %arg4[%select_n3A, %add3A_1348, %dma_start3A_1351, %dma_start3A_1352] : memref<4x16384x26x16xf32, #tpu.memory_space<hbm>> -> memref<1x1x26x16xf32, #tpu.memory_space<hbm>>
      %dma_start3A_1354 = tpu.memref_squeeze %dma_start3A_1353 : memref<1x1x26x16xf32, #tpu.memory_space<hbm>> -> memref<26x16xf32, #tpu.memory_space<hbm>>
      %dma_start3A_1355 = arith.constant 0 : i32
      %dma_start3A_1356 = arith.constant 0 : i32
      %dma_start3A_1357 = tpu.memref_slice %arg4[%select_n3A, %add3A_1348, %dma_start3A_1355, %dma_start3A_1356] : memref<4x16384x26x16xf32, #tpu.memory_space<hbm>> -> memref<1x1x26x16xf32, #tpu.memory_space<hbm>>
      %dma_start3A_1358 = tpu.memref_squeeze %dma_start3A_1357 : memref<1x1x26x16xf32, #tpu.memory_space<hbm>> -> memref<26x16xf32, #tpu.memory_space<hbm>>
      %dma_start3A_1359 = arith.constant 0 : i32
      %dma_start3A_1360 = tpu.memref_slice %arg7[%mul3A_1347, %dma_start3A_1359] : memref<1664x16xf32, #tpu.memory_space<vmem>> -> memref<26x16xf32, #tpu.memory_space<vmem>>
      tpu.enqueue_dma source(%dma_start3A_1360 : memref<26x16xf32, #tpu.memory_space<vmem>>) target(%dma_start3A_1358 : memref<26x16xf32, #tpu.memory_space<hbm>>) target_semaphore(%arg11 : memref<!tpu.dma_semaphore, #tpu.memory_space<semaphore_mem>>)
      %scan3A_1361 = arith.constant 0 : i32
      scf.yield %scan3A_1361 : i32
    }
    %scan3A_1174 = arith.constant 64 : i32
    %dma_wait3A_1175 = arith.constant 0 : i32
    %dma_wait3A_1176 = arith.constant 0 : i32
    %dma_wait3A_1177 = tpu.memref_slice %arg3[%select_n3A, %dma_wait3A_1175, %dma_wait3A_1176] : memref<4x1000000x16xf32, #tpu.memory_space<hbm>> -> memref<1x1000000x16xf32, #tpu.memory_space<hbm>>
    %dma_wait3A_1178 = tpu.memref_squeeze %dma_wait3A_1177 : memref<1x1000000x16xf32, #tpu.memory_space<hbm>> -> memref<1000000x16xf32, #tpu.memory_space<hbm>>
    %dma_wait3A_1179 = arith.constant 0 : i32
    %dma_wait3A_1180 = arith.constant 0 : i32
    %dma_wait3A_1181 = tpu.memref_slice %dma_wait3A_1178[%dma_wait3A_1179, %dma_wait3A_1180] : memref<1000000x16xf32, #tpu.memory_space<hbm>> -> memref<1664x16xf32, #tpu.memory_space<hbm>>
    %dma_wait3A_1182 = arith.constant 0 : i32
    %dma_wait3A_1183 = arith.constant 0 : i32
    %dma_wait3A_1184 = tpu.memref_slice %arg3[%select_n3A, %dma_wait3A_1182, %dma_wait3A_1183] : memref<4x1000000x16xf32, #tpu.memory_space<hbm>> -> memref<1x1000000x16xf32, #tpu.memory_space<hbm>>
    %dma_wait3A_1185 = tpu.memref_squeeze %dma_wait3A_1184 : memref<1x1000000x16xf32, #tpu.memory_space<hbm>> -> memref<1000000x16xf32, #tpu.memory_space<hbm>>
    %dma_wait3A_1186 = arith.constant 0 : i32
    %dma_wait3A_1187 = arith.constant 0 : i32
    %dma_wait3A_1188 = tpu.memref_slice %dma_wait3A_1185[%dma_wait3A_1186, %dma_wait3A_1187] : memref<1000000x16xf32, #tpu.memory_space<hbm>> -> memref<1664x16xf32, #tpu.memory_space<hbm>>
    tpu.wait_dma2 semaphore(%arg11 : memref<!tpu.dma_semaphore, #tpu.memory_space<semaphore_mem>>) src(%dma_wait3A_1188 : memref<1664x16xf32, #tpu.memory_space<hbm>>) dst(%arg7 : memref<1664x16xf32, #tpu.memory_space<vmem>>)
    %dma_start3A_1189 = arith.constant 48256 : i32
    %dma_start3A_1190 = tpu.memref_slice %arg5[%dma_start3A_1189] : memref<53248xi32, #tpu.memory_space<vmem>> -> memref<1664xi32, #tpu.memory_space<vmem>>
    %dma_start3A_1191 = arith.constant 0 : i32
    %dma_start3A_1192 = arith.constant 0 : i32
    %dma_start3A_1193 = tpu.memref_slice %arg3[%select_n3A, %dma_start3A_1191, %dma_start3A_1192] : memref<4x1000000x16xf32, #tpu.memory_space<hbm>> -> memref<1x1000000x16xf32, #tpu.memory_space<hbm>>
    %dma_start3A_1194 = tpu.memref_squeeze %dma_start3A_1193 : memref<1x1000000x16xf32, #tpu.memory_space<hbm>> -> memref<1000000x16xf32, #tpu.memory_space<hbm>>
    %dma_start3A_1195 = arith.constant 0 : i32
    %dma_start3A_1196 = arith.constant 0 : i32
    %dma_start3A_1197 = tpu.memref_slice %dma_start3A_1194[%dma_start3A_1195, %dma_start3A_1196] : memref<1000000x16xf32, #tpu.memory_space<hbm>> -> memref<1000000x16xf32, #tpu.memory_space<hbm>>
    tpu.enqueue_indirect_dma source(%dma_start3A_1197 : memref<1000000x16xf32, #tpu.memory_space<hbm>>) target(%arg7 : memref<1664x16xf32, #tpu.memory_space<vmem>>) offsets(%dma_start3A_1190 : memref<1664xi32, #tpu.memory_space<vmem>>) semaphore(%arg9 : memref<!tpu.dma_semaphore, #tpu.memory_space<semaphore_mem>>)
    %dma_wait3A_1198 = arith.constant 46592 : i32
    %dma_wait3A_1199 = tpu.memref_slice %arg5[%dma_wait3A_1198] : memref<53248xi32, #tpu.memory_space<vmem>> -> memref<1664xi32, #tpu.memory_space<vmem>>
    %dma_wait3A_1200 = arith.constant 0 : i32
    %dma_wait3A_1201 = arith.constant 0 : i32
    %dma_wait3A_1202 = tpu.memref_slice %arg3[%select_n3A, %dma_wait3A_1200, %dma_wait3A_1201] : memref<4x1000000x16xf32, #tpu.memory_space<hbm>> -> memref<1x1000000x16xf32, #tpu.memory_space<hbm>>
    %dma_wait3A_1203 = tpu.memref_squeeze %dma_wait3A_1202 : memref<1x1000000x16xf32, #tpu.memory_space<hbm>> -> memref<1000000x16xf32, #tpu.memory_space<hbm>>
    %dma_wait3A_1204 = arith.constant 0 : i32
    %dma_wait3A_1205 = arith.constant 0 : i32
    %dma_wait3A_1206 = tpu.memref_slice %dma_wait3A_1203[%dma_wait3A_1204, %dma_wait3A_1205] : memref<1000000x16xf32, #tpu.memory_space<hbm>> -> memref<1000000x16xf32, #tpu.memory_space<hbm>>
    tpu.wait_indirect_dma semaphore(%arg8 : memref<!tpu.dma_semaphore, #tpu.memory_space<semaphore_mem>>) src(%dma_wait3A_1206 : memref<1000000x16xf32, #tpu.memory_space<hbm>>) dst(%arg6 : memref<1664x16xf32, #tpu.memory_space<vmem>>)
    %add3A_1207 = arith.constant 1792 : i32
    %add3A_1208 = arith.addi %mul3A_34, %add3A_1207 : i32
    %scan3A_1209 = arith.constant 0 : i32
    %scan3A_1210 = arith.constant 0 : i32
    %scan3A_1211 = arith.constant 64 : i32
    %scan3A_1212 = arith.addi %scan3A_1210, %scan3A_1211 : i32
    %scan3A_1213 = arith.constant 1 : i32
    %scan3A_1214 = scf.for %scan3A_1344 = %scan3A_1210 to %scan3A_1212 step %scan3A_1213 iter_args(%scan3A_1345 = %scan3A_1209) -> (i32)  : i32 {
      %mul3A_1346 = arith.constant 26 : i32
      %mul3A_1347 = arith.muli %scan3A_1344, %mul3A_1346 : i32
      %add3A_1348 = arith.addi %add3A_1208, %scan3A_1344 : i32
      %dma_start3A_1349 = arith.constant 0 : i32
      %dma_start3A_1350 = tpu.memref_slice %arg6[%mul3A_1347, %dma_start3A_1349] : memref<1664x16xf32, #tpu.memory_space<vmem>> -> memref<26x16xf32, #tpu.memory_space<vmem>>
      %dma_start3A_1351 = arith.constant 0 : i32
      %dma_start3A_1352 = arith.constant 0 : i32
      %dma_start3A_1353 = tpu.memref_slice %arg4[%select_n3A, %add3A_1348, %dma_start3A_1351, %dma_start3A_1352] : memref<4x16384x26x16xf32, #tpu.memory_space<hbm>> -> memref<1x1x26x16xf32, #tpu.memory_space<hbm>>
      %dma_start3A_1354 = tpu.memref_squeeze %dma_start3A_1353 : memref<1x1x26x16xf32, #tpu.memory_space<hbm>> -> memref<26x16xf32, #tpu.memory_space<hbm>>
      %dma_start3A_1355 = arith.constant 0 : i32
      %dma_start3A_1356 = arith.constant 0 : i32
      %dma_start3A_1357 = tpu.memref_slice %arg4[%select_n3A, %add3A_1348, %dma_start3A_1355, %dma_start3A_1356] : memref<4x16384x26x16xf32, #tpu.memory_space<hbm>> -> memref<1x1x26x16xf32, #tpu.memory_space<hbm>>
      %dma_start3A_1358 = tpu.memref_squeeze %dma_start3A_1357 : memref<1x1x26x16xf32, #tpu.memory_space<hbm>> -> memref<26x16xf32, #tpu.memory_space<hbm>>
      %dma_start3A_1359 = arith.constant 0 : i32
      %dma_start3A_1360 = tpu.memref_slice %arg6[%mul3A_1347, %dma_start3A_1359] : memref<1664x16xf32, #tpu.memory_space<vmem>> -> memref<26x16xf32, #tpu.memory_space<vmem>>
      tpu.enqueue_dma source(%dma_start3A_1360 : memref<26x16xf32, #tpu.memory_space<vmem>>) target(%dma_start3A_1358 : memref<26x16xf32, #tpu.memory_space<hbm>>) target_semaphore(%arg10 : memref<!tpu.dma_semaphore, #tpu.memory_space<semaphore_mem>>)
      %scan3A_1361 = arith.constant 0 : i32
      scf.yield %scan3A_1361 : i32
    }
    %scan3A_1215 = arith.constant 64 : i32
    %dma_wait3A_1216 = arith.constant 0 : i32
    %dma_wait3A_1217 = arith.constant 0 : i32
    %dma_wait3A_1218 = tpu.memref_slice %arg3[%select_n3A, %dma_wait3A_1216, %dma_wait3A_1217] : memref<4x1000000x16xf32, #tpu.memory_space<hbm>> -> memref<1x1000000x16xf32, #tpu.memory_space<hbm>>
    %dma_wait3A_1219 = tpu.memref_squeeze %dma_wait3A_1218 : memref<1x1000000x16xf32, #tpu.memory_space<hbm>> -> memref<1000000x16xf32, #tpu.memory_space<hbm>>
    %dma_wait3A_1220 = arith.constant 0 : i32
    %dma_wait3A_1221 = arith.constant 0 : i32
    %dma_wait3A_1222 = tpu.memref_slice %dma_wait3A_1219[%dma_wait3A_1220, %dma_wait3A_1221] : memref<1000000x16xf32, #tpu.memory_space<hbm>> -> memref<1664x16xf32, #tpu.memory_space<hbm>>
    %dma_wait3A_1223 = arith.constant 0 : i32
    %dma_wait3A_1224 = arith.constant 0 : i32
    %dma_wait3A_1225 = tpu.memref_slice %arg3[%select_n3A, %dma_wait3A_1223, %dma_wait3A_1224] : memref<4x1000000x16xf32, #tpu.memory_space<hbm>> -> memref<1x1000000x16xf32, #tpu.memory_space<hbm>>
    %dma_wait3A_1226 = tpu.memref_squeeze %dma_wait3A_1225 : memref<1x1000000x16xf32, #tpu.memory_space<hbm>> -> memref<1000000x16xf32, #tpu.memory_space<hbm>>
    %dma_wait3A_1227 = arith.constant 0 : i32
    %dma_wait3A_1228 = arith.constant 0 : i32
    %dma_wait3A_1229 = tpu.memref_slice %dma_wait3A_1226[%dma_wait3A_1227, %dma_wait3A_1228] : memref<1000000x16xf32, #tpu.memory_space<hbm>> -> memref<1664x16xf32, #tpu.memory_space<hbm>>
    tpu.wait_dma2 semaphore(%arg10 : memref<!tpu.dma_semaphore, #tpu.memory_space<semaphore_mem>>) src(%dma_wait3A_1229 : memref<1664x16xf32, #tpu.memory_space<hbm>>) dst(%arg6 : memref<1664x16xf32, #tpu.memory_space<vmem>>)
    %dma_start3A_1230 = arith.constant 49920 : i32
    %dma_start3A_1231 = tpu.memref_slice %arg5[%dma_start3A_1230] : memref<53248xi32, #tpu.memory_space<vmem>> -> memref<1664xi32, #tpu.memory_space<vmem>>
    %dma_start3A_1232 = arith.constant 0 : i32
    %dma_start3A_1233 = arith.constant 0 : i32
    %dma_start3A_1234 = tpu.memref_slice %arg3[%select_n3A, %dma_start3A_1232, %dma_start3A_1233] : memref<4x1000000x16xf32, #tpu.memory_space<hbm>> -> memref<1x1000000x16xf32, #tpu.memory_space<hbm>>
    %dma_start3A_1235 = tpu.memref_squeeze %dma_start3A_1234 : memref<1x1000000x16xf32, #tpu.memory_space<hbm>> -> memref<1000000x16xf32, #tpu.memory_space<hbm>>
    %dma_start3A_1236 = arith.constant 0 : i32
    %dma_start3A_1237 = arith.constant 0 : i32
    %dma_start3A_1238 = tpu.memref_slice %dma_start3A_1235[%dma_start3A_1236, %dma_start3A_1237] : memref<1000000x16xf32, #tpu.memory_space<hbm>> -> memref<1000000x16xf32, #tpu.memory_space<hbm>>
    tpu.enqueue_indirect_dma source(%dma_start3A_1238 : memref<1000000x16xf32, #tpu.memory_space<hbm>>) target(%arg6 : memref<1664x16xf32, #tpu.memory_space<vmem>>) offsets(%dma_start3A_1231 : memref<1664xi32, #tpu.memory_space<vmem>>) semaphore(%arg8 : memref<!tpu.dma_semaphore, #tpu.memory_space<semaphore_mem>>)
    %dma_wait3A_1239 = arith.constant 48256 : i32
    %dma_wait3A_1240 = tpu.memref_slice %arg5[%dma_wait3A_1239] : memref<53248xi32, #tpu.memory_space<vmem>> -> memref<1664xi32, #tpu.memory_space<vmem>>
    %dma_wait3A_1241 = arith.constant 0 : i32
    %dma_wait3A_1242 = arith.constant 0 : i32
    %dma_wait3A_1243 = tpu.memref_slice %arg3[%select_n3A, %dma_wait3A_1241, %dma_wait3A_1242] : memref<4x1000000x16xf32, #tpu.memory_space<hbm>> -> memref<1x1000000x16xf32, #tpu.memory_space<hbm>>
    %dma_wait3A_1244 = tpu.memref_squeeze %dma_wait3A_1243 : memref<1x1000000x16xf32, #tpu.memory_space<hbm>> -> memref<1000000x16xf32, #tpu.memory_space<hbm>>
    %dma_wait3A_1245 = arith.constant 0 : i32
    %dma_wait3A_1246 = arith.constant 0 : i32
    %dma_wait3A_1247 = tpu.memref_slice %dma_wait3A_1244[%dma_wait3A_1245, %dma_wait3A_1246] : memref<1000000x16xf32, #tpu.memory_space<hbm>> -> memref<1000000x16xf32, #tpu.memory_space<hbm>>
    tpu.wait_indirect_dma semaphore(%arg9 : memref<!tpu.dma_semaphore, #tpu.memory_space<semaphore_mem>>) src(%dma_wait3A_1247 : memref<1000000x16xf32, #tpu.memory_space<hbm>>) dst(%arg7 : memref<1664x16xf32, #tpu.memory_space<vmem>>)
    %add3A_1248 = arith.constant 1856 : i32
    %add3A_1249 = arith.addi %mul3A_34, %add3A_1248 : i32
    %scan3A_1250 = arith.constant 0 : i32
    %scan3A_1251 = arith.constant 0 : i32
    %scan3A_1252 = arith.constant 64 : i32
    %scan3A_1253 = arith.addi %scan3A_1251, %scan3A_1252 : i32
    %scan3A_1254 = arith.constant 1 : i32
    %scan3A_1255 = scf.for %scan3A_1344 = %scan3A_1251 to %scan3A_1253 step %scan3A_1254 iter_args(%scan3A_1345 = %scan3A_1250) -> (i32)  : i32 {
      %mul3A_1346 = arith.constant 26 : i32
      %mul3A_1347 = arith.muli %scan3A_1344, %mul3A_1346 : i32
      %add3A_1348 = arith.addi %add3A_1249, %scan3A_1344 : i32
      %dma_start3A_1349 = arith.constant 0 : i32
      %dma_start3A_1350 = tpu.memref_slice %arg7[%mul3A_1347, %dma_start3A_1349] : memref<1664x16xf32, #tpu.memory_space<vmem>> -> memref<26x16xf32, #tpu.memory_space<vmem>>
      %dma_start3A_1351 = arith.constant 0 : i32
      %dma_start3A_1352 = arith.constant 0 : i32
      %dma_start3A_1353 = tpu.memref_slice %arg4[%select_n3A, %add3A_1348, %dma_start3A_1351, %dma_start3A_1352] : memref<4x16384x26x16xf32, #tpu.memory_space<hbm>> -> memref<1x1x26x16xf32, #tpu.memory_space<hbm>>
      %dma_start3A_1354 = tpu.memref_squeeze %dma_start3A_1353 : memref<1x1x26x16xf32, #tpu.memory_space<hbm>> -> memref<26x16xf32, #tpu.memory_space<hbm>>
      %dma_start3A_1355 = arith.constant 0 : i32
      %dma_start3A_1356 = arith.constant 0 : i32
      %dma_start3A_1357 = tpu.memref_slice %arg4[%select_n3A, %add3A_1348, %dma_start3A_1355, %dma_start3A_1356] : memref<4x16384x26x16xf32, #tpu.memory_space<hbm>> -> memref<1x1x26x16xf32, #tpu.memory_space<hbm>>
      %dma_start3A_1358 = tpu.memref_squeeze %dma_start3A_1357 : memref<1x1x26x16xf32, #tpu.memory_space<hbm>> -> memref<26x16xf32, #tpu.memory_space<hbm>>
      %dma_start3A_1359 = arith.constant 0 : i32
      %dma_start3A_1360 = tpu.memref_slice %arg7[%mul3A_1347, %dma_start3A_1359] : memref<1664x16xf32, #tpu.memory_space<vmem>> -> memref<26x16xf32, #tpu.memory_space<vmem>>
      tpu.enqueue_dma source(%dma_start3A_1360 : memref<26x16xf32, #tpu.memory_space<vmem>>) target(%dma_start3A_1358 : memref<26x16xf32, #tpu.memory_space<hbm>>) target_semaphore(%arg11 : memref<!tpu.dma_semaphore, #tpu.memory_space<semaphore_mem>>)
      %scan3A_1361 = arith.constant 0 : i32
      scf.yield %scan3A_1361 : i32
    }
    %scan3A_1256 = arith.constant 64 : i32
    %dma_wait3A_1257 = arith.constant 0 : i32
    %dma_wait3A_1258 = arith.constant 0 : i32
    %dma_wait3A_1259 = tpu.memref_slice %arg3[%select_n3A, %dma_wait3A_1257, %dma_wait3A_1258] : memref<4x1000000x16xf32, #tpu.memory_space<hbm>> -> memref<1x1000000x16xf32, #tpu.memory_space<hbm>>
    %dma_wait3A_1260 = tpu.memref_squeeze %dma_wait3A_1259 : memref<1x1000000x16xf32, #tpu.memory_space<hbm>> -> memref<1000000x16xf32, #tpu.memory_space<hbm>>
    %dma_wait3A_1261 = arith.constant 0 : i32
    %dma_wait3A_1262 = arith.constant 0 : i32
    %dma_wait3A_1263 = tpu.memref_slice %dma_wait3A_1260[%dma_wait3A_1261, %dma_wait3A_1262] : memref<1000000x16xf32, #tpu.memory_space<hbm>> -> memref<1664x16xf32, #tpu.memory_space<hbm>>
    %dma_wait3A_1264 = arith.constant 0 : i32
    %dma_wait3A_1265 = arith.constant 0 : i32
    %dma_wait3A_1266 = tpu.memref_slice %arg3[%select_n3A, %dma_wait3A_1264, %dma_wait3A_1265] : memref<4x1000000x16xf32, #tpu.memory_space<hbm>> -> memref<1x1000000x16xf32, #tpu.memory_space<hbm>>
    %dma_wait3A_1267 = tpu.memref_squeeze %dma_wait3A_1266 : memref<1x1000000x16xf32, #tpu.memory_space<hbm>> -> memref<1000000x16xf32, #tpu.memory_space<hbm>>
    %dma_wait3A_1268 = arith.constant 0 : i32
    %dma_wait3A_1269 = arith.constant 0 : i32
    %dma_wait3A_1270 = tpu.memref_slice %dma_wait3A_1267[%dma_wait3A_1268, %dma_wait3A_1269] : memref<1000000x16xf32, #tpu.memory_space<hbm>> -> memref<1664x16xf32, #tpu.memory_space<hbm>>
    tpu.wait_dma2 semaphore(%arg11 : memref<!tpu.dma_semaphore, #tpu.memory_space<semaphore_mem>>) src(%dma_wait3A_1270 : memref<1664x16xf32, #tpu.memory_space<hbm>>) dst(%arg7 : memref<1664x16xf32, #tpu.memory_space<vmem>>)
    %dma_start3A_1271 = arith.constant 51584 : i32
    %dma_start3A_1272 = tpu.memref_slice %arg5[%dma_start3A_1271] : memref<53248xi32, #tpu.memory_space<vmem>> -> memref<1664xi32, #tpu.memory_space<vmem>>
    %dma_start3A_1273 = arith.constant 0 : i32
    %dma_start3A_1274 = arith.constant 0 : i32
    %dma_start3A_1275 = tpu.memref_slice %arg3[%select_n3A, %dma_start3A_1273, %dma_start3A_1274] : memref<4x1000000x16xf32, #tpu.memory_space<hbm>> -> memref<1x1000000x16xf32, #tpu.memory_space<hbm>>
    %dma_start3A_1276 = tpu.memref_squeeze %dma_start3A_1275 : memref<1x1000000x16xf32, #tpu.memory_space<hbm>> -> memref<1000000x16xf32, #tpu.memory_space<hbm>>
    %dma_start3A_1277 = arith.constant 0 : i32
    %dma_start3A_1278 = arith.constant 0 : i32
    %dma_start3A_1279 = tpu.memref_slice %dma_start3A_1276[%dma_start3A_1277, %dma_start3A_1278] : memref<1000000x16xf32, #tpu.memory_space<hbm>> -> memref<1000000x16xf32, #tpu.memory_space<hbm>>
    tpu.enqueue_indirect_dma source(%dma_start3A_1279 : memref<1000000x16xf32, #tpu.memory_space<hbm>>) target(%arg7 : memref<1664x16xf32, #tpu.memory_space<vmem>>) offsets(%dma_start3A_1272 : memref<1664xi32, #tpu.memory_space<vmem>>) semaphore(%arg9 : memref<!tpu.dma_semaphore, #tpu.memory_space<semaphore_mem>>)
    %dma_wait3A_1280 = arith.constant 49920 : i32
    %dma_wait3A_1281 = tpu.memref_slice %arg5[%dma_wait3A_1280] : memref<53248xi32, #tpu.memory_space<vmem>> -> memref<1664xi32, #tpu.memory_space<vmem>>
    %dma_wait3A_1282 = arith.constant 0 : i32
    %dma_wait3A_1283 = arith.constant 0 : i32
    %dma_wait3A_1284 = tpu.memref_slice %arg3[%select_n3A, %dma_wait3A_1282, %dma_wait3A_1283] : memref<4x1000000x16xf32, #tpu.memory_space<hbm>> -> memref<1x1000000x16xf32, #tpu.memory_space<hbm>>
    %dma_wait3A_1285 = tpu.memref_squeeze %dma_wait3A_1284 : memref<1x1000000x16xf32, #tpu.memory_space<hbm>> -> memref<1000000x16xf32, #tpu.memory_space<hbm>>
    %dma_wait3A_1286 = arith.constant 0 : i32
    %dma_wait3A_1287 = arith.constant 0 : i32
    %dma_wait3A_1288 = tpu.memref_slice %dma_wait3A_1285[%dma_wait3A_1286, %dma_wait3A_1287] : memref<1000000x16xf32, #tpu.memory_space<hbm>> -> memref<1000000x16xf32, #tpu.memory_space<hbm>>
    tpu.wait_indirect_dma semaphore(%arg8 : memref<!tpu.dma_semaphore, #tpu.memory_space<semaphore_mem>>) src(%dma_wait3A_1288 : memref<1000000x16xf32, #tpu.memory_space<hbm>>) dst(%arg6 : memref<1664x16xf32, #tpu.memory_space<vmem>>)
    %add3A_1289 = arith.constant 1920 : i32
    %add3A_1290 = arith.addi %mul3A_34, %add3A_1289 : i32
    %scan3A_1291 = arith.constant 0 : i32
    %scan3A_1292 = arith.constant 0 : i32
    %scan3A_1293 = arith.constant 64 : i32
    %scan3A_1294 = arith.addi %scan3A_1292, %scan3A_1293 : i32
    %scan3A_1295 = arith.constant 1 : i32
    %scan3A_1296 = scf.for %scan3A_1344 = %scan3A_1292 to %scan3A_1294 step %scan3A_1295 iter_args(%scan3A_1345 = %scan3A_1291) -> (i32)  : i32 {
      %mul3A_1346 = arith.constant 26 : i32
      %mul3A_1347 = arith.muli %scan3A_1344, %mul3A_1346 : i32
      %add3A_1348 = arith.addi %add3A_1290, %scan3A_1344 : i32
      %dma_start3A_1349 = arith.constant 0 : i32
      %dma_start3A_1350 = tpu.memref_slice %arg6[%mul3A_1347, %dma_start3A_1349] : memref<1664x16xf32, #tpu.memory_space<vmem>> -> memref<26x16xf32, #tpu.memory_space<vmem>>
      %dma_start3A_1351 = arith.constant 0 : i32
      %dma_start3A_1352 = arith.constant 0 : i32
      %dma_start3A_1353 = tpu.memref_slice %arg4[%select_n3A, %add3A_1348, %dma_start3A_1351, %dma_start3A_1352] : memref<4x16384x26x16xf32, #tpu.memory_space<hbm>> -> memref<1x1x26x16xf32, #tpu.memory_space<hbm>>
      %dma_start3A_1354 = tpu.memref_squeeze %dma_start3A_1353 : memref<1x1x26x16xf32, #tpu.memory_space<hbm>> -> memref<26x16xf32, #tpu.memory_space<hbm>>
      %dma_start3A_1355 = arith.constant 0 : i32
      %dma_start3A_1356 = arith.constant 0 : i32
      %dma_start3A_1357 = tpu.memref_slice %arg4[%select_n3A, %add3A_1348, %dma_start3A_1355, %dma_start3A_1356] : memref<4x16384x26x16xf32, #tpu.memory_space<hbm>> -> memref<1x1x26x16xf32, #tpu.memory_space<hbm>>
      %dma_start3A_1358 = tpu.memref_squeeze %dma_start3A_1357 : memref<1x1x26x16xf32, #tpu.memory_space<hbm>> -> memref<26x16xf32, #tpu.memory_space<hbm>>
      %dma_start3A_1359 = arith.constant 0 : i32
      %dma_start3A_1360 = tpu.memref_slice %arg6[%mul3A_1347, %dma_start3A_1359] : memref<1664x16xf32, #tpu.memory_space<vmem>> -> memref<26x16xf32, #tpu.memory_space<vmem>>
      tpu.enqueue_dma source(%dma_start3A_1360 : memref<26x16xf32, #tpu.memory_space<vmem>>) target(%dma_start3A_1358 : memref<26x16xf32, #tpu.memory_space<hbm>>) target_semaphore(%arg10 : memref<!tpu.dma_semaphore, #tpu.memory_space<semaphore_mem>>)
      %scan3A_1361 = arith.constant 0 : i32
      scf.yield %scan3A_1361 : i32
    }
    %scan3A_1297 = arith.constant 64 : i32
    %dma_wait3A_1298 = arith.constant 51584 : i32
    %dma_wait3A_1299 = tpu.memref_slice %arg5[%dma_wait3A_1298] : memref<53248xi32, #tpu.memory_space<vmem>> -> memref<1664xi32, #tpu.memory_space<vmem>>
    %dma_wait3A_1300 = arith.constant 0 : i32
    %dma_wait3A_1301 = arith.constant 0 : i32
    %dma_wait3A_1302 = tpu.memref_slice %arg3[%select_n3A, %dma_wait3A_1300, %dma_wait3A_1301] : memref<4x1000000x16xf32, #tpu.memory_space<hbm>> -> memref<1x1000000x16xf32, #tpu.memory_space<hbm>>
    %dma_wait3A_1303 = tpu.memref_squeeze %dma_wait3A_1302 : memref<1x1000000x16xf32, #tpu.memory_space<hbm>> -> memref<1000000x16xf32, #tpu.memory_space<hbm>>
    %dma_wait3A_1304 = arith.constant 0 : i32
    %dma_wait3A_1305 = arith.constant 0 : i32
    %dma_wait3A_1306 = tpu.memref_slice %dma_wait3A_1303[%dma_wait3A_1304, %dma_wait3A_1305] : memref<1000000x16xf32, #tpu.memory_space<hbm>> -> memref<1000000x16xf32, #tpu.memory_space<hbm>>
    tpu.wait_indirect_dma semaphore(%arg9 : memref<!tpu.dma_semaphore, #tpu.memory_space<semaphore_mem>>) src(%dma_wait3A_1306 : memref<1000000x16xf32, #tpu.memory_space<hbm>>) dst(%arg7 : memref<1664x16xf32, #tpu.memory_space<vmem>>)
    %add3A_1307 = arith.constant 1984 : i32
    %add3A_1308 = arith.addi %mul3A_34, %add3A_1307 : i32
    %scan3A_1309 = arith.constant 0 : i32
    %scan3A_1310 = arith.constant 0 : i32
    %scan3A_1311 = arith.constant 64 : i32
    %scan3A_1312 = arith.addi %scan3A_1310, %scan3A_1311 : i32
    %scan3A_1313 = arith.constant 1 : i32
    %scan3A_1314 = scf.for %scan3A_1344 = %scan3A_1310 to %scan3A_1312 step %scan3A_1313 iter_args(%scan3A_1345 = %scan3A_1309) -> (i32)  : i32 {
      %mul3A_1346 = arith.constant 26 : i32
      %mul3A_1347 = arith.muli %scan3A_1344, %mul3A_1346 : i32
      %add3A_1348 = arith.addi %add3A_1308, %scan3A_1344 : i32
      %dma_start3A_1349 = arith.constant 0 : i32
      %dma_start3A_1350 = tpu.memref_slice %arg7[%mul3A_1347, %dma_start3A_1349] : memref<1664x16xf32, #tpu.memory_space<vmem>> -> memref<26x16xf32, #tpu.memory_space<vmem>>
      %dma_start3A_1351 = arith.constant 0 : i32
      %dma_start3A_1352 = arith.constant 0 : i32
      %dma_start3A_1353 = tpu.memref_slice %arg4[%select_n3A, %add3A_1348, %dma_start3A_1351, %dma_start3A_1352] : memref<4x16384x26x16xf32, #tpu.memory_space<hbm>> -> memref<1x1x26x16xf32, #tpu.memory_space<hbm>>
      %dma_start3A_1354 = tpu.memref_squeeze %dma_start3A_1353 : memref<1x1x26x16xf32, #tpu.memory_space<hbm>> -> memref<26x16xf32, #tpu.memory_space<hbm>>
      %dma_start3A_1355 = arith.constant 0 : i32
      %dma_start3A_1356 = arith.constant 0 : i32
      %dma_start3A_1357 = tpu.memref_slice %arg4[%select_n3A, %add3A_1348, %dma_start3A_1355, %dma_start3A_1356] : memref<4x16384x26x16xf32, #tpu.memory_space<hbm>> -> memref<1x1x26x16xf32, #tpu.memory_space<hbm>>
      %dma_start3A_1358 = tpu.memref_squeeze %dma_start3A_1357 : memref<1x1x26x16xf32, #tpu.memory_space<hbm>> -> memref<26x16xf32, #tpu.memory_space<hbm>>
      %dma_start3A_1359 = arith.constant 0 : i32
      %dma_start3A_1360 = tpu.memref_slice %arg7[%mul3A_1347, %dma_start3A_1359] : memref<1664x16xf32, #tpu.memory_space<vmem>> -> memref<26x16xf32, #tpu.memory_space<vmem>>
      tpu.enqueue_dma source(%dma_start3A_1360 : memref<26x16xf32, #tpu.memory_space<vmem>>) target(%dma_start3A_1358 : memref<26x16xf32, #tpu.memory_space<hbm>>) target_semaphore(%arg11 : memref<!tpu.dma_semaphore, #tpu.memory_space<semaphore_mem>>)
      %scan3A_1361 = arith.constant 0 : i32
      scf.yield %scan3A_1361 : i32
    }
    %scan3A_1315 = arith.constant 64 : i32
    %dma_wait3A_1316 = arith.constant 0 : i32
    %dma_wait3A_1317 = arith.constant 0 : i32
    %dma_wait3A_1318 = tpu.memref_slice %arg3[%select_n3A, %dma_wait3A_1316, %dma_wait3A_1317] : memref<4x1000000x16xf32, #tpu.memory_space<hbm>> -> memref<1x1000000x16xf32, #tpu.memory_space<hbm>>
    %dma_wait3A_1319 = tpu.memref_squeeze %dma_wait3A_1318 : memref<1x1000000x16xf32, #tpu.memory_space<hbm>> -> memref<1000000x16xf32, #tpu.memory_space<hbm>>
    %dma_wait3A_1320 = arith.constant 0 : i32
    %dma_wait3A_1321 = arith.constant 0 : i32
    %dma_wait3A_1322 = tpu.memref_slice %dma_wait3A_1319[%dma_wait3A_1320, %dma_wait3A_1321] : memref<1000000x16xf32, #tpu.memory_space<hbm>> -> memref<1664x16xf32, #tpu.memory_space<hbm>>
    %dma_wait3A_1323 = arith.constant 0 : i32
    %dma_wait3A_1324 = arith.constant 0 : i32
    %dma_wait3A_1325 = tpu.memref_slice %arg3[%select_n3A, %dma_wait3A_1323, %dma_wait3A_1324] : memref<4x1000000x16xf32, #tpu.memory_space<hbm>> -> memref<1x1000000x16xf32, #tpu.memory_space<hbm>>
    %dma_wait3A_1326 = tpu.memref_squeeze %dma_wait3A_1325 : memref<1x1000000x16xf32, #tpu.memory_space<hbm>> -> memref<1000000x16xf32, #tpu.memory_space<hbm>>
    %dma_wait3A_1327 = arith.constant 0 : i32
    %dma_wait3A_1328 = arith.constant 0 : i32
    %dma_wait3A_1329 = tpu.memref_slice %dma_wait3A_1326[%dma_wait3A_1327, %dma_wait3A_1328] : memref<1000000x16xf32, #tpu.memory_space<hbm>> -> memref<1664x16xf32, #tpu.memory_space<hbm>>
    tpu.wait_dma2 semaphore(%arg10 : memref<!tpu.dma_semaphore, #tpu.memory_space<semaphore_mem>>) src(%dma_wait3A_1329 : memref<1664x16xf32, #tpu.memory_space<hbm>>) dst(%arg6 : memref<1664x16xf32, #tpu.memory_space<vmem>>)
    %dma_wait3A_1330 = arith.constant 0 : i32
    %dma_wait3A_1331 = arith.constant 0 : i32
    %dma_wait3A_1332 = tpu.memref_slice %arg3[%select_n3A, %dma_wait3A_1330, %dma_wait3A_1331] : memref<4x1000000x16xf32, #tpu.memory_space<hbm>> -> memref<1x1000000x16xf32, #tpu.memory_space<hbm>>
    %dma_wait3A_1333 = tpu.memref_squeeze %dma_wait3A_1332 : memref<1x1000000x16xf32, #tpu.memory_space<hbm>> -> memref<1000000x16xf32, #tpu.memory_space<hbm>>
    %dma_wait3A_1334 = arith.constant 0 : i32
    %dma_wait3A_1335 = arith.constant 0 : i32
    %dma_wait3A_1336 = tpu.memref_slice %dma_wait3A_1333[%dma_wait3A_1334, %dma_wait3A_1335] : memref<1000000x16xf32, #tpu.memory_space<hbm>> -> memref<1664x16xf32, #tpu.memory_space<hbm>>
    %dma_wait3A_1337 = arith.constant 0 : i32
    %dma_wait3A_1338 = arith.constant 0 : i32
    %dma_wait3A_1339 = tpu.memref_slice %arg3[%select_n3A, %dma_wait3A_1337, %dma_wait3A_1338] : memref<4x1000000x16xf32, #tpu.memory_space<hbm>> -> memref<1x1000000x16xf32, #tpu.memory_space<hbm>>
    %dma_wait3A_1340 = tpu.memref_squeeze %dma_wait3A_1339 : memref<1x1000000x16xf32, #tpu.memory_space<hbm>> -> memref<1000000x16xf32, #tpu.memory_space<hbm>>
    %dma_wait3A_1341 = arith.constant 0 : i32
    %dma_wait3A_1342 = arith.constant 0 : i32
    %dma_wait3A_1343 = tpu.memref_slice %dma_wait3A_1340[%dma_wait3A_1341, %dma_wait3A_1342] : memref<1000000x16xf32, #tpu.memory_space<hbm>> -> memref<1664x16xf32, #tpu.memory_space<hbm>>
    tpu.wait_dma2 semaphore(%arg11 : memref<!tpu.dma_semaphore, #tpu.memory_space<semaphore_mem>>) src(%dma_wait3A_1343 : memref<1664x16xf32, #tpu.memory_space<hbm>>) dst(%arg7 : memref<1664x16xf32, #tpu.memory_space<vmem>>)
    return
  }
}

</mosaic_0001>

<sc_bundles>
// kernel: kernel.3.cloned.1.call-start
scs
__scs_entry_jumppad:
0x0: {  	(pc) =	sbr.rel $0x88, $3  }
0x1: {  	(tag) =	ssettag $0x0;
	lr =	simm.s32 $0x1  }
0x2: {  	[smem:$0x3F9F] =	sst lr;
	_ =	strace $0xD0000000  }
0x3: {  	_ = 	snop  }
0x4: {  	_ = 	snop  }
0x5: {  	_ = 	snop  }
0x6: {  	_ = 	snop  }
0x7: {  	_ = 	snop  }
__scs_overlays_trampoline_lowered:
0x8: {  	[smem:$0x3FAE] =	sst s0  }
0x9: {  	[smem:$0x3FAF] =	sst s1  }
0xa: {  	[smem:$0x3FB0] =	sst s2  }
0xb: {  	[smem:$0x3FB1] =	sst s3  }
0xc: {  	[smem:$0x3FB2] =	sst s4  }
0xd: {  	[smem:$0x3FB3] =	sst s5  }
0xe: {  	[smem:$0x3FB4] =	sst s6  }
0xf: {  	[smem:$0x3FB5] =	sst s7  }
0x10: {  	[smem:$0x3FB6] =	sst s8  }
0x11: {  	[smem:$0x3FB7] =	sst s9;
	s0 =	simm.s32 @!p0 $0x0  }
0x12: {  	s1 =	sld [smem:$0x3F9D];
	s0 =	simm.s32 @p0 $0x1  }
0x13: {  	[smem:$0x3FB8] =	sst s0;
	s0 =	simm.s32 @!p1 $0x0  }
0x14: {  	s2 =	sld [smem:$0x3F9C];
	s0 =	simm.s32 @p1 $0x1  }
0x15: {  	[smem:$0x3FB9] =	sst s0;
	s0 =	simm.s32 @!p2 $0x0  }
0x16: {  	s3 =	sld [smem:$0x3FDB];
	s0 =	simm.s32 @p2 $0x1  }
0x17: {  	s4 =	simm.s32 $0x1BF5;
	[smem:$0x3FBB] =	sst s0  }
0x18: {  	s0 =	sld [smem:$0x3F9E];
	_ =	swait.ge [sflag:s4], $0x0  }
0x19: {  	s7 =	sld [smem:$0x3F9F]  }
0x1a: {  	s8 =	sadd.s32 $0xFFFFE003, lr  }
0x1b: {  	s9 =	sadd.s32 $0xFFFFFEF7, lr;
	s5 =	simm.s32 $0xFFFFFFFF;
	p2 =	slt.u32 s8, $0xFFFFF086  }
0x1c: {  	p1 =	slt.u32 s9, $0xF7A;
	s5 =	simm.s32 @!p2 $0x0  }
0x1d: {  	s5 =	simm.s32 @p1 $0x1;
	p0 =	seq.s32 s7, s2  }
0x1e: {  	s7 =	smul.u32 @!p0 $0xF7A, s2;
	p2 =	seq.s32 @!p0 s5, $0x0  }
0x1f: {  	s9 =	smul.u32 $0xF7A, s1;
	s8 =	simm.s32 @!p0 $0x1BF5;
	p2 =	por !p2, p0  }
0x20: {  	[sflag:s8] =	ssyncset.s32 @!p0 $0xFFFFF086;
	s6 =	sadd.s32 @!p0 s3, s7;
	s7 =	simm.s32 @!p0 $0x108  }
0x21: {  	s3 =	sadd.s32 s3, s9;
	s6 =	sadd.s32 @!p0 $0x88, s6;
	s7 =	simm.s32 @p2 $0x1082  }
0x22: {  	[simem:s7], [sflag:s8] =	dma.local @!p0 [hbm:s6], $0xF7A  }
0x23: {  	s9 =	sor.u32 $0xD0000000, s2;
	s6 =	simm.s32 $0x108;
	_ =	swait.ge @!p0 [sflag:s8], $0x0  }
0x24: {  	s3 =	sadd.s32 $0x88, s3;
	s6 =	simm.s32 @!p1 $0x1082;
	[sflag:s4] =	ssyncset.s32 $0xFFFFF086  }
0x25: {  	[simem:s6], [sflag:s4] =	dma.local [hbm:s3], $0xF7A  }
0x26: {  	[smem:$0x3F9F] =	sst s1;
	(tag) =	ssettag s2;
	_ =	strace s9  }
0x27: {  	s1 =	sld [smem:$0x3FAF]  }
0x28: {  	s2 =	sld [smem:$0x3FB0]  }
0x29: {  	s4 =	sld [smem:$0x3FB2]  }
0x2a: {  	p0 =	seq.s32 s5, $0x0;
	s5 =	sld [smem:$0x3FB3]  }
0x2b: {  	s6 =	sld [smem:$0x3FB4]  }
0x2c: {  	s7 =	sld [smem:$0x3FB5]  }
0x2d: {  	s3 =	simm.s32 $0x108;
	s8 =	sld [smem:$0x3FB6]  }
0x2e: {  	s3 =	simm.s32 @!p0 $0x1082;
	s9 =	sld [smem:$0x3FB7]  }
0x2f: {  	lr =	sadd.s32 s0, s3;
	s0 =	sld [smem:$0x3FAE]  }
0x30: {  	s3 =	sld [smem:$0x3FB1]  }
0x31: {  	[smem:$0x3FBA] =	sst s10  }
0x32: {  	s10 =	sld [smem:$0x3FB8];
	_ =	sdelay $0x3  }
0x33: {  	p0 =	seq.s32 s10, $0x1;
	s10 =	sld [smem:$0x3FBA];
	_ =	sdelay $0x3  }
0x34: {  	[smem:$0x3FBA] =	sst s10  }
0x35: {  	s10 =	sld [smem:$0x3FB9];
	_ =	sdelay $0x3  }
0x36: {  	p1 =	seq.s32 s10, $0x1;
	s10 =	sld [smem:$0x3FBA];
	_ =	sdelay $0x3  }
0x37: {  	[smem:$0x3FBA] =	sst s10  }
0x38: {  	s10 =	sld [smem:$0x3FBB]  }
0x39: {  	_ = 	snop;
	(pc) =	sbr.ind lr, $3  }
0x3a: {  	_ = 	snop  }
0x3b: {  	_ = 	snop  }
0x3c: {  	p2 =	seq.s32 s10, $0x1;
	s10 =	sld [smem:$0x3FBA]  }
0x3d: {  	_ =	shalt  }
0x3e: {  	_ =	shalt  }
0x3f: {  	_ =	shalt  }
0x40: {  	_ =	shalt  }
0x41: {  	_ =	shalt  }
0x42: {  	_ =	shalt  }
0x43: {  	_ =	shalt  }
0x44: {  	_ =	shalt  }
0x45: {  	_ =	shalt  }
0x46: {  	_ =	shalt  }
0x47: {  	_ =	shalt  }
0x48: {  	_ =	shalt  }
0x49: {  	_ =	shalt  }
0x4a: {  	_ =	shalt  }
0x4b: {  	_ =	shalt  }
0x4c: {  	_ =	shalt  }
0x4d: {  	_ =	shalt  }
0x4e: {  	_ =	shalt  }
0x4f: {  	_ =	shalt  }
0x50: {  	_ =	shalt  }
0x51: {  	_ =	shalt  }
0x52: {  	_ =	shalt  }
0x53: {  	_ =	shalt  }
0x54: {  	_ =	shalt  }
0x55: {  	_ =	shalt  }
0x56: {  	_ =	shalt  }
0x57: {  	_ =	shalt  }
0x58: {  	_ =	shalt  }
0x59: {  	_ =	shalt  }
0x5a: {  	_ =	shalt  }
0x5b: {  	_ =	shalt  }
0x5c: {  	_ =	shalt  }
0x5d: {  	_ =	shalt  }
0x5e: {  	_ =	shalt  }
0x5f: {  	_ =	shalt  }
0x60: {  	_ =	shalt  }
0x61: {  	_ =	shalt  }
0x62: {  	_ =	shalt  }
0x63: {  	_ =	shalt  }
0x64: {  	_ =	shalt  }
0x65: {  	_ =	shalt  }
0x66: {  	_ =	shalt  }
0x67: {  	_ =	shalt  }
0x68: {  	_ =	shalt  }
0x69: {  	_ =	shalt  }
0x6a: {  	_ =	shalt  }
0x6b: {  	_ =	shalt  }
0x6c: {  	_ =	shalt  }
0x6d: {  	_ =	shalt  }
0x6e: {  	_ =	shalt  }
0x6f: {  	_ =	shalt  }
0x70: {  	_ =	shalt  }
0x71: {  	_ =	shalt  }
0x72: {  	_ =	shalt  }
0x73: {  	_ =	shalt  }
0x74: {  	_ =	shalt  }
0x75: {  	_ =	shalt  }
0x76: {  	_ =	shalt  }
0x77: {  	_ =	shalt  }
0x78: {  	_ =	shalt  }
0x79: {  	_ =	shalt  }
0x7a: {  	_ =	shalt  }
0x7b: {  	_ =	shalt  }
0x7c: {  	_ =	shalt  }
0x7d: {  	_ =	shalt  }
0x7e: {  	_ =	shalt  }
0x7f: {  	_ =	shalt  }
0x80: {  	_ =	shalt  }
0x81: {  	_ =	shalt  }
0x82: {  	_ =	shalt  }
0x83: {  	_ =	shalt  }
0x84: {  	_ =	shalt  }
0x85: {  	_ =	shalt  }
0x86: {  	_ =	shalt  }
0x87: {  	_ =	shalt  }
.Lfunc_end0:
.L_simem_size_0:
called_computation.1_lowered:
.L_overlay_start_0:
0x88: {  	s2 =	sld [smem:$0x3FD9]  }
0x89: {  	s3 =	sld [smem:$0x3FFE];
	_ =	sdelay $0x1  }
0x8a: {  	s1 =	srdreg.scid  }
0x8b: {  	s0 =	sand.u32 $0x1, s1  }
0x8c: {  	s17 =	sshll.u32 s0, $0xA;
	s2 =	sadd.s32 s3, s2  }
0x8d: {  	s2 =	sadd.s32 s2, s17  }
0x8e: {  	[smem:$0x3FC6] =	sst s2  }
0x8f: {  	_ = 	snop  }
0x90: {  	s2 =	sld [smem:$0x3FD0];
	(tm) =	ssettm $0x1  }
0x91: {  	s18 =	sld [smem:$0x3FFB];
	_ =	sdelay $0x3  }
0x92: {  	_ =	strace s18  }
0x93: {  	s3 =	sld [smem:$0x3FFC];
	_ =	sdelay $0x3  }
0x94: {  	_ =	strace s3  }
0x95: {  	s3 =	sld [smem:$0x3FFD];
	_ =	sdelay $0x3  }
0x96: {  	_ =	strace s3  }
0x97: {  	_ =	strace $0x8FFFFFFF  }
0x98: {  	s19 =	sld [smem:$0x3FDB];
	_ =	sdelay $0x1  }
0x99: {  	s4 =	simm.s32 $_scs_section_size  }
0x9a: {  	s5 =	simm.s32 $_size__tile_overlayer_lowered;
	s6 =	simm.s32 $_tile_overlayer_lowered  }
0x9b: {  	s22 =	simm.s32 $0x1BFF;
	s21 =	sshll.u32 s6, $0x1;
	s3 =	sadd.s32 s4, s19  }
0x9c: {  	s7 =	simm.s32 $0x0;
	s20 =	sshll.u32 s5, $0x1;
	s5 =	sadd.s32 s21, s3  }
0x9d: {  	[timem:s7], [sflag:s22] =	dma.local [hbm:s5], s20  }
0x9e: {  	_ =	swait.ge [sflag:s22], s20  }
0x9f: {  	s4 =	ssub.s32 $0x0, s20;
	[sflag:s22] =	ssyncset.done $0x0  }
0xa0: {  	[sflag:s22] =	ssyncadd.s32 s4;
	_ =	sdelay $0x1  }
0xa1: {  	s23 =	simm.s32 $0x1B8B  }
0xa2: {  	_ =	swait.ge [sflag:s23], $0x1  }
0xa3: {  	[sflag:s23] =	ssyncset.done $0x0  }
0xa4: {  	s25 =	simm.s32 $0x1B8E;
	s24 =	sld [smem:$0x3FFE];
	[sflag:s23] =	ssyncadd.s32 $0xFFFFFFFF  }
0xa5: {  	s26 =	simm.s32 $execute0_lowered;
	[smem:$0x3FD2] =	sst s25  }
0xa6: {  	s5 =	sshll.u32 s26, $0x1;
	_ =	strace $0x80000046;
	[dreg:$0x1] =	wrdreg $0xFFFFFFFF  }
0xa7: {  	s28 =	simm.s32 $_size_execute0_lowered;
	s3 =	sadd.s32 s3, s5;
	[dreg:$0x0] =	wrdreg $0x0  }
0xa8: {  	s5 =	sshll.u32 s28, $0x1;
	[dreg:$0x2] =	wrdreg s3  }
0xa9: {  	[dreg:$0x3] =	wrdreg s5  }
0xaa: {  	[dreg:$0x4] =	wrdreg $0xC0  }
0xab: {  	_ =	task [dreg:s7], $0x5FFFF  }
0xac: {  	[dreg:$0x1] =	wrdreg $0xFFFFFFFF  }
0xad: {  	[dreg:$0x0] =	wrdreg $0x60  }
0xae: {  	[dreg:$0x2] =	wrdreg s24  }
0xaf: {  	[dreg:$0x3] =	wrdreg s2  }
0xb0: {  	[dreg:$0x4] =	wrdreg $0x9  }
0xb1: {  	_ =	task.clear_ibuf [dreg:s7], $0x5FFFF;
	_ =	strace $0x90000046  }
0xb2: {  	s29 =	simm.s32 $0x9;
	_ =	strace $0x80000048  }
0xb3: {  	_ =	swait.ge [sflag:s29], $0x1  }
0xb4: {  	[sflag:s29] =	ssyncadd.s32 $0xFFFFFFFF  }
0xb5: {  	_ =	strace $0x90000048  }
0xb6: {  	_ =	sfence  }
0xb7: {  	s30 =	sld [smem:$0x0];
	_ =	sdelay $0x2  }
0xb8: {  	s31 =	sshll.u32 s1, $0xD;
	s1 =	sshrl.u32 s1, $0x2  }
0xb9: {  	s3 =	sand.u32 $0x4000, s31;
	s1 =	sadd.s32 s1, s30  }
0xba: {  	s0 =	sor.u32 s3, s0;
	s1 =	sshll.u32 s1, $0x11  }
0xbb: {  	s0 =	sor.u32 s1, s0  }
0xbc: {  	s0 =	sadd.s32 $0x8F2B, s0  }
0xbd: {  	[sflag:s0] =	ssyncadd.remote.s32 $0x1  }
0xbe: {  	_ =	sfence.sel $0xFFFF  }
0xbf: {  	[dreg:$0x0] =	wrdreg $0xFFFFFFFF;
	(pc) =	sbr.abs _section_cstart, $3  }
0xc0: {  	[dreg:$0x1] =	wrdreg $0xFFFFFFFF  }
0xc1: {  	_ =	task.clear_ibuf [dreg:s7], $0x2FFFF;
	_ =	strace $0x9FFFFFFF  }
0xc2: {  	(tm) =	ssettm $0x7FFFFFFF  }
0xc3: {  	_ =	shalt  }
tec
execute0_lowered:
.L_overlay_start_1:
0x0: {  	(tag) =	ssettag $0x1  }
0x1: {  	s3 =	stileid.u32  }
0x2: {  	s4 =	sshrl.u32 s3, $0x2  }
0x3: {  	s0 =	srdreg.scid;
	s7 =	sand.u32 $0x3, s3;
	s6 =	smul.u32 $0x680000, s4  }
0x4: {  	s1 =	sshll.u32 s3, $0x1;
	s0 =	sand.u32 $0x1, s0;
	s7 =	smul.u32 $0x1A0000, s7  }
0x5: {  	s5 =	rddreg [dreg:$0x0];
	s1 =	sand.u32 $0x6, s1;
	s8 =	smul.u32 $0xD0000, s0  }
0x6: {  	s3 =	rddreg [dreg:$0x1];
	s4 =	smul.u32 $0x1E8480, s4;
	s1 =	sor.u32 s0, s1  }
0x7: {  	s0 =	ssub.s32 $0x2, s0;
	s2 =	smul.u32 $0x1A00, s1;
	s1 =	simm.s32 $0x0  }
0x8: {  	s6 =	sadd.s32 s7, s6;
	s4 =	sadd.s32 s4, s5;
	[smem:$0x7FF] =	sst s1  }
0x9: {  	s19 =	sshrl.u32 s0, $0x1;
	[dreg:$0x14] =	wrdreg s4;
	s2 =	sadd.s32 s2, s5  }
0xa: {  	s7 =	ssub.s32 s0, s19;
	[dreg:$0x13] =	wrdreg s2;
	s2 =	sadd.s32 s8, s6  }
0xb: {  	s7 =	smax.u32 s7, $0x1;
	s20 =	sor.u32 $0x6800, s2;
	s21 =	sshrl.u32 s2, $0x3  }
0xc: {  	s22 =	sor.u32 $0xD000, s2;
	s24 =	sadd.s32 $0x13800, s2;
	s25 =	sadd.s32 $0x1A000, s2  }
0xd: {  	s26 =	sadd.s32 $0x20800, s2;
	s11 =	sadd.s32 $0x27000, s2;
	s12 =	sadd.s32 $0x2D800, s2  }
0xe: {  	s13 =	sadd.s32 $0x34000, s2;
	s15 =	sadd.s32 $0x3A800, s2;
	s16 =	sadd.s32 $0x41000, s2  }
0xf: {  	s17 =	sadd.s32 $0x47800, s2;
	s5 =	sadd.s32 $0x9C000, s2;
	s0 =	sshrl.u32 s20, $0x3  }
0x10: {  	s6 =	sadd.s32 s21, s3;
	s23 =	sshrl.u32 s22, $0x3;
	s4 =	sshrl.u32 s25, $0x3  }
0x11: {  	s10 =	sshrl.u32 s26, $0x3;
	s14 =	sshrl.u32 s13, $0x3;
	s19 =	sshrl.u32 s17, $0x3  }
0x12: {  	s20 =	sadd.s32 $0x4E000, s2;
	s21 =	sadd.s32 $0x54800, s2;
	s22 =	sadd.s32 $0x5B000, s2  }
0x13: {  	s25 =	sadd.s32 $0x68000, s2;
	s26 =	sadd.s32 $0x6E800, s2;
	s8 =	sadd.s32 s0, s3  }
0x14: {  	s0 =	sadd.s32 s23, s3;
	s4 =	sadd.s32 s4, s3;
	s10 =	sadd.s32 s10, s3  }
0x15: {  	s13 =	sadd.s32 s19, s3;
	s23 =	sshrl.u32 s22, $0x3;
	s19 =	sshrl.u32 s26, $0x3  }
0x16: {  	s22 =	sadd.s32 $0x82000, s2;
	s26 =	sadd.s32 $0x95800, s2;
	[dreg:$0x5] =	wrdreg s0  }
0x17: {  	s0 =	sshrl.u32 s24, $0x3;
	[dreg:$0x7] =	wrdreg s4;
	s4 =	sshrl.u32 s12, $0x3  }
0x18: {  	s24 =	sadd.s32 $0x61800, s2;
	s9 =	sadd.s32 s0, s3;
	s0 =	sshrl.u32 s11, $0x3  }
0x19: {  	s11 =	sadd.s32 s4, s3;
	s4 =	sshrl.u32 s16, $0x3;
	s0 =	sadd.s32 s0, s3  }
0x1a: {  	s19 =	sadd.s32 s19, s3;
	s18 =	sadd.s32 s4, s3;
	[dreg:$0x9] =	wrdreg s0  }
0x1b: {  	s16 =	sadd.s32 s23, s3;
	s0 =	sadd.s32 s14, s3;
	[dreg:$0xd] =	wrdreg s18  }
0x1c: {  	s23 =	sshrl.u32 s22, $0x3;
	s4 =	sshrl.u32 s21, $0x3;
	[dreg:$0xb] =	wrdreg s0  }
0x1d: {  	s21 =	sadd.s32 $0x7B800, s2;
	_ =	strace $0x80000047;
	[dreg:$0x11] =	wrdreg s7  }
0x1e: {  	s22 =	sadd.s32 s23, s3;
	s0 =	sshrl.u32 s15, $0x3;
	[dreg:$0x3] =	wrdreg s6  }
0x1f: {  	s15 =	sadd.s32 s4, s3;
	s4 =	sshrl.u32 s25, $0x3;
	[dreg:$0x4] =	wrdreg s8  }
0x20: {  	s25 =	sadd.s32 $0x8F000, s2;
	s12 =	sadd.s32 s0, s3;
	[dreg:$0x6] =	wrdreg s9  }
0x21: {  	s0 =	sshrl.u32 s20, $0x3;
	s18 =	sadd.s32 s4, s3;
	[dreg:$0x8] =	wrdreg s10  }
0x22: {  	s20 =	sadd.s32 $0x75000, s2;
	s4 =	sshrl.u32 s21, $0x3;
	[dreg:$0xa] =	wrdreg s11  }
0x23: {  	[dreg:$0xe] =	wrdreg s13;
	s14 =	sadd.s32 s0, s3;
	s0 =	sshrl.u32 s24, $0x3  }
0x24: {  	s21 =	sadd.s32 s4, s3;
	s17 =	sadd.s32 s0, s3;
	s0 =	sshrl.u32 s20, $0x3  }
0x25: {  	s24 =	sadd.s32 $0x88800, s2;
	s4 =	sshrl.u32 s25, $0x3;
	s20 =	sadd.s32 s0, s3  }
0x26: {  	s0 =	sshrl.u32 s24, $0x3;
	s24 =	sadd.s32 s4, s3;
	s4 =	sshrl.u32 s26, $0x3  }
0x27: {  	s26 =	sadd.s32 $0xA2800, s2;
	s23 =	sadd.s32 s0, s3;
	s25 =	sadd.s32 s4, s3  }
0x28: {  	s0 =	sshrl.u32 s5, $0x3;
	s4 =	sshrl.u32 s26, $0x3;
	s5 =	sadd.s32 $0xA9000, s2  }
0x29: {  	[dreg:$0xc] =	wrdreg s12;
	s28 =	sadd.s32 s4, s3;
	s5 =	sshrl.u32 s5, $0x3  }
0x2a: {  	s4 =	sadd.s32 $0xAF800, s2;
	s29 =	sadd.s32 s5, s3;
	s5 =	sadd.s32 $0xB6000, s2  }
0x2b: {  	s26 =	sadd.s32 s0, s3;
	s0 =	sshrl.u32 s4, $0x3;
	s4 =	sshrl.u32 s5, $0x3  }
0x2c: {  	s5 =	sadd.s32 $0xBC800, s2;
	s30 =	sadd.s32 s0, s3;
	s31 =	sadd.s32 s4, s3  }
0x2d: {  	s4 =	sshrl.u32 s5, $0x3;
	s5 =	sadd.s32 $0xC3000, s2;
	s2 =	sadd.s32 $0xC9800, s2  }
0x2e: {  	s0 =	sadd.s32 s4, s3;
	s4 =	sshrl.u32 s5, $0x3;
	s5 =	sshrl.u32 s2, $0x3  }
0x2f: {  	s2 =	sadd.s32 s4, s3;
	s3 =	sadd.s32 s5, s3;
	s5 =	rddreg [dreg:$0x13]  }
0x30: {  	s4 =	sadd.s32 $0xA00, s5;
	s5 =	rddreg [dreg:$0x14]  }
0x31: {  	[dreg:$0xf] =	wrdreg s4;
	s4 =	sadd.s32 $0x3D09A00, s5  }
0x32: {  	s7 =	simm.s32 $0x0;
	[dreg:$0x10] =	wrdreg s4  }
.LBB2_1:
0x33: {  	[dreg:$0x12] =	wrdreg s7  }
0x34: {  	s4 =	rddreg [dreg:$0xf];
	s9 =	simm.s32 $0x5  }
0x35: {  	[tilespmem:s1], [sflag:$0x5] =	stream.linear.gather [hbm4b:s4+s1], $0xD000, $0x38;
	[tilespmem:$0x1A000] =	vst v63  }
0x36: {  	_ =	swait.ge [sflag:s9], $0xD000  }
0x37: {  	s5 =	simm.s32 $0x680;
	[sflag:s9] =	ssyncset.done $0x0  }
0x38: {  	s11 =	simm.s32 $0xD000;
	s10 =	rddreg [dreg:$0x10];
	[sflag:s9] =	ssyncadd.s32 $0xFFFF3000  }
0x39: {  	[tilespmem:s11], [sflag:$0x1] =	stream.indirect.gather [hbm4b:s10+s5], $0x10, s1, s5, $0xb8;
	[tilespmem:$0x1A000] =	vst v63  }
0x3a: {  	s12 =	simm.s32 $0x13800;
	s13 =	simm.s32 $0x1  }
0x3b: {  	[tilespmem:s12], [sflag:$0x2] =	stream.indirect.gather [hbm4b:s10+s5], $0x10, s5, s5, $0xb8;
	[tilespmem:$0x1A000] =	vst v63  }
0x3c: {  	s7 =	sadd.s32 $0x0, s6;
	_ =	swait.ge [sflag:s13], $0x6800  }
0x3d: {  	s8 =	smov.u32 s6;
	s6 =	simm.s32 $0xD000;
	[sflag:s13] =	ssyncset.done $0x0  }
0x3e: {  	s4 =	simm.s32 $0x34;
	s5 =	simm.s32 $0xD1A0;
	[sflag:s13] =	ssyncadd.s32 $0xFFFF9800  }
.LBB2_2:
0x3f: {  	[hbm4b:s7+s1] =	stream.linear.scatter [tilespmem:s6], [sflag:$0x3], $0x1A0, $0x38;
	[tilespmem:$0x1A000] =	vst v63  }
0x40: {  	s7 =	smov.u32 s4;
	s6 =	smov.u32 s5;
	p0 =	sne.s32 s4, $0xCCC  }
.Ltmp0:
0x41: {  	s4 =	sadd.s32 $0x34, s4;
	(pc) =	sbr.rel @p0 .LBB2_2-.Ltmp0, $2  }
0x42: {  	_ =	sdelay $0x2  }
0x43: {  	s5 =	sadd.s32 $0x1A0, s5;
	s7 =	sadd.s32 s7, s8  }
0x44: {  	[hbm4b:s7+s1] =	stream.linear.scatter [tilespmem:s6], [sflag:$0x3], $0x1A0, $0x38;
	[tilespmem:$0x1A000] =	vst v63  }
0x45: {  	s4 =	simm.s32 $0x3  }
0x46: {  	s5 =	simm.s32 $0x680;
	_ =	swait.ge [sflag:s4], $0x6800  }
0x47: {  	s11 =	simm.s32 $0xD00;
	s12 =	simm.s32 $0xD000;
	[sflag:s4] =	ssyncset.done $0x0  }
0x48: {  	s13 =	simm.s32 $0x2;
	s10 =	rddreg [dreg:$0x10];
	[sflag:s4] =	ssyncadd.s32 $0xFFFF9800  }
0x49: {  	[tilespmem:s12], [sflag:$0x1] =	stream.indirect.gather [hbm4b:s10+s5], $0x10, s11, s5, $0xb8;
	[tilespmem:$0x1A000] =	vst v63  }
0x4a: {  	s6 =	simm.s32 $0x139A0;
	_ =	swait.ge [sflag:s13], $0x6800  }
0x4b: {  	s4 =	simm.s32 $0x13800;
	[sflag:s13] =	ssyncset.done $0x0;
	s8 =	rddreg [dreg:$0x4]  }
0x4c: {  	s5 =	simm.s32 $0x34;
	[sflag:s13] =	ssyncadd.s32 $0xFFFF9800;
	s7 =	sadd.s32 $0x0, s8  }
.LBB2_4:
0x4d: {  	[hbm4b:s7+s1] =	stream.linear.scatter [tilespmem:s4], [sflag:$0x4], $0x1A0, $0x38;
	[tilespmem:$0x1A000] =	vst v63  }
0x4e: {  	s7 =	smov.u32 s5;
	s4 =	smov.u32 s6;
	p0 =	sne.s32 s5, $0xCCC  }
.Ltmp1:
0x4f: {  	s5 =	sadd.s32 $0x34, s5;
	(pc) =	sbr.rel @p0 .LBB2_4-.Ltmp1, $2  }
0x50: {  	_ =	sdelay $0x2  }
0x51: {  	s6 =	sadd.s32 $0x1A0, s6;
	s7 =	sadd.s32 s7, s8  }
0x52: {  	[hbm4b:s7+s1] =	stream.linear.scatter [tilespmem:s4], [sflag:$0x4], $0x1A0, $0x38;
	[tilespmem:$0x1A000] =	vst v63  }
0x53: {  	s10 =	simm.s32 $0x4  }
0x54: {  	s5 =	simm.s32 $0x680;
	_ =	swait.ge [sflag:s10], $0x6800  }
0x55: {  	s6 =	simm.s32 $0x13800;
	s12 =	simm.s32 $0x1380;
	[sflag:s10] =	ssyncset.done $0x0  }
0x56: {  	s13 =	simm.s32 $0x1;
	s11 =	rddreg [dreg:$0x10];
	[sflag:s10] =	ssyncadd.s32 $0xFFFF9800  }
0x57: {  	[tilespmem:s6], [sflag:$0x2] =	stream.indirect.gather [hbm4b:s11+s5], $0x10, s12, s5, $0xb8;
	[tilespmem:$0x1A000] =	vst v63  }
0x58: {  	s4 =	simm.s32 $0xD000;
	_ =	swait.ge [sflag:s13], $0x6800  }
0x59: {  	s5 =	simm.s32 $0x34;
	[sflag:s13] =	ssyncset.done $0x0;
	s9 =	rddreg [dreg:$0x5]  }
0x5a: {  	s6 =	simm.s32 $0xD1A0;
	[sflag:s13] =	ssyncadd.s32 $0xFFFF9800;
	s7 =	sadd.s32 $0x0, s9  }
.LBB2_6:
0x5b: {  	[hbm4b:s7+s1] =	stream.linear.scatter [tilespmem:s4], [sflag:$0x3], $0x1A0, $0x38;
	[tilespmem:$0x1A000] =	vst v63  }
0x5c: {  	s7 =	smov.u32 s5;
	s4 =	smov.u32 s6;
	p0 =	sne.s32 s5, $0xCCC  }
.Ltmp2:
0x5d: {  	s5 =	sadd.s32 $0x34, s5;
	(pc) =	sbr.rel @p0 .LBB2_6-.Ltmp2, $2  }
0x5e: {  	_ =	sdelay $0x2  }
0x5f: {  	s6 =	sadd.s32 $0x1A0, s6;
	s7 =	sadd.s32 s7, s9  }
0x60: {  	[hbm4b:s7+s1] =	stream.linear.scatter [tilespmem:s4], [sflag:$0x3], $0x1A0, $0x38;
	[tilespmem:$0x1A000] =	vst v63  }
0x61: {  	s10 =	simm.s32 $0x3  }
0x62: {  	s5 =	simm.s32 $0x680;
	_ =	swait.ge [sflag:s10], $0x6800  }
0x63: {  	s6 =	simm.s32 $0xD000;
	s12 =	simm.s32 $0x1A00;
	[sflag:s10] =	ssyncset.done $0x0  }
0x64: {  	s13 =	simm.s32 $0x2;
	s11 =	rddreg [dreg:$0x10];
	[sflag:s10] =	ssyncadd.s32 $0xFFFF9800  }
0x65: {  	[tilespmem:s6], [sflag:$0x1] =	stream.indirect.gather [hbm4b:s11+s5], $0x10, s12, s5, $0xb8;
	[tilespmem:$0x1A000] =	vst v63  }
0x66: {  	s4 =	simm.s32 $0x13800;
	_ =	swait.ge [sflag:s13], $0x6800  }
0x67: {  	s5 =	simm.s32 $0x34;
	[sflag:s13] =	ssyncset.done $0x0;
	s9 =	rddreg [dreg:$0x6]  }
0x68: {  	s6 =	simm.s32 $0x139A0;
	[sflag:s13] =	ssyncadd.s32 $0xFFFF9800;
	s7 =	sadd.s32 $0x0, s9  }
.LBB2_8:
0x69: {  	[hbm4b:s7+s1] =	stream.linear.scatter [tilespmem:s4], [sflag:$0x4], $0x1A0, $0x38;
	[tilespmem:$0x1A000] =	vst v63  }
0x6a: {  	s7 =	smov.u32 s5;
	s4 =	smov.u32 s6;
	p0 =	sne.s32 s5, $0xCCC  }
.Ltmp3:
0x6b: {  	s5 =	sadd.s32 $0x34, s5;
	(pc) =	sbr.rel @p0 .LBB2_8-.Ltmp3, $2  }
0x6c: {  	_ =	sdelay $0x2  }
0x6d: {  	s6 =	sadd.s32 $0x1A0, s6;
	s7 =	sadd.s32 s7, s9  }
0x6e: {  	[hbm4b:s7+s1] =	stream.linear.scatter [tilespmem:s4], [sflag:$0x4], $0x1A0, $0x38;
	[tilespmem:$0x1A000] =	vst v63  }
0x6f: {  	s10 =	simm.s32 $0x4  }
0x70: {  	s5 =	simm.s32 $0x680;
	_ =	swait.ge [sflag:s10], $0x6800  }
0x71: {  	s6 =	simm.s32 $0x13800;
	s12 =	simm.s32 $0x2080;
	[sflag:s10] =	ssyncset.done $0x0  }
0x72: {  	s13 =	simm.s32 $0x1;
	s11 =	rddreg [dreg:$0x10];
	[sflag:s10] =	ssyncadd.s32 $0xFFFF9800  }
0x73: {  	[tilespmem:s6], [sflag:$0x2] =	stream.indirect.gather [hbm4b:s11+s5], $0x10, s12, s5, $0xb8;
	[tilespmem:$0x1A000] =	vst v63  }
0x74: {  	s4 =	simm.s32 $0xD000;
	_ =	swait.ge [sflag:s13], $0x6800  }
0x75: {  	s5 =	simm.s32 $0x34;
	[sflag:s13] =	ssyncset.done $0x0;
	s10 =	rddreg [dreg:$0x7]  }
0x76: {  	s6 =	simm.s32 $0xD1A0;
	[sflag:s13] =	ssyncadd.s32 $0xFFFF9800;
	s7 =	sadd.s32 $0x0, s10  }
.LBB2_10:
0x77: {  	[hbm4b:s7+s1] =	stream.linear.scatter [tilespmem:s4], [sflag:$0x3], $0x1A0, $0x38;
	[tilespmem:$0x1A000] =	vst v63  }
0x78: {  	s7 =	smov.u32 s5;
	s4 =	smov.u32 s6;
	p0 =	sne.s32 s5, $0xCCC  }
.Ltmp4:
0x79: {  	s5 =	sadd.s32 $0x34, s5;
	(pc) =	sbr.rel @p0 .LBB2_10-.Ltmp4, $2  }
0x7a: {  	_ =	sdelay $0x2  }
0x7b: {  	s6 =	sadd.s32 $0x1A0, s6;
	s7 =	sadd.s32 s7, s10  }
0x7c: {  	[hbm4b:s7+s1] =	stream.linear.scatter [tilespmem:s4], [sflag:$0x3], $0x1A0, $0x38;
	[tilespmem:$0x1A000] =	vst v63  }
0x7d: {  	s10 =	simm.s32 $0x3  }
0x7e: {  	s5 =	simm.s32 $0x680;
	_ =	swait.ge [sflag:s10], $0x6800  }
0x7f: {  	s6 =	simm.s32 $0xD000;
	s12 =	simm.s32 $0x2700;
	[sflag:s10] =	ssyncset.done $0x0  }
0x80: {  	s13 =	simm.s32 $0x2;
	s11 =	rddreg [dreg:$0x10];
	[sflag:s10] =	ssyncadd.s32 $0xFFFF9800  }
0x81: {  	[tilespmem:s6], [sflag:$0x1] =	stream.indirect.gather [hbm4b:s11+s5], $0x10, s12, s5, $0xb8;
	[tilespmem:$0x1A000] =	vst v63  }
0x82: {  	s4 =	simm.s32 $0x13800;
	_ =	swait.ge [sflag:s13], $0x6800  }
0x83: {  	s5 =	simm.s32 $0x34;
	[sflag:s13] =	ssyncset.done $0x0;
	s10 =	rddreg [dreg:$0x8]  }
0x84: {  	s6 =	simm.s32 $0x139A0;
	[sflag:s13] =	ssyncadd.s32 $0xFFFF9800;
	s7 =	sadd.s32 $0x0, s10  }
.LBB2_12:
0x85: {  	[hbm4b:s7+s1] =	stream.linear.scatter [tilespmem:s4], [sflag:$0x4], $0x1A0, $0x38;
	[tilespmem:$0x1A000] =	vst v63  }
0x86: {  	s7 =	smov.u32 s5;
	s4 =	smov.u32 s6;
	p0 =	sne.s32 s5, $0xCCC  }
.Ltmp5:
0x87: {  	s5 =	sadd.s32 $0x34, s5;
	(pc) =	sbr.rel @p0 .LBB2_12-.Ltmp5, $2  }
0x88: {  	_ =	sdelay $0x2  }
0x89: {  	s6 =	sadd.s32 $0x1A0, s6;
	s7 =	sadd.s32 s7, s10  }
0x8a: {  	[hbm4b:s7+s1] =	stream.linear.scatter [tilespmem:s4], [sflag:$0x4], $0x1A0, $0x38;
	[tilespmem:$0x1A000] =	vst v63  }
0x8b: {  	s10 =	simm.s32 $0x4  }
0x8c: {  	s5 =	simm.s32 $0x680;
	_ =	swait.ge [sflag:s10], $0x6800  }
0x8d: {  	s6 =	simm.s32 $0x13800;
	s12 =	simm.s32 $0x2D80;
	[sflag:s10] =	ssyncset.done $0x0  }
0x8e: {  	s13 =	simm.s32 $0x1;
	s11 =	rddreg [dreg:$0x10];
	[sflag:s10] =	ssyncadd.s32 $0xFFFF9800  }
0x8f: {  	[tilespmem:s6], [sflag:$0x2] =	stream.indirect.gather [hbm4b:s11+s5], $0x10, s12, s5, $0xb8;
	[tilespmem:$0x1A000] =	vst v63  }
0x90: {  	s4 =	simm.s32 $0xD000;
	_ =	swait.ge [sflag:s13], $0x6800  }
0x91: {  	s5 =	simm.s32 $0x34;
	[sflag:s13] =	ssyncset.done $0x0;
	s11 =	rddreg [dreg:$0x9]  }
0x92: {  	s6 =	simm.s32 $0xD1A0;
	[sflag:s13] =	ssyncadd.s32 $0xFFFF9800;
	s7 =	sadd.s32 $0x0, s11  }
.LBB2_14:
0x93: {  	[hbm4b:s7+s1] =	stream.linear.scatter [tilespmem:s4], [sflag:$0x3], $0x1A0, $0x38;
	[tilespmem:$0x1A000] =	vst v63  }
0x94: {  	s7 =	smov.u32 s5;
	s4 =	smov.u32 s6;
	p0 =	sne.s32 s5, $0xCCC  }
.Ltmp6:
0x95: {  	s5 =	sadd.s32 $0x34, s5;
	(pc) =	sbr.rel @p0 .LBB2_14-.Ltmp6, $2  }
0x96: {  	_ =	sdelay $0x2  }
0x97: {  	s6 =	sadd.s32 $0x1A0, s6;
	s7 =	sadd.s32 s7, s11  }
0x98: {  	[hbm4b:s7+s1] =	stream.linear.scatter [tilespmem:s4], [sflag:$0x3], $0x1A0, $0x38;
	[tilespmem:$0x1A000] =	vst v63  }
0x99: {  	s10 =	simm.s32 $0x3  }
0x9a: {  	s5 =	simm.s32 $0x680;
	_ =	swait.ge [sflag:s10], $0x6800  }
0x9b: {  	s6 =	simm.s32 $0xD000;
	s12 =	simm.s32 $0x3400;
	[sflag:s10] =	ssyncset.done $0x0  }
0x9c: {  	s13 =	simm.s32 $0x2;
	s11 =	rddreg [dreg:$0x10];
	[sflag:s10] =	ssyncadd.s32 $0xFFFF9800  }
0x9d: {  	[tilespmem:s6], [sflag:$0x1] =	stream.indirect.gather [hbm4b:s11+s5], $0x10, s12, s5, $0xb8;
	[tilespmem:$0x1A000] =	vst v63  }
0x9e: {  	s4 =	simm.s32 $0x13800;
	_ =	swait.ge [sflag:s13], $0x6800  }
0x9f: {  	s5 =	simm.s32 $0x34;
	[sflag:s13] =	ssyncset.done $0x0;
	s11 =	rddreg [dreg:$0xa]  }
0xa0: {  	s6 =	simm.s32 $0x139A0;
	[sflag:s13] =	ssyncadd.s32 $0xFFFF9800;
	s7 =	sadd.s32 $0x0, s11  }
.LBB2_16:
0xa1: {  	[hbm4b:s7+s1] =	stream.linear.scatter [tilespmem:s4], [sflag:$0x4], $0x1A0, $0x38;
	[tilespmem:$0x1A000] =	vst v63  }
0xa2: {  	s7 =	smov.u32 s5;
	s4 =	smov.u32 s6;
	p0 =	sne.s32 s5, $0xCCC  }
.Ltmp7:
0xa3: {  	s5 =	sadd.s32 $0x34, s5;
	(pc) =	sbr.rel @p0 .LBB2_16-.Ltmp7, $2  }
0xa4: {  	_ =	sdelay $0x2  }
0xa5: {  	s6 =	sadd.s32 $0x1A0, s6;
	s7 =	sadd.s32 s7, s11  }
0xa6: {  	[hbm4b:s7+s1] =	stream.linear.scatter [tilespmem:s4], [sflag:$0x4], $0x1A0, $0x38;
	[tilespmem:$0x1A000] =	vst v63  }
0xa7: {  	s10 =	simm.s32 $0x4  }
0xa8: {  	s5 =	simm.s32 $0x680;
	_ =	swait.ge [sflag:s10], $0x6800  }
0xa9: {  	s6 =	simm.s32 $0x13800;
	s12 =	simm.s32 $0x3A80;
	[sflag:s10] =	ssyncset.done $0x0  }
0xaa: {  	s13 =	simm.s32 $0x1;
	s11 =	rddreg [dreg:$0x10];
	[sflag:s10] =	ssyncadd.s32 $0xFFFF9800  }
0xab: {  	[tilespmem:s6], [sflag:$0x2] =	stream.indirect.gather [hbm4b:s11+s5], $0x10, s12, s5, $0xb8;
	[tilespmem:$0x1A000] =	vst v63  }
0xac: {  	s4 =	simm.s32 $0xD000;
	_ =	swait.ge [sflag:s13], $0x6800  }
0xad: {  	s5 =	simm.s32 $0x34;
	[sflag:s13] =	ssyncset.done $0x0;
	s12 =	rddreg [dreg:$0xb]  }
0xae: {  	s6 =	simm.s32 $0xD1A0;
	[sflag:s13] =	ssyncadd.s32 $0xFFFF9800;
	s7 =	sadd.s32 $0x0, s12  }
.LBB2_18:
0xaf: {  	[hbm4b:s7+s1] =	stream.linear.scatter [tilespmem:s4], [sflag:$0x3], $0x1A0, $0x38;
	[tilespmem:$0x1A000] =	vst v63  }
0xb0: {  	s7 =	smov.u32 s5;
	s4 =	smov.u32 s6;
	p0 =	sne.s32 s5, $0xCCC  }
.Ltmp8:
0xb1: {  	s5 =	sadd.s32 $0x34, s5;
	(pc) =	sbr.rel @p0 .LBB2_18-.Ltmp8, $2  }
0xb2: {  	_ =	sdelay $0x2  }
0xb3: {  	s6 =	sadd.s32 $0x1A0, s6;
	s7 =	sadd.s32 s7, s12  }
0xb4: {  	[hbm4b:s7+s1] =	stream.linear.scatter [tilespmem:s4], [sflag:$0x3], $0x1A0, $0x38;
	[tilespmem:$0x1A000] =	vst v63  }
0xb5: {  	s10 =	simm.s32 $0x3  }
0xb6: {  	s5 =	simm.s32 $0x680;
	_ =	swait.ge [sflag:s10], $0x6800  }
0xb7: {  	s6 =	simm.s32 $0xD000;
	s12 =	simm.s32 $0x4100;
	[sflag:s10] =	ssyncset.done $0x0  }
0xb8: {  	s13 =	simm.s32 $0x2;
	s11 =	rddreg [dreg:$0x10];
	[sflag:s10] =	ssyncadd.s32 $0xFFFF9800  }
0xb9: {  	[tilespmem:s6], [sflag:$0x1] =	stream.indirect.gather [hbm4b:s11+s5], $0x10, s12, s5, $0xb8;
	[tilespmem:$0x1A000] =	vst v63  }
0xba: {  	s4 =	simm.s32 $0x13800;
	_ =	swait.ge [sflag:s13], $0x6800  }
0xbb: {  	s5 =	simm.s32 $0x34;
	[sflag:s13] =	ssyncset.done $0x0;
	s12 =	rddreg [dreg:$0xc]  }
0xbc: {  	s6 =	simm.s32 $0x139A0;
	[sflag:s13] =	ssyncadd.s32 $0xFFFF9800;
	s7 =	sadd.s32 $0x0, s12  }
.LBB2_20:
0xbd: {  	[hbm4b:s7+s1] =	stream.linear.scatter [tilespmem:s4], [sflag:$0x4], $0x1A0, $0x38;
	[tilespmem:$0x1A000] =	vst v63  }
0xbe: {  	s7 =	smov.u32 s5;
	s4 =	smov.u32 s6;
	p0 =	sne.s32 s5, $0xCCC  }
.Ltmp9:
0xbf: {  	s5 =	sadd.s32 $0x34, s5;
	(pc) =	sbr.rel @p0 .LBB2_20-.Ltmp9, $2  }
0xc0: {  	_ =	sdelay $0x2  }
0xc1: {  	s6 =	sadd.s32 $0x1A0, s6;
	s7 =	sadd.s32 s7, s12  }
0xc2: {  	[hbm4b:s7+s1] =	stream.linear.scatter [tilespmem:s4], [sflag:$0x4], $0x1A0, $0x38;
	[tilespmem:$0x1A000] =	vst v63  }
0xc3: {  	s10 =	simm.s32 $0x4  }
0xc4: {  	s5 =	simm.s32 $0x680;
	_ =	swait.ge [sflag:s10], $0x6800  }
0xc5: {  	s6 =	simm.s32 $0x13800;
	s12 =	simm.s32 $0x4780;
	[sflag:s10] =	ssyncset.done $0x0  }
0xc6: {  	s13 =	simm.s32 $0x1;
	s11 =	rddreg [dreg:$0x10];
	[sflag:s10] =	ssyncadd.s32 $0xFFFF9800  }
0xc7: {  	[tilespmem:s6], [sflag:$0x2] =	stream.indirect.gather [hbm4b:s11+s5], $0x10, s12, s5, $0xb8;
	[tilespmem:$0x1A000] =	vst v63  }
0xc8: {  	_ =	swait.ge [sflag:s13], $0x6800  }
0xc9: {  	[sflag:s13] =	ssyncset.done $0x0  }
0xca: {  	s4 =	simm.s32 $0xD000;
	[sflag:s13] =	ssyncadd.s32 $0xFFFF9800;
	s13 =	rddreg [dreg:$0xd]  }
0xcb: {  	s5 =	simm.s32 $0x34;
	s6 =	simm.s32 $0xD1A0;
	s7 =	sadd.s32 $0x0, s13  }
.LBB2_22:
0xcc: {  	[hbm4b:s7+s1] =	stream.linear.scatter [tilespmem:s4], [sflag:$0x3], $0x1A0, $0x38;
	[tilespmem:$0x1A000] =	vst v63  }
0xcd: {  	s7 =	smov.u32 s5;
	s4 =	smov.u32 s6;
	p0 =	sne.s32 s5, $0xCCC  }
.Ltmp10:
0xce: {  	s5 =	sadd.s32 $0x34, s5;
	(pc) =	sbr.rel @p0 .LBB2_22-.Ltmp10, $2  }
0xcf: {  	_ =	sdelay $0x2  }
0xd0: {  	s6 =	sadd.s32 $0x1A0, s6;
	s7 =	sadd.s32 s7, s13  }
0xd1: {  	[hbm4b:s7+s1] =	stream.linear.scatter [tilespmem:s4], [sflag:$0x3], $0x1A0, $0x38;
	[tilespmem:$0x1A000] =	vst v63  }
0xd2: {  	s10 =	simm.s32 $0x3  }
0xd3: {  	s5 =	simm.s32 $0x680;
	_ =	swait.ge [sflag:s10], $0x6800  }
0xd4: {  	s6 =	simm.s32 $0xD000;
	s12 =	simm.s32 $0x4E00;
	[sflag:s10] =	ssyncset.done $0x0  }
0xd5: {  	s13 =	simm.s32 $0x2;
	s11 =	rddreg [dreg:$0x10];
	[sflag:s10] =	ssyncadd.s32 $0xFFFF9800  }
0xd6: {  	[tilespmem:s6], [sflag:$0x1] =	stream.indirect.gather [hbm4b:s11+s5], $0x10, s12, s5, $0xb8;
	[tilespmem:$0x1A000] =	vst v63  }
0xd7: {  	_ =	swait.ge [sflag:s13], $0x6800  }
0xd8: {  	[sflag:s13] =	ssyncset.done $0x0  }
0xd9: {  	s4 =	simm.s32 $0x13800;
	[sflag:s13] =	ssyncadd.s32 $0xFFFF9800;
	s13 =	rddreg [dreg:$0xe]  }
0xda: {  	s5 =	simm.s32 $0x34;
	s6 =	simm.s32 $0x139A0;
	s7 =	sadd.s32 $0x0, s13  }
.LBB2_24:
0xdb: {  	[hbm4b:s7+s1] =	stream.linear.scatter [tilespmem:s4], [sflag:$0x4], $0x1A0, $0x38;
	[tilespmem:$0x1A000] =	vst v63  }
0xdc: {  	s7 =	smov.u32 s5;
	s4 =	smov.u32 s6;
	p0 =	sne.s32 s5, $0xCCC  }
.Ltmp11:
0xdd: {  	s5 =	sadd.s32 $0x34, s5;
	(pc) =	sbr.rel @p0 .LBB2_24-.Ltmp11, $2  }
0xde: {  	_ =	sdelay $0x2  }
0xdf: {  	s6 =	sadd.s32 $0x1A0, s6;
	s7 =	sadd.s32 s7, s13  }
0xe0: {  	[hbm4b:s7+s1] =	stream.linear.scatter [tilespmem:s4], [sflag:$0x4], $0x1A0, $0x38;
	[tilespmem:$0x1A000] =	vst v63  }
0xe1: {  	s10 =	simm.s32 $0x4  }
0xe2: {  	s5 =	simm.s32 $0x680;
	_ =	swait.ge [sflag:s10], $0x6800  }
0xe3: {  	s6 =	simm.s32 $0x13800;
	s12 =	simm.s32 $0x5480;
	[sflag:s10] =	ssyncset.done $0x0  }
0xe4: {  	s13 =	simm.s32 $0x1;
	s11 =	rddreg [dreg:$0x10];
	[sflag:s10] =	ssyncadd.s32 $0xFFFF9800  }
0xe5: {  	[tilespmem:s6], [sflag:$0x2] =	stream.indirect.gather [hbm4b:s11+s5], $0x10, s12, s5, $0xb8;
	[tilespmem:$0x1A000] =	vst v63  }
0xe6: {  	_ =	swait.ge [sflag:s13], $0x6800  }
0xe7: {  	s4 =	simm.s32 $0xD000;
	s7 =	sadd.s32 $0x0, s14;
	[sflag:s13] =	ssyncset.done $0x0  }
0xe8: {  	s5 =	simm.s32 $0x34;
	s6 =	simm.s32 $0xD1A0;
	[sflag:s13] =	ssyncadd.s32 $0xFFFF9800  }
.LBB2_26:
0xe9: {  	[hbm4b:s7+s1] =	stream.linear.scatter [tilespmem:s4], [sflag:$0x3], $0x1A0, $0x38;
	[tilespmem:$0x1A000] =	vst v63  }
0xea: {  	s7 =	smov.u32 s5;
	s4 =	smov.u32 s6;
	p0 =	sne.s32 s5, $0xCCC  }
.Ltmp12:
0xeb: {  	s5 =	sadd.s32 $0x34, s5;
	(pc) =	sbr.rel @p0 .LBB2_26-.Ltmp12, $2  }
0xec: {  	_ =	sdelay $0x2  }
0xed: {  	s6 =	sadd.s32 $0x1A0, s6;
	s7 =	sadd.s32 s7, s14  }
0xee: {  	[hbm4b:s7+s1] =	stream.linear.scatter [tilespmem:s4], [sflag:$0x3], $0x1A0, $0x38;
	[tilespmem:$0x1A000] =	vst v63  }
0xef: {  	s10 =	simm.s32 $0x3  }
0xf0: {  	s5 =	simm.s32 $0x680;
	_ =	swait.ge [sflag:s10], $0x6800  }
0xf1: {  	s6 =	simm.s32 $0xD000;
	s12 =	simm.s32 $0x5B00;
	[sflag:s10] =	ssyncset.done $0x0  }
0xf2: {  	s13 =	simm.s32 $0x2;
	s11 =	rddreg [dreg:$0x10];
	[sflag:s10] =	ssyncadd.s32 $0xFFFF9800  }
0xf3: {  	[tilespmem:s6], [sflag:$0x1] =	stream.indirect.gather [hbm4b:s11+s5], $0x10, s12, s5, $0xb8;
	[tilespmem:$0x1A000] =	vst v63  }
0xf4: {  	_ =	swait.ge [sflag:s13], $0x6800  }
0xf5: {  	s4 =	simm.s32 $0x13800;
	s7 =	sadd.s32 $0x0, s15;
	[sflag:s13] =	ssyncset.done $0x0  }
0xf6: {  	s5 =	simm.s32 $0x34;
	s6 =	simm.s32 $0x139A0;
	[sflag:s13] =	ssyncadd.s32 $0xFFFF9800  }
.LBB2_28:
0xf7: {  	[hbm4b:s7+s1] =	stream.linear.scatter [tilespmem:s4], [sflag:$0x4], $0x1A0, $0x38;
	[tilespmem:$0x1A000] =	vst v63  }
0xf8: {  	s7 =	smov.u32 s5;
	s4 =	smov.u32 s6;
	p0 =	sne.s32 s5, $0xCCC  }
.Ltmp13:
0xf9: {  	s5 =	sadd.s32 $0x34, s5;
	(pc) =	sbr.rel @p0 .LBB2_28-.Ltmp13, $2  }
0xfa: {  	_ =	sdelay $0x2  }
0xfb: {  	s6 =	sadd.s32 $0x1A0, s6;
	s7 =	sadd.s32 s7, s15  }
0xfc: {  	[hbm4b:s7+s1] =	stream.linear.scatter [tilespmem:s4], [sflag:$0x4], $0x1A0, $0x38;
	[tilespmem:$0x1A000] =	vst v63  }
0xfd: {  	s10 =	simm.s32 $0x4  }
0xfe: {  	s5 =	simm.s32 $0x680;
	_ =	swait.ge [sflag:s10], $0x6800  }
0xff: {  	s6 =	simm.s32 $0x13800;
	s12 =	simm.s32 $0x6180;
	[sflag:s10] =	ssyncset.done $0x0  }
0x100: {  	s13 =	simm.s32 $0x1;
	s11 =	rddreg [dreg:$0x10];
	[sflag:s10] =	ssyncadd.s32 $0xFFFF9800  }
0x101: {  	[tilespmem:s6], [sflag:$0x2] =	stream.indirect.gather [hbm4b:s11+s5], $0x10, s12, s5, $0xb8;
	[tilespmem:$0x1A000] =	vst v63  }
0x102: {  	_ =	swait.ge [sflag:s13], $0x6800  }
0x103: {  	s4 =	simm.s32 $0xD000;
	s7 =	sadd.s32 $0x0, s16;
	[sflag:s13] =	ssyncset.done $0x0  }
0x104: {  	s5 =	simm.s32 $0x34;
	s6 =	simm.s32 $0xD1A0;
	[sflag:s13] =	ssyncadd.s32 $0xFFFF9800  }
.LBB2_30:
0x105: {  	[hbm4b:s7+s1] =	stream.linear.scatter [tilespmem:s4], [sflag:$0x3], $0x1A0, $0x38;
	[tilespmem:$0x1A000] =	vst v63  }
0x106: {  	s7 =	smov.u32 s5;
	s4 =	smov.u32 s6;
	p0 =	sne.s32 s5, $0xCCC  }
.Ltmp14:
0x107: {  	s5 =	sadd.s32 $0x34, s5;
	(pc) =	sbr.rel @p0 .LBB2_30-.Ltmp14, $2  }
0x108: {  	_ =	sdelay $0x2  }
0x109: {  	s6 =	sadd.s32 $0x1A0, s6;
	s7 =	sadd.s32 s7, s16  }
0x10a: {  	[hbm4b:s7+s1] =	stream.linear.scatter [tilespmem:s4], [sflag:$0x3], $0x1A0, $0x38;
	[tilespmem:$0x1A000] =	vst v63  }
0x10b: {  	s10 =	simm.s32 $0x3  }
0x10c: {  	s5 =	simm.s32 $0x680;
	_ =	swait.ge [sflag:s10], $0x6800  }
0x10d: {  	s6 =	simm.s32 $0xD000;
	s12 =	simm.s32 $0x6800;
	[sflag:s10] =	ssyncset.done $0x0  }
0x10e: {  	s13 =	simm.s32 $0x2;
	s11 =	rddreg [dreg:$0x10];
	[sflag:s10] =	ssyncadd.s32 $0xFFFF9800  }
0x10f: {  	[tilespmem:s6], [sflag:$0x1] =	stream.indirect.gather [hbm4b:s11+s5], $0x10, s12, s5, $0xb8;
	[tilespmem:$0x1A000] =	vst v63  }
0x110: {  	_ =	swait.ge [sflag:s13], $0x6800  }
0x111: {  	s4 =	simm.s32 $0x13800;
	s7 =	sadd.s32 $0x0, s17;
	[sflag:s13] =	ssyncset.done $0x0  }
0x112: {  	s5 =	simm.s32 $0x34;
	s6 =	simm.s32 $0x139A0;
	[sflag:s13] =	ssyncadd.s32 $0xFFFF9800  }
.LBB2_32:
0x113: {  	[hbm4b:s7+s1] =	stream.linear.scatter [tilespmem:s4], [sflag:$0x4], $0x1A0, $0x38;
	[tilespmem:$0x1A000] =	vst v63  }
0x114: {  	s7 =	smov.u32 s5;
	s4 =	smov.u32 s6;
	p0 =	sne.s32 s5, $0xCCC  }
.Ltmp15:
0x115: {  	s5 =	sadd.s32 $0x34, s5;
	(pc) =	sbr.rel @p0 .LBB2_32-.Ltmp15, $2  }
0x116: {  	_ =	sdelay $0x2  }
0x117: {  	s6 =	sadd.s32 $0x1A0, s6;
	s7 =	sadd.s32 s7, s17  }
0x118: {  	[hbm4b:s7+s1] =	stream.linear.scatter [tilespmem:s4], [sflag:$0x4], $0x1A0, $0x38;
	[tilespmem:$0x1A000] =	vst v63  }
0x119: {  	s10 =	simm.s32 $0x4  }
0x11a: {  	s5 =	simm.s32 $0x680;
	_ =	swait.ge [sflag:s10], $0x6800  }
0x11b: {  	s6 =	simm.s32 $0x13800;
	s12 =	simm.s32 $0x6E80;
	[sflag:s10] =	ssyncset.done $0x0  }
0x11c: {  	s13 =	simm.s32 $0x1;
	s11 =	rddreg [dreg:$0x10];
	[sflag:s10] =	ssyncadd.s32 $0xFFFF9800  }
0x11d: {  	[tilespmem:s6], [sflag:$0x2] =	stream.indirect.gather [hbm4b:s11+s5], $0x10, s12, s5, $0xb8;
	[tilespmem:$0x1A000] =	vst v63  }
0x11e: {  	_ =	swait.ge [sflag:s13], $0x6800  }
0x11f: {  	s4 =	simm.s32 $0xD000;
	s7 =	sadd.s32 $0x0, s18;
	[sflag:s13] =	ssyncset.done $0x0  }
0x120: {  	s5 =	simm.s32 $0x34;
	s6 =	simm.s32 $0xD1A0;
	[sflag:s13] =	ssyncadd.s32 $0xFFFF9800  }
.LBB2_34:
0x121: {  	[hbm4b:s7+s1] =	stream.linear.scatter [tilespmem:s4], [sflag:$0x3], $0x1A0, $0x38;
	[tilespmem:$0x1A000] =	vst v63  }
0x122: {  	s7 =	smov.u32 s5;
	s4 =	smov.u32 s6;
	p0 =	sne.s32 s5, $0xCCC  }
.Ltmp16:
0x123: {  	s5 =	sadd.s32 $0x34, s5;
	(pc) =	sbr.rel @p0 .LBB2_34-.Ltmp16, $2  }
0x124: {  	_ =	sdelay $0x2  }
0x125: {  	s6 =	sadd.s32 $0x1A0, s6;
	s7 =	sadd.s32 s7, s18  }
0x126: {  	[hbm4b:s7+s1] =	stream.linear.scatter [tilespmem:s4], [sflag:$0x3], $0x1A0, $0x38;
	[tilespmem:$0x1A000] =	vst v63  }
0x127: {  	s10 =	simm.s32 $0x3  }
0x128: {  	s5 =	simm.s32 $0x680;
	_ =	swait.ge [sflag:s10], $0x6800  }
0x129: {  	s6 =	simm.s32 $0xD000;
	s12 =	simm.s32 $0x7500;
	[sflag:s10] =	ssyncset.done $0x0  }
0x12a: {  	s13 =	simm.s32 $0x2;
	s11 =	rddreg [dreg:$0x10];
	[sflag:s10] =	ssyncadd.s32 $0xFFFF9800  }
0x12b: {  	[tilespmem:s6], [sflag:$0x1] =	stream.indirect.gather [hbm4b:s11+s5], $0x10, s12, s5, $0xb8;
	[tilespmem:$0x1A000] =	vst v63  }
0x12c: {  	_ =	swait.ge [sflag:s13], $0x6800  }
0x12d: {  	s4 =	simm.s32 $0x13800;
	s7 =	sadd.s32 $0x0, s19;
	[sflag:s13] =	ssyncset.done $0x0  }
0x12e: {  	s5 =	simm.s32 $0x34;
	s6 =	simm.s32 $0x139A0;
	[sflag:s13] =	ssyncadd.s32 $0xFFFF9800  }
.LBB2_36:
0x12f: {  	[hbm4b:s7+s1] =	stream.linear.scatter [tilespmem:s4], [sflag:$0x4], $0x1A0, $0x38;
	[tilespmem:$0x1A000] =	vst v63  }
0x130: {  	s7 =	smov.u32 s5;
	s4 =	smov.u32 s6;
	p0 =	sne.s32 s5, $0xCCC  }
.Ltmp17:
0x131: {  	s5 =	sadd.s32 $0x34, s5;
	(pc) =	sbr.rel @p0 .LBB2_36-.Ltmp17, $2  }
0x132: {  	_ =	sdelay $0x2  }
0x133: {  	s6 =	sadd.s32 $0x1A0, s6;
	s7 =	sadd.s32 s7, s19  }
0x134: {  	[hbm4b:s7+s1] =	stream.linear.scatter [tilespmem:s4], [sflag:$0x4], $0x1A0, $0x38;
	[tilespmem:$0x1A000] =	vst v63  }
0x135: {  	s10 =	simm.s32 $0x4  }
0x136: {  	s5 =	simm.s32 $0x680;
	_ =	swait.ge [sflag:s10], $0x6800  }
0x137: {  	s6 =	simm.s32 $0x13800;
	s12 =	simm.s32 $0x7B80;
	[sflag:s10] =	ssyncset.done $0x0  }
0x138: {  	s13 =	simm.s32 $0x1;
	s11 =	rddreg [dreg:$0x10];
	[sflag:s10] =	ssyncadd.s32 $0xFFFF9800  }
0x139: {  	[tilespmem:s6], [sflag:$0x2] =	stream.indirect.gather [hbm4b:s11+s5], $0x10, s12, s5, $0xb8;
	[tilespmem:$0x1A000] =	vst v63  }
0x13a: {  	_ =	swait.ge [sflag:s13], $0x6800  }
0x13b: {  	s4 =	simm.s32 $0xD000;
	s7 =	sadd.s32 $0x0, s20;
	[sflag:s13] =	ssyncset.done $0x0  }
0x13c: {  	s5 =	simm.s32 $0x34;
	s6 =	simm.s32 $0xD1A0;
	[sflag:s13] =	ssyncadd.s32 $0xFFFF9800  }
.LBB2_38:
0x13d: {  	[hbm4b:s7+s1] =	stream.linear.scatter [tilespmem:s4], [sflag:$0x3], $0x1A0, $0x38;
	[tilespmem:$0x1A000] =	vst v63  }
0x13e: {  	s7 =	smov.u32 s5;
	s4 =	smov.u32 s6;
	p0 =	sne.s32 s5, $0xCCC  }
.Ltmp18:
0x13f: {  	s5 =	sadd.s32 $0x34, s5;
	(pc) =	sbr.rel @p0 .LBB2_38-.Ltmp18, $2  }
0x140: {  	_ =	sdelay $0x2  }
0x141: {  	s6 =	sadd.s32 $0x1A0, s6;
	s7 =	sadd.s32 s7, s20  }
0x142: {  	[hbm4b:s7+s1] =	stream.linear.scatter [tilespmem:s4], [sflag:$0x3], $0x1A0, $0x38;
	[tilespmem:$0x1A000] =	vst v63  }
0x143: {  	s10 =	simm.s32 $0x3  }
0x144: {  	s5 =	simm.s32 $0x680;
	_ =	swait.ge [sflag:s10], $0x6800  }
0x145: {  	s6 =	simm.s32 $0xD000;
	s12 =	simm.s32 $0x8200;
	[sflag:s10] =	ssyncset.done $0x0  }
0x146: {  	s13 =	simm.s32 $0x2;
	s11 =	rddreg [dreg:$0x10];
	[sflag:s10] =	ssyncadd.s32 $0xFFFF9800  }
0x147: {  	[tilespmem:s6], [sflag:$0x1] =	stream.indirect.gather [hbm4b:s11+s5], $0x10, s12, s5, $0xb8;
	[tilespmem:$0x1A000] =	vst v63  }
0x148: {  	_ =	swait.ge [sflag:s13], $0x6800  }
0x149: {  	s4 =	simm.s32 $0x13800;
	s7 =	sadd.s32 $0x0, s21;
	[sflag:s13] =	ssyncset.done $0x0  }
0x14a: {  	s5 =	simm.s32 $0x34;
	s6 =	simm.s32 $0x139A0;
	[sflag:s13] =	ssyncadd.s32 $0xFFFF9800  }
.LBB2_40:
0x14b: {  	[hbm4b:s7+s1] =	stream.linear.scatter [tilespmem:s4], [sflag:$0x4], $0x1A0, $0x38;
	[tilespmem:$0x1A000] =	vst v63  }
0x14c: {  	s7 =	smov.u32 s5;
	s4 =	smov.u32 s6;
	p0 =	sne.s32 s5, $0xCCC  }
.Ltmp19:
0x14d: {  	s5 =	sadd.s32 $0x34, s5;
	(pc) =	sbr.rel @p0 .LBB2_40-.Ltmp19, $2  }
0x14e: {  	_ =	sdelay $0x2  }
0x14f: {  	s6 =	sadd.s32 $0x1A0, s6;
	s7 =	sadd.s32 s7, s21  }
0x150: {  	[hbm4b:s7+s1] =	stream.linear.scatter [tilespmem:s4], [sflag:$0x4], $0x1A0, $0x38;
	[tilespmem:$0x1A000] =	vst v63  }
0x151: {  	s10 =	simm.s32 $0x4  }
0x152: {  	s5 =	simm.s32 $0x680;
	_ =	swait.ge [sflag:s10], $0x6800  }
0x153: {  	s6 =	simm.s32 $0x13800;
	s12 =	simm.s32 $0x8880;
	[sflag:s10] =	ssyncset.done $0x0  }
0x154: {  	s13 =	simm.s32 $0x1;
	s11 =	rddreg [dreg:$0x10];
	[sflag:s10] =	ssyncadd.s32 $0xFFFF9800  }
0x155: {  	[tilespmem:s6], [sflag:$0x2] =	stream.indirect.gather [hbm4b:s11+s5], $0x10, s12, s5, $0xb8;
	[tilespmem:$0x1A000] =	vst v63  }
0x156: {  	_ =	swait.ge [sflag:s13], $0x6800  }
0x157: {  	s4 =	simm.s32 $0xD000;
	s7 =	sadd.s32 $0x0, s22;
	[sflag:s13] =	ssyncset.done $0x0  }
0x158: {  	s5 =	simm.s32 $0x34;
	s6 =	simm.s32 $0xD1A0;
	[sflag:s13] =	ssyncadd.s32 $0xFFFF9800  }
.LBB2_42:
0x159: {  	[hbm4b:s7+s1] =	stream.linear.scatter [tilespmem:s4], [sflag:$0x3], $0x1A0, $0x38;
	[tilespmem:$0x1A000] =	vst v63  }
0x15a: {  	s7 =	smov.u32 s5;
	s4 =	smov.u32 s6;
	p0 =	sne.s32 s5, $0xCCC  }
.Ltmp20:
0x15b: {  	s5 =	sadd.s32 $0x34, s5;
	(pc) =	sbr.rel @p0 .LBB2_42-.Ltmp20, $2  }
0x15c: {  	_ =	sdelay $0x2  }
0x15d: {  	s6 =	sadd.s32 $0x1A0, s6;
	s7 =	sadd.s32 s7, s22  }
0x15e: {  	[hbm4b:s7+s1] =	stream.linear.scatter [tilespmem:s4], [sflag:$0x3], $0x1A0, $0x38;
	[tilespmem:$0x1A000] =	vst v63  }
0x15f: {  	s10 =	simm.s32 $0x3  }
0x160: {  	s5 =	simm.s32 $0x680;
	_ =	swait.ge [sflag:s10], $0x6800  }
0x161: {  	s6 =	simm.s32 $0xD000;
	s12 =	simm.s32 $0x8F00;
	[sflag:s10] =	ssyncset.done $0x0  }
0x162: {  	s13 =	simm.s32 $0x2;
	s11 =	rddreg [dreg:$0x10];
	[sflag:s10] =	ssyncadd.s32 $0xFFFF9800  }
0x163: {  	[tilespmem:s6], [sflag:$0x1] =	stream.indirect.gather [hbm4b:s11+s5], $0x10, s12, s5, $0xb8;
	[tilespmem:$0x1A000] =	vst v63  }
0x164: {  	_ =	swait.ge [sflag:s13], $0x6800  }
0x165: {  	s4 =	simm.s32 $0x13800;
	s7 =	sadd.s32 $0x0, s23;
	[sflag:s13] =	ssyncset.done $0x0  }
0x166: {  	s5 =	simm.s32 $0x34;
	s6 =	simm.s32 $0x139A0;
	[sflag:s13] =	ssyncadd.s32 $0xFFFF9800  }
.LBB2_44:
0x167: {  	[hbm4b:s7+s1] =	stream.linear.scatter [tilespmem:s4], [sflag:$0x4], $0x1A0, $0x38;
	[tilespmem:$0x1A000] =	vst v63  }
0x168: {  	s7 =	smov.u32 s5;
	s4 =	smov.u32 s6;
	p0 =	sne.s32 s5, $0xCCC  }
.Ltmp21:
0x169: {  	s5 =	sadd.s32 $0x34, s5;
	(pc) =	sbr.rel @p0 .LBB2_44-.Ltmp21, $2  }
0x16a: {  	_ =	sdelay $0x2  }
0x16b: {  	s6 =	sadd.s32 $0x1A0, s6;
	s7 =	sadd.s32 s7, s23  }
0x16c: {  	[hbm4b:s7+s1] =	stream.linear.scatter [tilespmem:s4], [sflag:$0x4], $0x1A0, $0x38;
	[tilespmem:$0x1A000] =	vst v63  }
0x16d: {  	s10 =	simm.s32 $0x4  }
0x16e: {  	s5 =	simm.s32 $0x680;
	_ =	swait.ge [sflag:s10], $0x6800  }
0x16f: {  	s6 =	simm.s32 $0x13800;
	s12 =	simm.s32 $0x9580;
	[sflag:s10] =	ssyncset.done $0x0  }
0x170: {  	s13 =	simm.s32 $0x1;
	s11 =	rddreg [dreg:$0x10];
	[sflag:s10] =	ssyncadd.s32 $0xFFFF9800  }
0x171: {  	[tilespmem:s6], [sflag:$0x2] =	stream.indirect.gather [hbm4b:s11+s5], $0x10, s12, s5, $0xb8;
	[tilespmem:$0x1A000] =	vst v63  }
0x172: {  	_ =	swait.ge [sflag:s13], $0x6800  }
0x173: {  	s4 =	simm.s32 $0xD000;
	s7 =	sadd.s32 $0x0, s24;
	[sflag:s13] =	ssyncset.done $0x0  }
0x174: {  	s5 =	simm.s32 $0x34;
	s6 =	simm.s32 $0xD1A0;
	[sflag:s13] =	ssyncadd.s32 $0xFFFF9800  }
.LBB2_46:
0x175: {  	[hbm4b:s7+s1] =	stream.linear.scatter [tilespmem:s4], [sflag:$0x3], $0x1A0, $0x38;
	[tilespmem:$0x1A000] =	vst v63  }
0x176: {  	s7 =	smov.u32 s5;
	s4 =	smov.u32 s6;
	p0 =	sne.s32 s5, $0xCCC  }
.Ltmp22:
0x177: {  	s5 =	sadd.s32 $0x34, s5;
	(pc) =	sbr.rel @p0 .LBB2_46-.Ltmp22, $2  }
0x178: {  	_ =	sdelay $0x2  }
0x179: {  	s6 =	sadd.s32 $0x1A0, s6;
	s7 =	sadd.s32 s7, s24  }
0x17a: {  	[hbm4b:s7+s1] =	stream.linear.scatter [tilespmem:s4], [sflag:$0x3], $0x1A0, $0x38;
	[tilespmem:$0x1A000] =	vst v63  }
0x17b: {  	s10 =	simm.s32 $0x3  }
0x17c: {  	s5 =	simm.s32 $0x680;
	_ =	swait.ge [sflag:s10], $0x6800  }
0x17d: {  	s6 =	simm.s32 $0xD000;
	s12 =	simm.s32 $0x9C00;
	[sflag:s10] =	ssyncset.done $0x0  }
0x17e: {  	s13 =	simm.s32 $0x2;
	s11 =	rddreg [dreg:$0x10];
	[sflag:s10] =	ssyncadd.s32 $0xFFFF9800  }
0x17f: {  	[tilespmem:s6], [sflag:$0x1] =	stream.indirect.gather [hbm4b:s11+s5], $0x10, s12, s5, $0xb8;
	[tilespmem:$0x1A000] =	vst v63  }
0x180: {  	_ =	swait.ge [sflag:s13], $0x6800  }
0x181: {  	s4 =	simm.s32 $0x13800;
	s7 =	sadd.s32 $0x0, s25;
	[sflag:s13] =	ssyncset.done $0x0  }
0x182: {  	s5 =	simm.s32 $0x34;
	s6 =	simm.s32 $0x139A0;
	[sflag:s13] =	ssyncadd.s32 $0xFFFF9800  }
.LBB2_48:
0x183: {  	[hbm4b:s7+s1] =	stream.linear.scatter [tilespmem:s4], [sflag:$0x4], $0x1A0, $0x38;
	[tilespmem:$0x1A000] =	vst v63  }
0x184: {  	s7 =	smov.u32 s5;
	s4 =	smov.u32 s6;
	p0 =	sne.s32 s5, $0xCCC  }
.Ltmp23:
0x185: {  	s5 =	sadd.s32 $0x34, s5;
	(pc) =	sbr.rel @p0 .LBB2_48-.Ltmp23, $2  }
0x186: {  	_ =	sdelay $0x2  }
0x187: {  	s6 =	sadd.s32 $0x1A0, s6;
	s7 =	sadd.s32 s7, s25  }
0x188: {  	[hbm4b:s7+s1] =	stream.linear.scatter [tilespmem:s4], [sflag:$0x4], $0x1A0, $0x38;
	[tilespmem:$0x1A000] =	vst v63  }
0x189: {  	s10 =	simm.s32 $0x4  }
0x18a: {  	s5 =	simm.s32 $0x680;
	_ =	swait.ge [sflag:s10], $0x6800  }
0x18b: {  	s6 =	simm.s32 $0x13800;
	s12 =	simm.s32 $0xA280;
	[sflag:s10] =	ssyncset.done $0x0  }
0x18c: {  	s13 =	simm.s32 $0x1;
	s11 =	rddreg [dreg:$0x10];
	[sflag:s10] =	ssyncadd.s32 $0xFFFF9800  }
0x18d: {  	[tilespmem:s6], [sflag:$0x2] =	stream.indirect.gather [hbm4b:s11+s5], $0x10, s12, s5, $0xb8;
	[tilespmem:$0x1A000] =	vst v63  }
0x18e: {  	_ =	swait.ge [sflag:s13], $0x6800  }
0x18f: {  	s4 =	simm.s32 $0xD000;
	s7 =	sadd.s32 $0x0, s26;
	[sflag:s13] =	ssyncset.done $0x0  }
0x190: {  	s5 =	simm.s32 $0x34;
	s6 =	simm.s32 $0xD1A0;
	[sflag:s13] =	ssyncadd.s32 $0xFFFF9800  }
.LBB2_50:
0x191: {  	[hbm4b:s7+s1] =	stream.linear.scatter [tilespmem:s4], [sflag:$0x3], $0x1A0, $0x38;
	[tilespmem:$0x1A000] =	vst v63  }
0x192: {  	s7 =	smov.u32 s5;
	s4 =	smov.u32 s6;
	p0 =	sne.s32 s5, $0xCCC  }
.Ltmp24:
0x193: {  	s5 =	sadd.s32 $0x34, s5;
	(pc) =	sbr.rel @p0 .LBB2_50-.Ltmp24, $2  }
0x194: {  	_ =	sdelay $0x2  }
0x195: {  	s6 =	sadd.s32 $0x1A0, s6;
	s7 =	sadd.s32 s7, s26  }
0x196: {  	[hbm4b:s7+s1] =	stream.linear.scatter [tilespmem:s4], [sflag:$0x3], $0x1A0, $0x38;
	[tilespmem:$0x1A000] =	vst v63  }
0x197: {  	s10 =	simm.s32 $0x3  }
0x198: {  	s5 =	simm.s32 $0x680;
	_ =	swait.ge [sflag:s10], $0x6800  }
0x199: {  	s6 =	simm.s32 $0xD000;
	s12 =	simm.s32 $0xA900;
	[sflag:s10] =	ssyncset.done $0x0  }
0x19a: {  	s13 =	simm.s32 $0x2;
	s11 =	rddreg [dreg:$0x10];
	[sflag:s10] =	ssyncadd.s32 $0xFFFF9800  }
0x19b: {  	[tilespmem:s6], [sflag:$0x1] =	stream.indirect.gather [hbm4b:s11+s5], $0x10, s12, s5, $0xb8;
	[tilespmem:$0x1A000] =	vst v63  }
0x19c: {  	_ =	swait.ge [sflag:s13], $0x6800  }
0x19d: {  	s4 =	simm.s32 $0x13800;
	s7 =	sadd.s32 $0x0, s28;
	[sflag:s13] =	ssyncset.done $0x0  }
0x19e: {  	s5 =	simm.s32 $0x34;
	s6 =	simm.s32 $0x139A0;
	[sflag:s13] =	ssyncadd.s32 $0xFFFF9800  }
.LBB2_52:
0x19f: {  	[hbm4b:s7+s1] =	stream.linear.scatter [tilespmem:s4], [sflag:$0x4], $0x1A0, $0x38;
	[tilespmem:$0x1A000] =	vst v63  }
0x1a0: {  	s7 =	smov.u32 s5;
	s4 =	smov.u32 s6;
	p0 =	sne.s32 s5, $0xCCC  }
.Ltmp25:
0x1a1: {  	s5 =	sadd.s32 $0x34, s5;
	(pc) =	sbr.rel @p0 .LBB2_52-.Ltmp25, $2  }
0x1a2: {  	_ =	sdelay $0x2  }
0x1a3: {  	s6 =	sadd.s32 $0x1A0, s6;
	s7 =	sadd.s32 s7, s28  }
0x1a4: {  	[hbm4b:s7+s1] =	stream.linear.scatter [tilespmem:s4], [sflag:$0x4], $0x1A0, $0x38;
	[tilespmem:$0x1A000] =	vst v63  }
0x1a5: {  	s10 =	simm.s32 $0x4  }
0x1a6: {  	s5 =	simm.s32 $0x680;
	_ =	swait.ge [sflag:s10], $0x6800  }
0x1a7: {  	s6 =	simm.s32 $0x13800;
	s12 =	simm.s32 $0xAF80;
	[sflag:s10] =	ssyncset.done $0x0  }
0x1a8: {  	s13 =	simm.s32 $0x1;
	s11 =	rddreg [dreg:$0x10];
	[sflag:s10] =	ssyncadd.s32 $0xFFFF9800  }
0x1a9: {  	[tilespmem:s6], [sflag:$0x2] =	stream.indirect.gather [hbm4b:s11+s5], $0x10, s12, s5, $0xb8;
	[tilespmem:$0x1A000] =	vst v63  }
0x1aa: {  	_ =	swait.ge [sflag:s13], $0x6800  }
0x1ab: {  	s4 =	simm.s32 $0xD000;
	s7 =	sadd.s32 $0x0, s29;
	[sflag:s13] =	ssyncset.done $0x0  }
0x1ac: {  	s5 =	simm.s32 $0x34;
	s6 =	simm.s32 $0xD1A0;
	[sflag:s13] =	ssyncadd.s32 $0xFFFF9800  }
.LBB2_54:
0x1ad: {  	[hbm4b:s7+s1] =	stream.linear.scatter [tilespmem:s4], [sflag:$0x3], $0x1A0, $0x38;
	[tilespmem:$0x1A000] =	vst v63  }
0x1ae: {  	s7 =	smov.u32 s5;
	s4 =	smov.u32 s6;
	p0 =	sne.s32 s5, $0xCCC  }
.Ltmp26:
0x1af: {  	s5 =	sadd.s32 $0x34, s5;
	(pc) =	sbr.rel @p0 .LBB2_54-.Ltmp26, $2  }
0x1b0: {  	_ =	sdelay $0x2  }
0x1b1: {  	s6 =	sadd.s32 $0x1A0, s6;
	s7 =	sadd.s32 s7, s29  }
0x1b2: {  	[hbm4b:s7+s1] =	stream.linear.scatter [tilespmem:s4], [sflag:$0x3], $0x1A0, $0x38;
	[tilespmem:$0x1A000] =	vst v63  }
0x1b3: {  	s10 =	simm.s32 $0x3  }
0x1b4: {  	s5 =	simm.s32 $0x680;
	_ =	swait.ge [sflag:s10], $0x6800  }
0x1b5: {  	s6 =	simm.s32 $0xD000;
	s12 =	simm.s32 $0xB600;
	[sflag:s10] =	ssyncset.done $0x0  }
0x1b6: {  	s13 =	simm.s32 $0x2;
	s11 =	rddreg [dreg:$0x10];
	[sflag:s10] =	ssyncadd.s32 $0xFFFF9800  }
0x1b7: {  	[tilespmem:s6], [sflag:$0x1] =	stream.indirect.gather [hbm4b:s11+s5], $0x10, s12, s5, $0xb8;
	[tilespmem:$0x1A000] =	vst v63  }
0x1b8: {  	_ =	swait.ge [sflag:s13], $0x6800  }
0x1b9: {  	s4 =	simm.s32 $0x13800;
	s7 =	sadd.s32 $0x0, s30;
	[sflag:s13] =	ssyncset.done $0x0  }
0x1ba: {  	s5 =	simm.s32 $0x34;
	s6 =	simm.s32 $0x139A0;
	[sflag:s13] =	ssyncadd.s32 $0xFFFF9800  }
.LBB2_56:
0x1bb: {  	[hbm4b:s7+s1] =	stream.linear.scatter [tilespmem:s4], [sflag:$0x4], $0x1A0, $0x38;
	[tilespmem:$0x1A000] =	vst v63  }
0x1bc: {  	s7 =	smov.u32 s5;
	s4 =	smov.u32 s6;
	p0 =	sne.s32 s5, $0xCCC  }
.Ltmp27:
0x1bd: {  	s5 =	sadd.s32 $0x34, s5;
	(pc) =	sbr.rel @p0 .LBB2_56-.Ltmp27, $2  }
0x1be: {  	_ =	sdelay $0x2  }
0x1bf: {  	s6 =	sadd.s32 $0x1A0, s6;
	s7 =	sadd.s32 s7, s30  }
0x1c0: {  	[hbm4b:s7+s1] =	stream.linear.scatter [tilespmem:s4], [sflag:$0x4], $0x1A0, $0x38;
	[tilespmem:$0x1A000] =	vst v63  }
0x1c1: {  	s10 =	simm.s32 $0x4  }
0x1c2: {  	s5 =	simm.s32 $0x680;
	_ =	swait.ge [sflag:s10], $0x6800  }
0x1c3: {  	s6 =	simm.s32 $0x13800;
	s12 =	simm.s32 $0xBC80;
	[sflag:s10] =	ssyncset.done $0x0  }
0x1c4: {  	s13 =	simm.s32 $0x1;
	s11 =	rddreg [dreg:$0x10];
	[sflag:s10] =	ssyncadd.s32 $0xFFFF9800  }
0x1c5: {  	[tilespmem:s6], [sflag:$0x2] =	stream.indirect.gather [hbm4b:s11+s5], $0x10, s12, s5, $0xb8;
	[tilespmem:$0x1A000] =	vst v63  }
0x1c6: {  	_ =	swait.ge [sflag:s13], $0x6800  }
0x1c7: {  	s4 =	simm.s32 $0xD000;
	s7 =	sadd.s32 $0x0, s31;
	[sflag:s13] =	ssyncset.done $0x0  }
0x1c8: {  	s5 =	simm.s32 $0x34;
	s6 =	simm.s32 $0xD1A0;
	[sflag:s13] =	ssyncadd.s32 $0xFFFF9800  }
.LBB2_58:
0x1c9: {  	[hbm4b:s7+s1] =	stream.linear.scatter [tilespmem:s4], [sflag:$0x3], $0x1A0, $0x38;
	[tilespmem:$0x1A000] =	vst v63  }
0x1ca: {  	s7 =	smov.u32 s5;
	s4 =	smov.u32 s6;
	p0 =	sne.s32 s5, $0xCCC  }
.Ltmp28:
0x1cb: {  	s5 =	sadd.s32 $0x34, s5;
	(pc) =	sbr.rel @p0 .LBB2_58-.Ltmp28, $2  }
0x1cc: {  	_ =	sdelay $0x2  }
0x1cd: {  	s6 =	sadd.s32 $0x1A0, s6;
	s7 =	sadd.s32 s7, s31  }
0x1ce: {  	[hbm4b:s7+s1] =	stream.linear.scatter [tilespmem:s4], [sflag:$0x3], $0x1A0, $0x38;
	[tilespmem:$0x1A000] =	vst v63  }
0x1cf: {  	s10 =	simm.s32 $0x3  }
0x1d0: {  	s5 =	simm.s32 $0x680;
	_ =	swait.ge [sflag:s10], $0x6800  }
0x1d1: {  	s6 =	simm.s32 $0xD000;
	s12 =	simm.s32 $0xC300;
	[sflag:s10] =	ssyncset.done $0x0  }
0x1d2: {  	s13 =	simm.s32 $0x2;
	s11 =	rddreg [dreg:$0x10];
	[sflag:s10] =	ssyncadd.s32 $0xFFFF9800  }
0x1d3: {  	[tilespmem:s6], [sflag:$0x1] =	stream.indirect.gather [hbm4b:s11+s5], $0x10, s12, s5, $0xb8;
	[tilespmem:$0x1A000] =	vst v63  }
0x1d4: {  	_ =	swait.ge [sflag:s13], $0x6800  }
0x1d5: {  	s4 =	simm.s32 $0x13800;
	s7 =	sadd.s32 $0x0, s0;
	[sflag:s13] =	ssyncset.done $0x0  }
0x1d6: {  	s5 =	simm.s32 $0x34;
	s6 =	simm.s32 $0x139A0;
	[sflag:s13] =	ssyncadd.s32 $0xFFFF9800  }
.LBB2_60:
0x1d7: {  	[hbm4b:s7+s1] =	stream.linear.scatter [tilespmem:s4], [sflag:$0x4], $0x1A0, $0x38;
	[tilespmem:$0x1A000] =	vst v63  }
0x1d8: {  	s7 =	smov.u32 s5;
	s4 =	smov.u32 s6;
	p0 =	sne.s32 s5, $0xCCC  }
.Ltmp29:
0x1d9: {  	s5 =	sadd.s32 $0x34, s5;
	(pc) =	sbr.rel @p0 .LBB2_60-.Ltmp29, $2  }
0x1da: {  	_ =	sdelay $0x2  }
0x1db: {  	s6 =	sadd.s32 $0x1A0, s6;
	s7 =	sadd.s32 s7, s0  }
0x1dc: {  	[hbm4b:s7+s1] =	stream.linear.scatter [tilespmem:s4], [sflag:$0x4], $0x1A0, $0x38;
	[tilespmem:$0x1A000] =	vst v63  }
0x1dd: {  	s10 =	simm.s32 $0x4  }
0x1de: {  	s5 =	simm.s32 $0x680;
	_ =	swait.ge [sflag:s10], $0x6800  }
0x1df: {  	s6 =	simm.s32 $0x13800;
	s12 =	simm.s32 $0xC980;
	[sflag:s10] =	ssyncset.done $0x0  }
0x1e0: {  	s13 =	simm.s32 $0x1;
	s11 =	rddreg [dreg:$0x10];
	[sflag:s10] =	ssyncadd.s32 $0xFFFF9800  }
0x1e1: {  	[tilespmem:s6], [sflag:$0x2] =	stream.indirect.gather [hbm4b:s11+s5], $0x10, s12, s5, $0xb8;
	[tilespmem:$0x1A000] =	vst v63  }
0x1e2: {  	_ =	swait.ge [sflag:s13], $0x6800  }
0x1e3: {  	s4 =	simm.s32 $0xD000;
	s7 =	sadd.s32 $0x0, s2;
	[sflag:s13] =	ssyncset.done $0x0  }
0x1e4: {  	s5 =	simm.s32 $0x34;
	s6 =	simm.s32 $0xD1A0;
	[sflag:s13] =	ssyncadd.s32 $0xFFFF9800  }
.LBB2_62:
0x1e5: {  	[hbm4b:s7+s1] =	stream.linear.scatter [tilespmem:s4], [sflag:$0x3], $0x1A0, $0x38;
	[tilespmem:$0x1A000] =	vst v63  }
0x1e6: {  	s7 =	smov.u32 s5;
	s4 =	smov.u32 s6;
	p0 =	sne.s32 s5, $0xCCC  }
.Ltmp30:
0x1e7: {  	s5 =	sadd.s32 $0x34, s5;
	(pc) =	sbr.rel @p0 .LBB2_62-.Ltmp30, $2  }
0x1e8: {  	_ =	sdelay $0x2  }
0x1e9: {  	s6 =	sadd.s32 $0x1A0, s6;
	s7 =	sadd.s32 s7, s2  }
0x1ea: {  	[hbm4b:s7+s1] =	stream.linear.scatter [tilespmem:s4], [sflag:$0x3], $0x1A0, $0x38;
	[tilespmem:$0x1A000] =	vst v63  }
0x1eb: {  	s13 =	simm.s32 $0x2  }
0x1ec: {  	_ =	swait.ge [sflag:s13], $0x6800  }
0x1ed: {  	s4 =	simm.s32 $0x13800;
	s5 =	simm.s32 $0x34;
	[sflag:s13] =	ssyncset.done $0x0  }
0x1ee: {  	s7 =	sadd.s32 $0x0, s3;
	s6 =	simm.s32 $0x139A0;
	[sflag:s13] =	ssyncadd.s32 $0xFFFF9800  }
.LBB2_64:
0x1ef: {  	[hbm4b:s7+s1] =	stream.linear.scatter [tilespmem:s4], [sflag:$0x4], $0x1A0, $0x38;
	[tilespmem:$0x1A000] =	vst v63  }
0x1f0: {  	s7 =	smov.u32 s5;
	s4 =	smov.u32 s6;
	p0 =	sne.s32 s5, $0xCCC  }
.Ltmp31:
0x1f1: {  	s5 =	sadd.s32 $0x34, s5;
	(pc) =	sbr.rel @p0 .LBB2_64-.Ltmp31, $2  }
0x1f2: {  	_ =	sdelay $0x2  }
0x1f3: {  	s6 =	sadd.s32 $0x1A0, s6;
	s7 =	sadd.s32 s7, s3  }
0x1f4: {  	[hbm4b:s7+s1] =	stream.linear.scatter [tilespmem:s4], [sflag:$0x4], $0x1A0, $0x38;
	[tilespmem:$0x1A000] =	vst v63  }
0x1f5: {  	s11 =	simm.s32 $0x3  }
0x1f6: {  	_ =	swait.ge [sflag:s11], $0x6800  }
0x1f7: {  	[sflag:s11] =	ssyncset.done $0x0  }
0x1f8: {  	s5 =	simm.s32 $0x4;
	[sflag:s11] =	ssyncadd.s32 $0xFFFF9800  }
0x1f9: {  	_ =	swait.ge [sflag:s5], $0x6800  }
0x1fa: {  	s12 =	rddreg [dreg:$0x12]  }
0x1fb: {  	s13 =	rddreg [dreg:$0x11];
	s7 =	sadd.s32 $0x1, s12  }
0x1fc: {  	p0 =	sne.s32 s7, s13  }
.Ltmp32:
0x1fd: {  	_ = 	snop;
	(pc) =	sbr.rel @p0 .LBB2_1-.Ltmp32, $3  }
0x1fe: {  	_ =	sdelay $0x1  }
0x1ff: {  	[sflag:s5] =	ssyncset.done $0x0  }
0x200: {  	s6 =	rddreg [dreg:$0x3];
	[sflag:s5] =	ssyncadd.s32 $0xFFFF9800  }
0x201: {  	_ =	sfence.sel $0x180000  }
0x202: {  	[bflag:$0x0] =	sbarrier.arrive $0xFFFF  }
0x203: {  	_ =	strace $0x90000047  }
0x204: {  	s0 =	stileid.u32;
	[bflag:$0x2] =	sbarrier.arrive $0xFFFF  }
0x205: {  	p0 =	sne.s32 s0, $0x0;
	s0 =	rddreg [dreg:$0x2]  }
0x206: {  	s0 =	sadd.s32 @!p0 $0x100000, s0  }
0x207: {  	[sflag:s0] =	ssyncadd.tile.s32 @!p0 $0x1;
	_ =	shalt  }
.Lfunc_end2:
_tile_overlayer_lowered:
.L_overlay_start_2:
0x208: {  	(tag) =	ssettag $0x2  }
0x209: {  	s0 =	rddreg [dreg:$0x0];
	s2 =	stileid.u32  }
0x20a: {  	s1 =	rddreg [dreg:$0x1];
	p0 =	sne.s32 s2, $0x0  }
0x20b: {  	s3 =	rddreg [dreg:$0x2];
	[bflag:$0x3] =	sbarrier.arrive $0xFFFF;
	s2 =	simm.s32 @!p0 $0x1C05  }
0x20c: {  	[timem:s3], [sflag:s2] =	dma.local @!p0 [hbm:s0], s1  }
0x20d: {  	s0 =	simm.s32 @!p0 $0x5  }
0x20e: {  	_ =	swait.ge @!p0 [sflag:s0], s1  }
0x20f: {  	s1 =	ssub.s32 @!p0 $0x0, s1;
	[sflag:s0] =	ssyncset.done @!p0 $0x0  }
0x210: {  	[sflag:s0] =	ssyncadd.s32 @!p0 s1  }
0x211: {  	[bflag:$0x3] =	sbarrier.arrive $0xFFFF  }
0x212: {  	_ =	shalt  }

// kernel: sparse-core-data-format-call.cloned.1.call-start
scs
called_computation_lowered:
.L_overlay_start_0:
0x0: {  	s2 =	sld [smem:$0x3FD9]  }
0x1: {  	s3 =	sld [smem:$0x3FFE];
	_ =	sdelay $0x1  }
0x2: {  	s1 =	srdreg.scid  }
0x3: {  	s0 =	sand.u32 $0x1, s1  }
0x4: {  	s18 =	sshll.u32 s0, $0xA;
	s2 =	sadd.s32 s3, s2  }
0x5: {  	s2 =	sadd.s32 s2, s18  }
0x6: {  	[smem:$0x3FC6] =	sst s2  }
0x7: {  	_ = 	snop  }
0x8: {  	s2 =	sld [smem:$0x3FD0];
	(tm) =	ssettm $0x1  }
0x9: {  	s19 =	sld [smem:$0x3FFB];
	_ =	sdelay $0x3  }
0xa: {  	_ =	strace s19  }
0xb: {  	s3 =	sld [smem:$0x3FFC];
	_ =	sdelay $0x3  }
0xc: {  	_ =	strace s3  }
0xd: {  	s3 =	sld [smem:$0x3FFD];
	_ =	sdelay $0x3  }
0xe: {  	_ =	strace s3  }
0xf: {  	_ =	strace $0x8FFFFFFF  }
0x10: {  	s20 =	sld [smem:$0x3FDB];
	_ =	sdelay $0x1  }
0x11: {  	s4 =	simm.s32 $_scs_section_size  }
0x12: {  	s5 =	simm.s32 $_size__tile_overlayer_lowered;
	s6 =	simm.s32 $_tile_overlayer_lowered  }
0x13: {  	s23 =	simm.s32 $0x1BFF;
	s22 =	sshll.u32 s6, $0x1;
	s3 =	sadd.s32 s4, s20  }
0x14: {  	s7 =	simm.s32 $0x0;
	s21 =	sshll.u32 s5, $0x1;
	s5 =	sadd.s32 s22, s3  }
0x15: {  	[timem:s7], [sflag:s23] =	dma.local [hbm:s5], s21  }
0x16: {  	_ =	swait.ge [sflag:s23], s21  }
0x17: {  	s4 =	ssub.s32 $0x0, s21;
	[sflag:s23] =	ssyncset.done $0x0  }
0x18: {  	[sflag:s23] =	ssyncadd.s32 s4;
	_ =	sdelay $0x1  }
0x19: {  	s24 =	simm.s32 $0x1B8B  }
0x1a: {  	_ =	swait.ge [sflag:s24], $0x1  }
0x1b: {  	[sflag:s24] =	ssyncset.done $0x0  }
0x1c: {  	s26 =	simm.s32 $0x1B8E;
	s25 =	sld [smem:$0x3FFE];
	[sflag:s24] =	ssyncadd.s32 $0xFFFFFFFF  }
0x1d: {  	s27 =	simm.s32 $execute0_lowered;
	[smem:$0x3FD2] =	sst s26  }
0x1e: {  	s5 =	sshll.u32 s27, $0x1;
	_ =	strace $0x80000049;
	[dreg:$0x1] =	wrdreg $0xFFFFFFFF  }
0x1f: {  	s28 =	simm.s32 $_size_execute0_lowered;
	s3 =	sadd.s32 s3, s5;
	[dreg:$0x0] =	wrdreg $0x0  }
0x20: {  	s5 =	sshll.u32 s28, $0x1;
	[dreg:$0x2] =	wrdreg s3  }
0x21: {  	[dreg:$0x3] =	wrdreg s5  }
0x22: {  	[dreg:$0x4] =	wrdreg $0xC0  }
0x23: {  	_ =	task [dreg:s7], $0x5FFFF  }
0x24: {  	[dreg:$0x1] =	wrdreg $0xFFFFFFFF  }
0x25: {  	[dreg:$0x0] =	wrdreg $0x60  }
0x26: {  	[dreg:$0x2] =	wrdreg s25  }
0x27: {  	[dreg:$0x3] =	wrdreg s2  }
0x28: {  	[dreg:$0x4] =	wrdreg $0x9  }
0x29: {  	_ =	task.clear_ibuf [dreg:s7], $0x5FFFF;
	_ =	strace $0x90000049  }
0x2a: {  	s29 =	simm.s32 $0x9;
	_ =	strace $0x8000004B  }
0x2b: {  	_ =	swait.ge [sflag:s29], $0x1  }
0x2c: {  	[sflag:s29] =	ssyncadd.s32 $0xFFFFFFFF  }
0x2d: {  	_ =	strace $0x9000004B  }
0x2e: {  	_ =	sfence  }
0x2f: {  	s30 =	sld [smem:$0x0];
	_ =	sdelay $0x2  }
0x30: {  	s31 =	sshll.u32 s1, $0xD;
	s1 =	sshrl.u32 s1, $0x2  }
0x31: {  	s3 =	sand.u32 $0x4000, s31;
	s1 =	sadd.s32 s1, s30  }
0x32: {  	s0 =	sor.u32 s3, s0;
	s1 =	sshll.u32 s1, $0x11  }
0x33: {  	s0 =	sor.u32 s1, s0  }
0x34: {  	s0 =	sadd.s32 $0x8F2B, s0  }
0x35: {  	[sflag:s0] =	ssyncadd.remote.s32 $0x1  }
0x36: {  	_ =	sfence.sel $0xFFFF  }
0x37: {  	[dreg:$0x0] =	wrdreg $0xFFFFFFFF;
	(pc) =	sbr.abs _section_cstart, $3  }
0x38: {  	[dreg:$0x1] =	wrdreg $0xFFFFFFFF  }
0x39: {  	_ =	task.clear_ibuf [dreg:s7], $0x2FFFF;
	_ =	strace $0x9FFFFFFF  }
0x3a: {  	(tm) =	ssettm $0x7FFFFFFF  }
0x3b: {  	_ =	shalt  }
tec
execute0_lowered:
.L_overlay_start_1:
0x0: {  	(tag) =	ssettag $0x1  }
0x1: {  	s0 =	stileid.u32;
	s1 =	srdreg.scid  }
0x2: {  	s5 =	rddreg [dreg:$0x0];
	s2 =	sshll.u32 s0, $0x5;
	s1 =	sshll.u32 s1, $0x9  }
0x3: {  	s3 =	rddreg [dreg:$0x1];
	s6 =	simm.s32 $0x1;
	s1 =	sor.u32 s2, s1  }
0x4: {  	s8 =	simm.s32 $0x2;
	s14 =	simm.s32 $0x0;
	s2 =	sand.u32 $0x380, s1  }
0x5: {  	s9 =	simm.s32 $0x20000;
	s15 =	simm.s32 $0x0;
	s4 =	ssub.s32 $0x4000, s2  }
0x6: {  	s16 =	simm.s32 $0x0;
	s10 =	simm.s32 $0x0;
	s31 =	sand.u32 $0x380, s4  }
0x7: {  	s13 =	simm.s32 $0x0;
	s7 =	sand.u32 $0x3, s0;
	p0 =	sne.s32 s31, $0x0  }
.Ltmp0:
0x8: {  	s4 =	sshrl.u32 s4, $0xA;
	s6 =	simm.s32 @!p0 $0x0;
	(pc) =	sbr.rel .LBB1_1-.Ltmp0, $4  }
0x9: {  	s1 =	rddreg [dreg:$0x2];
	_ =	strace $0x8000004A;
	s6 =	sadd.s32 s6, s4  }
0xa: {  	s4 =	sadd.s32 $0xA00, s5;
	s5 =	simm.s32 $0x1;
	s6 =	smul.u32 $0x1A, s6  }
0xb: {  	s12 =	smov.u32 s7;
	s11 =	smov.u32 s2;
	[sflag:s5] =	ssyncpa.u1 $0x0  }
0xc: {  	p0 =	por $0x0, $0x0;
	[sflag:s8] =	ssyncpa.u1 $0x0;
	s8 =	sor.u32 $0x1, s6  }
.LBB1_4:
0xd: {  	s16 =	smul.u32 $0xD0000, s16  }
0xe: {  	s19 =	sshll.u32 s15, $0x3;
	s20 =	sand.u32 $0x78, s15;
	s30 =	sand.u32 $0x7800, s15  }
0xf: {  	s14 =	sshll.u32 s14, $0xF;
	s19 =	sand.u32 $0x3C00, s19;
	s16 =	sadd.s32 s3, s16  }
0x10: {  	s31 =	sand.u32 $0x7, s15;
	s19 =	sor.u32 s20, s19;
	s16 =	sadd.s32 s30, s16  }
0x11: {  	s15 =	sshll.u32 s31, $0x12;
	s19 =	sshrl.u32 s19, $0x3;
	s14 =	sadd.s32 s14, s16  }
0x12: {  	[tilespmem:s18+$0x0 ss:$0x81] =	vst.msk $0xffff, v0;
	s15 =	sor.u32 $0x400, s15;
	s14 =	sadd.s32 s19, s14  }
0x13: {  	[hbm4b:s14+s15] =	stream.strided.scatter [tilespmem:s17], [sflag:$0x2], $0x800, s9, s15, $0x20;
	[tilespmem:$0x2020] =	vst v63  }
.LBB1_5:
0x14: {  	s17 =	sadd.s32 $0x1, s10  }
0x15: {  	s14 =	sadd.s32 $0x400, s11;
	s18 =	smov.u32 s11;
	p2 =	sgt.s32 s17, $0x19  }
0x16: {  	s18 =	smov.u32 @p2 s14  }
0x17: {  	s20 =	smov.u32 s12;
	s14 =	sadd.s32 $0x4, s12;
	p3 =	sgt.s32 s18, $0x3FFF  }
0x18: {  	s20 =	smov.u32 @p3 s14  }
0x19: {  	s17 =	simm.s32 @p2 $0x0;
	p2 =	sgt.s32 s20, $0x3  }
0x1a: {  	p1 =	slt.u32 s13, $0x2;
	s20 =	smov.u32 @p2 s7;
	p2 =	sne.s32 s13, s8  }
.Ltmp1:
0x1b: {  	s19 =	simm.s32 @!p1 $0x2;
	(pc) =	sbr.rel @!p2 .LBB1_6-.Ltmp1, $4  }
0x1c: {  	s15 =	smov.u32 s11;
	s16 =	smov.u32 s12;
	_ =	swait.ge @!p1 [sflag:s19], $0x800  }
0x1d: {  	p0 =	por !p0, !p0;
	[sflag:s19] =	ssyncset.done @!p1 $0x0;
	s18 =	smov.u32 @p3 s2  }
0x1e: {  	s14 =	smov.u32 s10;
	[sflag:s19] =	ssyncadd.s32 @!p1 $0xFFFFF800;
	s10 =	smov.u32 s17  }
0x1f: {  	s11 =	smov.u32 s18;
	s13 =	sadd.s32 $0x1, s13;
	s12 =	smov.u32 s20  }
.LBB1_1:
0x20: {  	p1 =	sge.u32 s13, s6;
	s31 =	sadd.s32 $0xFFFFFFFF, s13  }
0x21: {  	s17 =	sxor.u32 @!p1 $0xFFFFFFFF, s13;
	s18 =	sshll.u32 @!p1 s12, $0x17;
	s19 =	sshll.u32 @!p1 s11, $0x9  }
0x22: {  	s20 =	sshll.u32 @!p1 s10, $0x4;
	s17 =	sshll.u32 @!p1 s17, $0xB;
	s18 =	sadd.s32 @!p1 s4, s18  }
0x23: {  	s20 =	sand.u32 @!p1 $0x1F0, s20;
	s17 =	sand.u32 @!p1 $0x800, s17;
	s18 =	sadd.s32 @!p1 s19, s18  }
0x24: {  	s19 =	simm.s32 @!p1 $0x10;
	s18 =	sadd.s32 @!p1 s20, s18;
	s20 =	simm.s32 @!p1 $0x1000  }
0x25: {  	[tilespmem:s17], [sflag:$0x1] =	stream.strided.gather @!p1 [hbm4b:s18+s19], $0x800, s20, s19, $0x38;
	[tilespmem:$0x2020] =	vst v63  }
0x26: {  	p1 =	sge.u32 s31, s6  }
.Ltmp2:
0x27: {  	_ = 	snop;
	(pc) =	sbr.rel @p1 .LBB1_5-.Ltmp2, $1  }
0x28: {  	_ =	sdelay $0x3  }
0x29: {  	s17 =	simm.s32 $0x1  }
0x2a: {  	s17 =	simm.s32 @!p0 $0x0  }
0x2b: {  	s18 =	sshll.u32 s17, $0xB  }
0x2c: {  	v1 =	vmov s18;
	_ =	sdelay $0x1  }
0x2d: {  	_ =	swait.ge [sflag:s5], $0x800  }
0x2e: {  	s31 =	sand.u32 $0x1, s13;
	[sflag:s5] =	ssyncset.done $0x0  }
0x2f: {  	s20 =	simm.s32 $0x0;
	s17 =	smul.u32 $0x2040, s17;
	[sflag:s5] =	ssyncadd.s32 $0xFFFFF800  }
0x30: {  	s18 =	smul.u32 $0x2040, s31;
	v0 =	vld.idx.msk [tilespmem:v1+s20+$0x0 ss:$0x1], $0xffff;
	_ =	sdelay $0x1  }
0x31: {  	s17 =	sshrl.u32 s17, $0x2;
	s19 =	sshrl.u32 s18, $0x2  }
0x32: {  	s18 =	sor.u32 $0x1000, s17;
	s17 =	sor.u32 $0x1000, s19;
	s19 =	simm.s32 $0x40  }
.LBB1_3:
0x33: {  	s20 =	sshra.s32 s19, $0x2;
	p1 =	sne.s32 s19, $0x1FC0;
	s19 =	sadd.s32 $0x40, s19  }
.Ltmp3:
0x34: {  	[tilespmem:s18+$0x0 ss:$0x81] =	vst.msk $0xffff, v0;
	v0 =	vld.idx.msk [tilespmem:v1+s20+$0x0 ss:$0x1], $0xffff;
	(pc) =	sbr.rel @p1 .LBB1_3-.Ltmp3, $2  }
0x35: {  	_ =	sdelay $0x2  }
0x36: {  	s18 =	sadd.s32 $0x1, s18  }
.Ltmp4:
0x37: {  	_ = 	snop;
	(pc) =	sbr.rel .LBB1_4-.Ltmp4, $1  }
0x38: {  	_ =	sdelay $0x3  }
.LBB1_6:
0x39: {  	_ =	sfence.sel $0x180000  }
0x3a: {  	s2 =	simm.s32 $0x1;
	[bflag:$0x0] =	sbarrier.arrive $0xFFFF  }
0x3b: {  	s31 =	simm.s32 $0x2;
	[sflag:s2] =	ssyncpa.u1 $0x1  }
0x3c: {  	[sflag:s31] =	ssyncpa.u1 $0x1  }
0x3d: {  	p0 =	sne.s32 s0, $0x0;
	_ =	strace $0x9000004A  }
0x3e: {  	s0 =	sadd.s32 @!p0 $0x100000, s1;
	[bflag:$0x2] =	sbarrier.arrive $0xFFFF  }
0x3f: {  	[sflag:s0] =	ssyncadd.tile.s32 @!p0 $0x1;
	_ =	shalt  }
.Lfunc_end1:
_tile_overlayer_lowered:
.L_overlay_start_2:
0x40: {  	(tag) =	ssettag $0x2  }
0x41: {  	s0 =	rddreg [dreg:$0x0];
	s2 =	stileid.u32  }
0x42: {  	s1 =	rddreg [dreg:$0x1];
	p0 =	sne.s32 s2, $0x0  }
0x43: {  	s3 =	rddreg [dreg:$0x2];
	[bflag:$0x3] =	sbarrier.arrive $0xFFFF;
	s2 =	simm.s32 @!p0 $0x1C01  }
0x44: {  	[timem:s3], [sflag:s2] =	dma.local @!p0 [hbm:s0], s1  }
0x45: {  	s0 =	simm.s32 @!p0 $0x1  }
0x46: {  	_ =	swait.ge @!p0 [sflag:s0], s1  }
0x47: {  	s1 =	ssub.s32 @!p0 $0x0, s1;
	[sflag:s0] =	ssyncset.done @!p0 $0x0  }
0x48: {  	[sflag:s0] =	ssyncadd.s32 @!p0 s1  }
0x49: {  	[bflag:$0x3] =	sbarrier.arrive $0xFFFF  }
0x4a: {  	_ =	shalt  }

</sc_bundles>
